<compile_context>
chip_gen: v7x
topology: tpu7x:2x2x1
jax: 0.10.2.dev20260603
libtpu: 0.0.44.dev20260713+nightly
codegen_flags: <defaults>
</compile_context>

<pallas_src>
import jax
import jax.numpy as jnp
import numpy as np
from jax import lax
from jax.experimental import pallas as pl
from jax.experimental.pallas import tpu as pltpu
from jax.experimental.pallas import tpu_sc as plsc

N, E, D = 10000, 320000, 128
NPAD = 10240
EPAD = 327680
B = 64
SB = 40
NBUF = 4
NBLK_C = EPAD // 16 // B
NSB = NBLK_C // SB
BA = 128
NBLK_A = EPAD // 32 // BA
CHUNK_C = NBLK_C * B
CHUNK_A = EPAD // 32
ROWS_T = NPAD // 16



def _deg_body(tidx_hbm, ew_hbm, degp_hbm, tidx_v, ew_v, zbuf_v, deg_s):
    c = lax.axis_index("c")
    s = lax.axis_index("s")
    w = c * 16 + s
    pltpu.sync_copy(tidx_hbm.at[w], tidx_v)
    pltpu.sync_copy(ew_hbm.at[w], ew_v)

    @pl.loop(0, 8)
    def _(k):
        zbuf_v[pl.ds(k * 16, 16)] = jnp.zeros((16,), jnp.float32)

    @pl.loop(0, ROWS_T // BA)
    def _(r):
        pltpu.sync_copy(zbuf_v, deg_s.at[pl.ds(s * ROWS_T + r * BA, BA)])

    plsc.subcore_barrier()

    @pl.loop(0, NBLK_A)
    def _(j):
        pltpu.sync_copy(ew_v.at[j], deg_s.at[tidx_v.at[j]], add=True)

    plsc.subcore_barrier()
    pltpu.sync_copy(deg_s.at[pl.ds(s * ROWS_T, ROWS_T)],
                    degp_hbm.at[c, pl.ds(s * ROWS_T, ROWS_T)])


_deg_call = pl.kernel(
    _deg_body,
    out_type=jax.ShapeDtypeStruct((2, NPAD), jnp.float32),
    mesh=plsc.VectorSubcoreMesh(core_axis_name="c", subcore_axis_name="s"),
    compiler_params=pltpu.CompilerParams(needs_layout_passes=False),
    scratch_types=[
        pltpu.VMEM((NBLK_A, BA), jnp.int32),
        pltpu.VMEM((NBLK_A, BA), jnp.float32),
        pltpu.VMEM((BA,), jnp.float32),
        pltpu.VMEM_SHARED((NPAD,), jnp.float32),
    ],
)



def _coef_body(sidx_hbm, ew_hbm, dinv_hbm, c1_hbm, sidx_v, ew_v, dinv_v, c1_v):
    c = lax.axis_index("c")
    s = lax.axis_index("s")
    w = c * 16 + s
    pltpu.sync_copy(sidx_hbm.at[w], sidx_v)
    pltpu.sync_copy(ew_hbm.at[w], ew_v)
    pltpu.sync_copy(dinv_hbm, dinv_v)

    @pl.loop(0, CHUNK_A // 16)
    def _(i):
        sl = pl.ds(i * 16, 16)
        dv = plsc.load_gather(dinv_v, [sidx_v[sl]])
        c1_v[sl] = dv * ew_v[sl]

    pltpu.sync_copy(c1_v, c1_hbm.at[w])


_coef_call = pl.kernel(
    _coef_body,
    out_type=jax.ShapeDtypeStruct((32, CHUNK_A), jnp.float32),
    mesh=plsc.VectorSubcoreMesh(core_axis_name="c", subcore_axis_name="s"),
    compiler_params=pltpu.CompilerParams(needs_layout_passes=False),
    scratch_types=[
        pltpu.VMEM((CHUNK_A,), jnp.int32),
        pltpu.VMEM((CHUNK_A,), jnp.float32),
        pltpu.VMEM((NPAD,), jnp.float32),
        pltpu.VMEM((CHUNK_A,), jnp.float32),
    ],
)



_HI = np.uint32(0xFFFF0000)


def _spmm_body(sidx_hbm, tidx_hbm, coef_hbm, x_hbm, z_hbm,
               sidx_v, tidx_v, coef_v, rows_v, sc_v, acc_s, gsems, scsems):
    c = lax.axis_index("c")
    s = lax.axis_index("s")

    z0 = sc_v[0]

    @pl.loop(0, B)
    def _(i):
        for k in range(8):
            z0[i, pl.ds(k * 16, 16)] = jnp.zeros((16,), jnp.float32)

    @pl.loop(0, ROWS_T // B)
    def _(r):
        pltpu.sync_copy(z0, acc_s.at[pl.ds(s * ROWS_T + r * B, B)])

    plsc.subcore_barrier()

    def gather_src(j):
        return x_hbm.at[sidx_v.at[pl.ds(j * B, B)]]

    def scatter_dst(tp, j):
        return acc_s.at[tidx_v.at[tp, j]]

    def drain_scatter(u, tp, j):
        pltpu.make_async_copy(sc_v[u], scatter_dst(tp, j), scsems[u]).wait()

    @pl.loop(0, NSB // 2)
    def _(th):
        for tp in range(2):
            t = th * 2 + tp
            pltpu.sync_copy(sidx_hbm.at[s, pl.ds(t * SB * B, SB * B)], sidx_v)
            pltpu.sync_copy(tidx_hbm.at[s, pl.ds(t * SB, SB)],
                            tidx_v.at[tp])
            pltpu.sync_copy(coef_hbm.at[c, s, pl.ds(t * SB * B, SB * B)],
                            coef_v)

            for g in range(NBUF - 1):
                pltpu.async_copy(gather_src(g), rows_v[g], gsems[g])

            @pl.loop(0, SB // NBUF)
            def _(q):
                for b in range(NBUF):
                    j = q * NBUF + b
                    u = b
                    up = (b + NBUF - 1) % NBUF
                    v = b % 2

                    @pl.when(j + NBUF - 1 < SB)
                    def _():
                        pltpu.async_copy(gather_src(j + NBUF - 1), rows_v[up],
                                         gsems[up])

                    @pl.when((t > 0) | (j > 1))
                    def _():
                        drain_scatter(v, tp, j)

                    pltpu.make_async_copy(gather_src(j), rows_v[u],
                                          gsems[u]).wait()

                    rb, sb = rows_v[u], sc_v[v]

                    @pl.loop(0, B)
                    def _(i):
                        cf = plsc.load_gather(
                            coef_v, [jnp.full((16,), j * B + i, jnp.int32)])
                        for k in range(4):
                            u32 = plsc.bitcast(rb[i, pl.ds(16 * k, 16)],
                                               jnp.uint32)
                            lo = plsc.bitcast(u32 << 16, jnp.float32)
                            hi = plsc.bitcast(u32 & _HI, jnp.float32)
                            sb[i, pl.ds(32 * k, 16)] = lo * cf
                            sb[i, pl.ds(32 * k + 16, 16)] = hi * cf

                    pltpu.async_copy(sb, scatter_dst(tp, j), scsems[v],
                                     add=True)

    for v in range(2):
        drain_scatter(v, (NSB - 1) % 2, 0)
    plsc.subcore_barrier()
    pltpu.sync_copy(acc_s.at[pl.ds(s * ROWS_T, ROWS_T)],
                    z_hbm.at[c, pl.ds(s * ROWS_T, ROWS_T)])


def _spmm_wrap(sidx_hbm, tidx_hbm, coef_hbm, x_hbm, z_hbm,
               sidx_v, tidx_v, coef_v, r0, r1, r2, r3, sc0, sc1, acc_s,
               g0, g1, g2, g3, s0, s1):
    _spmm_body(sidx_hbm, tidx_hbm, coef_hbm, x_hbm, z_hbm,
               sidx_v, tidx_v, coef_v, (r0, r1, r2, r3), (sc0, sc1), acc_s,
               (g0, g1, g2, g3), (s0, s1))


_spmm_call = pl.kernel(
    _spmm_wrap,
    out_type=jax.ShapeDtypeStruct((2, NPAD, D), jnp.float32),
    mesh=plsc.VectorSubcoreMesh(core_axis_name="c", subcore_axis_name="s"),
    compiler_params=pltpu.CompilerParams(needs_layout_passes=False,
                                         use_tc_tiling_on_sc=False),
    scratch_types=(
        [pltpu.VMEM((SB * B,), jnp.int32),
         pltpu.VMEM((2, SB, B), jnp.int32),
         pltpu.VMEM((SB * B,), jnp.float32)]
        + [pltpu.VMEM((B, D // 2), jnp.int32)] * NBUF
        + [pltpu.VMEM((B, D), jnp.float32)] * 2
        + [pltpu.VMEM_SHARED((NPAD, D), jnp.float32)]
        + [pltpu.SemaphoreType.DMA] * (NBUF + 2)
    ),
)

_FPERM = tuple(32 * k + (2 * (i - 16) + 1 if i >= 16 else 2 * i)
               for k in range(4) for i in range(32))



def _mid_body(degp, wgcn, wihf, bihf, bhhf, wihb, bihb, bhhb, wcom, wfuse,
              dinv_o, dinv2_o, rdeg_o, w1_o, w2_o):
    deg = degp[0, :] + degp[1, :] + 1.0
    dinv = jnp.where(deg > 0, lax.rsqrt(deg), 0.0)
    dinv_o[...] = dinv
    dinv2_o[...] = dinv * dinv
    rdeg_o[...] = 1.0 / jnp.maximum(deg, 1.0)

    wg = wgcn[...]

    def lstm(wih, bih, bhh):
        g = lax.dot_general(wg, wih[...], (((1,), (1,)), ((), ())),
                            preferred_element_type=jnp.float32)
        g = g + bih[...] + bhh[...]
        i, f, gg, o = g[:, 0:D], g[:, D:2 * D], g[:, 2 * D:3 * D], g[:, 3 * D:4 * D]
        cst = jax.nn.sigmoid(i) * jnp.tanh(gg)
        return jax.nn.sigmoid(o) * jnp.tanh(cst)

    w_ev = jnp.maximum(lstm(wihf, bihf, bhhf), lstm(wihb, bihb, bhhb))
    w1_o[...] = lax.dot_general(w_ev, wfuse[...], (((1,), (1,)), ((), ())),
                                preferred_element_type=jnp.float32)
    w2_o[...] = lax.dot_general(wcom[...], wfuse[...], (((1,), (1,)), ((), ())),
                                preferred_element_type=jnp.float32)


def _mid_call(degp, wgcn, wihf, bihf, bhhf, wihb, bihb, bhhb, wcom, wfuse):
    return pl.pallas_call(
        _mid_body,
        out_shape=[
            jax.ShapeDtypeStruct((NPAD,), jnp.float32),
            jax.ShapeDtypeStruct((NPAD,), jnp.float32),
            jax.ShapeDtypeStruct((NPAD,), jnp.float32),
            jax.ShapeDtypeStruct((D, D), jnp.float32),
            jax.ShapeDtypeStruct((D, D), jnp.float32),
        ],
    )(degp, wgcn, wihf, bihf, bhhf, wihb, bihb, bhhb, wcom, wfuse)



_RB = 400


def _fuse_body(x, xne, z1, z2, dv, dv2, rd, wf, w1, w2, bf, o):
    xb = x[...]
    g2 = z1[...] * dv[...] + xb * dv2[...]
    g3 = (z2[...] + xb) * rd[...]
    acc = lax.dot_general(xne[...], wf[...], (((1,), (1,)), ((), ())),
                          preferred_element_type=jnp.float32)
    acc = acc + lax.dot_general(g2, w1[...], (((1,), (0,)), ((), ())),
                                preferred_element_type=jnp.float32)
    acc = acc + lax.dot_general(g3, w2[...], (((1,), (0,)), ((), ())),
                                preferred_element_type=jnp.float32)
    o[...] = acc + bf[...]


def _fuse_call(x, xne, z1, z2, dinv, dinv2, rdeg, wf, w1, w2, bf):
    col = pl.BlockSpec((_RB, 1), lambda i: (i, 0))
    mat = pl.BlockSpec((_RB, D), lambda i: (i, 0))
    w = pl.BlockSpec((D, D), lambda i: (0, 0))
    return pl.pallas_call(
        _fuse_body,
        grid=(N // _RB,),
        in_specs=[mat, mat, mat, mat, col, col, col, w, w, w,
                  pl.BlockSpec((1, D), lambda i: (0, 0))],
        out_specs=mat,
        out_shape=jax.ShapeDtypeStruct((N, D), jnp.float32),
    )(x, xne, z1, z2, dinv, dinv2, rdeg, wf, w1, w2, bf)



def kernel(X, edge_index, edge_weight, X_node_emb, W_gcn, W_ih_f, W_hh_f,
           b_ih_f, b_hh_f, W_ih_b, W_hh_b, b_ih_b, b_hh_b, W_com, W_fuse,
           b_fuse):
    pad = EPAD - E
    sidx = jnp.concatenate([edge_index[0], jnp.zeros((pad,), jnp.int32)])
    tidx = jnp.concatenate([edge_index[1], jnp.zeros((pad,), jnp.int32)])
    ewp = jnp.concatenate([edge_weight, jnp.zeros((pad,), jnp.float32)])

    degp = _deg_call(tidx.reshape(32, NBLK_A, BA), ewp.reshape(32, NBLK_A, BA))

    dinv, dinv2, rdeg, w1, w2 = _mid_call(
        degp, W_gcn, W_ih_f, b_ih_f, b_hh_f, W_ih_b, b_ih_b, b_hh_b,
        W_com, W_fuse)

    c1 = _coef_call(sidx.reshape(32, CHUNK_A), ewp.reshape(32, CHUNK_A),
                    dinv).reshape(EPAD)

    coefs = jnp.stack([c1, ewp]).reshape(2, 16, CHUNK_C)

    z = _spmm_call(sidx.reshape(16, CHUNK_C), tidx.reshape(16, NBLK_C, B),
                   coefs,
                   lax.bitcast_convert_type(
                       X.astype(jnp.bfloat16).reshape(N, D // 2, 2),
                       jnp.int32))

    fp = np.array(_FPERM, np.int32)
    return _fuse_call(X[:, fp], X_node_emb, z[0], z[1],
                      dinv.reshape(NPAD, 1), dinv2.reshape(NPAD, 1),
                      rdeg.reshape(NPAD, 1), W_fuse, w1[fp, :], w2[fp, :],
                      b_fuse.reshape(1, D))

# --- scband reference (transcript-rebuilt; emitter-appended) ---
"""Pipeline reference for scband-com-gcn-84851373900029 (READ-ONLY COPY).

The authoritative reference and input builder live on the scoring server;
editing this copy changes nothing except your own understanding.
"""

import jax, jax.numpy as jnp
import numpy as np

N, E, D = 10000, 320000, 128


def _lstm_step(x, W_ih, W_hh, b_ih, b_hh):
    # single-step LSTM from zero initial state (seq_len == 1)
    h0 = jnp.zeros((x.shape[0], W_hh.shape[1]), dtype=x.dtype)
    gates = x @ W_ih.T + b_ih + h0 @ W_hh.T + b_hh
    i, f, g, o = jnp.split(gates, 4, axis=-1)
    i = jax.nn.sigmoid(i)
    f = jax.nn.sigmoid(f)
    g = jnp.tanh(g)
    o = jax.nn.sigmoid(o)
    c = i * g  # f * c0 == 0
    return o * jnp.tanh(c)


def setup_inputs(seed: int = 0) -> dict:
    key = jax.random.key(seed)
    ks = jax.random.split(key, 16)
    s = 1.0 / np.sqrt(D)
    inp = {}
    inp['X'] = jax.random.normal(ks[0], (N, D), dtype=jnp.float32)
    inp['edge_index'] = jax.random.randint(ks[1], (2, E), 0, N, dtype=jnp.int32)
    inp['edge_weight'] = jax.random.uniform(ks[2], (E,), dtype=jnp.float32)
    inp['X_node_emb'] = jax.random.normal(ks[3], (N, D), dtype=jnp.float32)
    # GCNConv weight (old PyG layout [in, out], applied as x @ W)
    inp['W_gcn'] = jax.random.normal(ks[4], (D, D), dtype=jnp.float32) * s
    # bidirectional LSTM (1 layer, hidden=D): forward + backward direction params
    inp['W_ih_f'] = jax.random.normal(ks[5], (4 * D, D), dtype=jnp.float32) * s
    inp['W_hh_f'] = jax.random.normal(ks[6], (4 * D, D), dtype=jnp.float32) * s
    inp['b_ih_f'] = jax.random.normal(ks[7], (4 * D,), dtype=jnp.float32) * s
    inp['b_hh_f'] = jax.random.normal(ks[8], (4 * D,), dtype=jnp.float32) * s
    inp['W_ih_b'] = jax.random.normal(ks[9], (4 * D, D), dtype=jnp.float32) * s
    inp['W_hh_b'] = jax.random.normal(ks[10], (4 * D, D), dtype=jnp.float32) * s
    inp['b_ih_b'] = jax.random.normal(ks[11], (4 * D,), dtype=jnp.float32) * s
    inp['b_hh_b'] = jax.random.normal(ks[12], (4 * D,), dtype=jnp.float32) * s
    # ComEmb approximation weight
    inp['W_com'] = jax.random.normal(ks[13], (D, D), dtype=jnp.float32) * s
    # fusion linear layer (torch Linear: x @ W.T + b)
    inp['W_fuse'] = jax.random.normal(ks[14], (D, D), dtype=jnp.float32) * s
    inp['b_fuse'] = jax.random.normal(ks[15], (D,), dtype=jnp.float32) * s
    return inp


def reference(X, edge_index, edge_weight, X_node_emb, W_gcn, W_ih_f, W_hh_f, b_ih_f, b_hh_f, W_ih_b, W_hh_b, b_ih_b, b_hh_b, W_com, W_fuse, b_fuse):
    n, d = X.shape
    # --- recurrent evolution of the GCN weight (bidirectional LSTM, seq_len=1, batch=d) ---
    h_f = _lstm_step(W_gcn, W_ih_f, W_hh_f, b_ih_f, b_hh_f)
    h_b = _lstm_step(W_gcn, W_ih_b, W_hh_b, b_ih_b, b_hh_b)
    W_evolved = jnp.maximum(h_f, h_b)  # element-wise max-pool over directions
    # --- GCNConv with symmetric normalization + self loops, bias=False ---
    src, dst = edge_index[0], edge_index[1]
    loop = jnp.arange(n, dtype=src.dtype)
    s_idx = jnp.concatenate([src, loop])
    t_idx = jnp.concatenate([dst, loop])
    ew = jnp.concatenate([edge_weight, jnp.ones((n,), dtype=X.dtype)])
    deg = jnp.zeros((n,), dtype=X.dtype).at[t_idx].add(ew)
    dinv = jnp.where(deg > 0, deg ** -0.5, 0.0)
    norm = dinv[s_idx] * ew * dinv[t_idx]
    xw = X @ W_evolved
    X_ma_emb = jnp.zeros((n, d), dtype=X.dtype).at[t_idx].add(norm[:, None] * xw[s_idx])
    # --- ComEmb approximation: weighted neighbor mean + linear projection ---
    cnt = jnp.zeros((n,), dtype=X.dtype).at[t_idx].add(ew)
    agg = jnp.zeros((n, d), dtype=X.dtype).at[t_idx].add(ew[:, None] * X[s_idx])
    X_com_emb = (agg / jnp.maximum(cnt, 1.0)[:, None]) @ W_com
    # --- linear fusion ---
    out = (X_node_emb + X_com_emb + X_ma_emb) @ W_fuse.T + b_fuse
    return out

if __name__ == "__main__":
    import jax
    _d = setup_inputs()
    print(jax.jit(kernel)(*tuple(_d.values())))

</pallas_src>

<mosaic_0001>
#map = affine_map<(d0, d1) -> (0, 0)>
#map1 = affine_map<(d0, d1) -> (0)>
module attributes {stable_mosaic.version = 14 : i64} {
  func.func @_coef_body(%arg0: i32, %arg1: i32, %arg2: memref<32x10240xi32, #tpu.memory_space<hbm>>, %arg3: memref<32x10240xf32, #tpu.memory_space<hbm>>, %arg4: memref<10240xf32, #tpu.memory_space<hbm>>, %arg5: memref<32x10240xf32, #tpu.memory_space<hbm>>, %arg6: memref<10240xi32, #tpu.memory_space<vmem>>, %arg7: memref<10240xf32, #tpu.memory_space<vmem>>, %arg8: memref<10240xf32, #tpu.memory_space<vmem>>, %arg9: memref<10240xf32, #tpu.memory_space<vmem>>) attributes {dimension_semantics = [#tpu.dimension_semantics<core_parallel>, #tpu.dimension_semantics<subcore_parallel>], iteration_bounds = array<i64: 2, 16>, scalar_prefetch = 0 : i64, scratch_operands = 4 : i64, tpu.core_type = #tpu.core_type<sc_vector_subcore>, window_params = [{transform_indices = #map}, {transform_indices = #map}, {transform_indices = #map1}, {transform_indices = #map}]} {
    %mul3A = arith.constant 16 : i32
    %mul3A_0 = arith.muli %arg0, %mul3A : i32
    %add3A = arith.addi %mul3A_0, %arg1 : i32
    "tpu.region"() ({
      %run_scoped3A = tpu.sem_alloc : memref<!tpu.dma_semaphore, #tpu.memory_space<semaphore_mem>>
      %dma_start3A = arith.constant 0 : i32
      %dma_start3A_5 = tpu.memref_slice %arg2[%add3A, %dma_start3A] : memref<32x10240xi32, #tpu.memory_space<hbm>> -> memref<1x10240xi32, #tpu.memory_space<hbm>>
      %dma_start3A_6 = tpu.memref_squeeze %dma_start3A_5 : memref<1x10240xi32, #tpu.memory_space<hbm>> -> memref<10240xi32, #tpu.memory_space<hbm>>
      %dma_start3A_7 = arith.constant 0 : i32
      %dma_start3A_8 = tpu.memref_slice %arg2[%add3A, %dma_start3A_7] : memref<32x10240xi32, #tpu.memory_space<hbm>> -> memref<1x10240xi32, #tpu.memory_space<hbm>>
      %dma_start3A_9 = tpu.memref_squeeze %dma_start3A_8 : memref<1x10240xi32, #tpu.memory_space<hbm>> -> memref<10240xi32, #tpu.memory_space<hbm>>
      tpu.enqueue_dma source(%dma_start3A_9 : memref<10240xi32, #tpu.memory_space<hbm>>) target(%arg6 : memref<10240xi32, #tpu.memory_space<vmem>>) target_semaphore(%run_scoped3A : memref<!tpu.dma_semaphore, #tpu.memory_space<semaphore_mem>>)
      %dma_wait3A = arith.constant 0 : i32
      %dma_wait3A_10 = tpu.memref_slice %arg2[%add3A, %dma_wait3A] : memref<32x10240xi32, #tpu.memory_space<hbm>> -> memref<1x10240xi32, #tpu.memory_space<hbm>>
      %dma_wait3A_11 = tpu.memref_squeeze %dma_wait3A_10 : memref<1x10240xi32, #tpu.memory_space<hbm>> -> memref<10240xi32, #tpu.memory_space<hbm>>
      %dma_wait3A_12 = arith.constant 0 : i32
      %dma_wait3A_13 = tpu.memref_slice %arg2[%add3A, %dma_wait3A_12] : memref<32x10240xi32, #tpu.memory_space<hbm>> -> memref<1x10240xi32, #tpu.memory_space<hbm>>
      %dma_wait3A_14 = tpu.memref_squeeze %dma_wait3A_13 : memref<1x10240xi32, #tpu.memory_space<hbm>> -> memref<10240xi32, #tpu.memory_space<hbm>>
      tpu.wait_dma2 semaphore(%run_scoped3A : memref<!tpu.dma_semaphore, #tpu.memory_space<semaphore_mem>>) src(%dma_wait3A_14 : memref<10240xi32, #tpu.memory_space<hbm>>) dst(%arg6 : memref<10240xi32, #tpu.memory_space<vmem>>)
      tpu.yield
    }) : () -> ()
    "tpu.region"() ({
      %run_scoped3A = tpu.sem_alloc : memref<!tpu.dma_semaphore, #tpu.memory_space<semaphore_mem>>
      %dma_start3A = arith.constant 0 : i32
      %dma_start3A_5 = tpu.memref_slice %arg3[%add3A, %dma_start3A] : memref<32x10240xf32, #tpu.memory_space<hbm>> -> memref<1x10240xf32, #tpu.memory_space<hbm>>
      %dma_start3A_6 = tpu.memref_squeeze %dma_start3A_5 : memref<1x10240xf32, #tpu.memory_space<hbm>> -> memref<10240xf32, #tpu.memory_space<hbm>>
      %dma_start3A_7 = arith.constant 0 : i32
      %dma_start3A_8 = tpu.memref_slice %arg3[%add3A, %dma_start3A_7] : memref<32x10240xf32, #tpu.memory_space<hbm>> -> memref<1x10240xf32, #tpu.memory_space<hbm>>
      %dma_start3A_9 = tpu.memref_squeeze %dma_start3A_8 : memref<1x10240xf32, #tpu.memory_space<hbm>> -> memref<10240xf32, #tpu.memory_space<hbm>>
      tpu.enqueue_dma source(%dma_start3A_9 : memref<10240xf32, #tpu.memory_space<hbm>>) target(%arg7 : memref<10240xf32, #tpu.memory_space<vmem>>) target_semaphore(%run_scoped3A : memref<!tpu.dma_semaphore, #tpu.memory_space<semaphore_mem>>)
      %dma_wait3A = arith.constant 0 : i32
      %dma_wait3A_10 = tpu.memref_slice %arg3[%add3A, %dma_wait3A] : memref<32x10240xf32, #tpu.memory_space<hbm>> -> memref<1x10240xf32, #tpu.memory_space<hbm>>
      %dma_wait3A_11 = tpu.memref_squeeze %dma_wait3A_10 : memref<1x10240xf32, #tpu.memory_space<hbm>> -> memref<10240xf32, #tpu.memory_space<hbm>>
      %dma_wait3A_12 = arith.constant 0 : i32
      %dma_wait3A_13 = tpu.memref_slice %arg3[%add3A, %dma_wait3A_12] : memref<32x10240xf32, #tpu.memory_space<hbm>> -> memref<1x10240xf32, #tpu.memory_space<hbm>>
      %dma_wait3A_14 = tpu.memref_squeeze %dma_wait3A_13 : memref<1x10240xf32, #tpu.memory_space<hbm>> -> memref<10240xf32, #tpu.memory_space<hbm>>
      tpu.wait_dma2 semaphore(%run_scoped3A : memref<!tpu.dma_semaphore, #tpu.memory_space<semaphore_mem>>) src(%dma_wait3A_14 : memref<10240xf32, #tpu.memory_space<hbm>>) dst(%arg7 : memref<10240xf32, #tpu.memory_space<vmem>>)
      tpu.yield
    }) : () -> ()
    "tpu.region"() ({
      %run_scoped3A = tpu.sem_alloc : memref<!tpu.dma_semaphore, #tpu.memory_space<semaphore_mem>>
      tpu.enqueue_dma source(%arg4 : memref<10240xf32, #tpu.memory_space<hbm>>) target(%arg8 : memref<10240xf32, #tpu.memory_space<vmem>>) target_semaphore(%run_scoped3A : memref<!tpu.dma_semaphore, #tpu.memory_space<semaphore_mem>>)
      tpu.wait_dma2 semaphore(%run_scoped3A : memref<!tpu.dma_semaphore, #tpu.memory_space<semaphore_mem>>) src(%arg4 : memref<10240xf32, #tpu.memory_space<hbm>>) dst(%arg8 : memref<10240xf32, #tpu.memory_space<vmem>>)
      tpu.yield
    }) : () -> ()
    %scan3A = arith.constant 0 : i32
    %scan3A_1 = arith.constant 640 : i32
    %scan3A_2 = arith.addi %scan3A, %scan3A_1 : i32
    %scan3A_3 = arith.constant 1 : i32
    scf.for %scan3A_5 = %scan3A to %scan3A_2 step %scan3A_3  : i32 {
      %mul3A_6 = arith.constant 1 : i32
      %mul3A_7 = arith.muli %scan3A_5, %mul3A_6 : i32
      %add3A_8 = arith.constant 0 : i32
      %add3A_9 = arith.addi %add3A_8, %mul3A_7 : i32
      %mul3A_10 = arith.constant 16 : i32
      %mul3A_11 = arith.muli %add3A_9, %mul3A_10 : i32
      %get3A = arith.index_cast %mul3A_11 : i32 to index
      %get3A_12 = tpu.vector_load %arg6[%get3A] {strides = array<i32>} : memref<10240xi32, #tpu.memory_space<vmem>>, vector<16xi32>,
      %gather3A = tpu.vector_load_idx %arg8[%get3A_12] : memref<10240xf32, #tpu.memory_space<vmem>>[vector<16xi32>], vector<16xf32>,
      %get3A_13 = arith.index_cast %mul3A_11 : i32 to index
      %get3A_14 = tpu.vector_load %arg7[%get3A_13] {strides = array<i32>} : memref<10240xf32, #tpu.memory_space<vmem>>, vector<16xf32>,
      %mul3A_15 = arith.mulf %gather3A, %get3A_14 : vector<16xf32>
      %swap3A = arith.index_cast %mul3A_11 : i32 to index
      %swap3A_16 = tpu.vector_load %arg9[%swap3A] {strides = array<i32>} : memref<10240xf32, #tpu.memory_space<vmem>>, vector<16xf32>,
      tpu.vector_store %arg9[%swap3A], %mul3A_15 {strides = array<i32>} : memref<10240xf32, #tpu.memory_space<vmem>>, vector<16xf32>,
    }
    %scan3A_4 = arith.constant 640 : i32
    "tpu.region"() ({
      %run_scoped3A = tpu.sem_alloc : memref<!tpu.dma_semaphore, #tpu.memory_space<semaphore_mem>>
      %dma_start3A = arith.constant 0 : i32
      %dma_start3A_5 = tpu.memref_slice %arg5[%add3A, %dma_start3A] : memref<32x10240xf32, #tpu.memory_space<hbm>> -> memref<1x10240xf32, #tpu.memory_space<hbm>>
      %dma_start3A_6 = tpu.memref_squeeze %dma_start3A_5 : memref<1x10240xf32, #tpu.memory_space<hbm>> -> memref<10240xf32, #tpu.memory_space<hbm>>
      %dma_start3A_7 = arith.constant 0 : i32
      %dma_start3A_8 = tpu.memref_slice %arg5[%add3A, %dma_start3A_7] : memref<32x10240xf32, #tpu.memory_space<hbm>> -> memref<1x10240xf32, #tpu.memory_space<hbm>>
      %dma_start3A_9 = tpu.memref_squeeze %dma_start3A_8 : memref<1x10240xf32, #tpu.memory_space<hbm>> -> memref<10240xf32, #tpu.memory_space<hbm>>
      tpu.enqueue_dma source(%arg9 : memref<10240xf32, #tpu.memory_space<vmem>>) target(%dma_start3A_9 : memref<10240xf32, #tpu.memory_space<hbm>>) target_semaphore(%run_scoped3A : memref<!tpu.dma_semaphore, #tpu.memory_space<semaphore_mem>>)
      %dma_wait3A = arith.constant 0 : i32
      %dma_wait3A_10 = tpu.memref_slice %arg5[%add3A, %dma_wait3A] : memref<32x10240xf32, #tpu.memory_space<hbm>> -> memref<1x10240xf32, #tpu.memory_space<hbm>>
      %dma_wait3A_11 = tpu.memref_squeeze %dma_wait3A_10 : memref<1x10240xf32, #tpu.memory_space<hbm>> -> memref<10240xf32, #tpu.memory_space<hbm>>
      %dma_wait3A_12 = arith.constant 0 : i32
      %dma_wait3A_13 = tpu.memref_slice %arg5[%add3A, %dma_wait3A_12] : memref<32x10240xf32, #tpu.memory_space<hbm>> -> memref<1x10240xf32, #tpu.memory_space<hbm>>
      %dma_wait3A_14 = tpu.memref_squeeze %dma_wait3A_13 : memref<1x10240xf32, #tpu.memory_space<hbm>> -> memref<10240xf32, #tpu.memory_space<hbm>>
      tpu.wait_dma2 semaphore(%run_scoped3A : memref<!tpu.dma_semaphore, #tpu.memory_space<semaphore_mem>>) src(%arg9 : memref<10240xf32, #tpu.memory_space<vmem>>) dst(%dma_wait3A_14 : memref<10240xf32, #tpu.memory_space<hbm>>)
      tpu.yield
    }) : () -> ()
    return
  }
}

#map = affine_map<(d0, d1) -> (0, 0, 0)>
#map1 = affine_map<(d0, d1) -> (0, 0)>
module attributes {stable_mosaic.version = 14 : i64} {
  func.func @_deg_body(%arg0: i32, %arg1: i32, %arg2: memref<32x80x128xi32, #tpu.memory_space<hbm>>, %arg3: memref<32x80x128xf32, #tpu.memory_space<hbm>>, %arg4: memref<2x10240xf32, #tpu.memory_space<hbm>>, %arg5: memref<80x128xi32, #tpu.memory_space<vmem>>, %arg6: memref<80x128xf32, #tpu.memory_space<vmem>>, %arg7: memref<128xf32, #tpu.memory_space<vmem>>, %arg8: memref<10240xf32, #tpu.memory_space<vmem_shared>>) attributes {dimension_semantics = [#tpu.dimension_semantics<core_parallel>, #tpu.dimension_semantics<subcore_parallel>], iteration_bounds = array<i64: 2, 16>, scalar_prefetch = 0 : i64, scratch_operands = 4 : i64, tpu.core_type = #tpu.core_type<sc_vector_subcore>, window_params = [{transform_indices = #map}, {transform_indices = #map}, {transform_indices = #map1}]} {
    %mul3A = arith.constant 16 : i32
    %mul3A_0 = arith.muli %arg0, %mul3A : i32
    %add3A = arith.addi %mul3A_0, %arg1 : i32
    "tpu.region"() ({
      %run_scoped3A = tpu.sem_alloc : memref<!tpu.dma_semaphore, #tpu.memory_space<semaphore_mem>>
      %dma_start3A = arith.constant 0 : i32
      %dma_start3A_20 = arith.constant 0 : i32
      %dma_start3A_21 = tpu.memref_slice %arg2[%add3A, %dma_start3A, %dma_start3A_20] : memref<32x80x128xi32, #tpu.memory_space<hbm>> -> memref<1x80x128xi32, #tpu.memory_space<hbm>>
      %dma_start3A_22 = tpu.memref_squeeze %dma_start3A_21 : memref<1x80x128xi32, #tpu.memory_space<hbm>> -> memref<80x128xi32, #tpu.memory_space<hbm>>
      %dma_start3A_23 = arith.constant 0 : i32
      %dma_start3A_24 = arith.constant 0 : i32
      %dma_start3A_25 = tpu.memref_slice %arg2[%add3A, %dma_start3A_23, %dma_start3A_24] : memref<32x80x128xi32, #tpu.memory_space<hbm>> -> memref<1x80x128xi32, #tpu.memory_space<hbm>>
      %dma_start3A_26 = tpu.memref_squeeze %dma_start3A_25 : memref<1x80x128xi32, #tpu.memory_space<hbm>> -> memref<80x128xi32, #tpu.memory_space<hbm>>
      tpu.enqueue_dma source(%dma_start3A_26 : memref<80x128xi32, #tpu.memory_space<hbm>>) target(%arg5 : memref<80x128xi32, #tpu.memory_space<vmem>>) target_semaphore(%run_scoped3A : memref<!tpu.dma_semaphore, #tpu.memory_space<semaphore_mem>>)
      %dma_wait3A = arith.constant 0 : i32
      %dma_wait3A_27 = arith.constant 0 : i32
      %dma_wait3A_28 = tpu.memref_slice %arg2[%add3A, %dma_wait3A, %dma_wait3A_27] : memref<32x80x128xi32, #tpu.memory_space<hbm>> -> memref<1x80x128xi32, #tpu.memory_space<hbm>>
      %dma_wait3A_29 = tpu.memref_squeeze %dma_wait3A_28 : memref<1x80x128xi32, #tpu.memory_space<hbm>> -> memref<80x128xi32, #tpu.memory_space<hbm>>
      %dma_wait3A_30 = arith.constant 0 : i32
      %dma_wait3A_31 = arith.constant 0 : i32
      %dma_wait3A_32 = tpu.memref_slice %arg2[%add3A, %dma_wait3A_30, %dma_wait3A_31] : memref<32x80x128xi32, #tpu.memory_space<hbm>> -> memref<1x80x128xi32, #tpu.memory_space<hbm>>
      %dma_wait3A_33 = tpu.memref_squeeze %dma_wait3A_32 : memref<1x80x128xi32, #tpu.memory_space<hbm>> -> memref<80x128xi32, #tpu.memory_space<hbm>>
      tpu.wait_dma2 semaphore(%run_scoped3A : memref<!tpu.dma_semaphore, #tpu.memory_space<semaphore_mem>>) src(%dma_wait3A_33 : memref<80x128xi32, #tpu.memory_space<hbm>>) dst(%arg5 : memref<80x128xi32, #tpu.memory_space<vmem>>)
      tpu.yield
    }) : () -> ()
    "tpu.region"() ({
      %run_scoped3A = tpu.sem_alloc : memref<!tpu.dma_semaphore, #tpu.memory_space<semaphore_mem>>
      %dma_start3A = arith.constant 0 : i32
      %dma_start3A_20 = arith.constant 0 : i32
      %dma_start3A_21 = tpu.memref_slice %arg3[%add3A, %dma_start3A, %dma_start3A_20] : memref<32x80x128xf32, #tpu.memory_space<hbm>> -> memref<1x80x128xf32, #tpu.memory_space<hbm>>
      %dma_start3A_22 = tpu.memref_squeeze %dma_start3A_21 : memref<1x80x128xf32, #tpu.memory_space<hbm>> -> memref<80x128xf32, #tpu.memory_space<hbm>>
      %dma_start3A_23 = arith.constant 0 : i32
      %dma_start3A_24 = arith.constant 0 : i32
      %dma_start3A_25 = tpu.memref_slice %arg3[%add3A, %dma_start3A_23, %dma_start3A_24] : memref<32x80x128xf32, #tpu.memory_space<hbm>> -> memref<1x80x128xf32, #tpu.memory_space<hbm>>
      %dma_start3A_26 = tpu.memref_squeeze %dma_start3A_25 : memref<1x80x128xf32, #tpu.memory_space<hbm>> -> memref<80x128xf32, #tpu.memory_space<hbm>>
      tpu.enqueue_dma source(%dma_start3A_26 : memref<80x128xf32, #tpu.memory_space<hbm>>) target(%arg6 : memref<80x128xf32, #tpu.memory_space<vmem>>) target_semaphore(%run_scoped3A : memref<!tpu.dma_semaphore, #tpu.memory_space<semaphore_mem>>)
      %dma_wait3A = arith.constant 0 : i32
      %dma_wait3A_27 = arith.constant 0 : i32
      %dma_wait3A_28 = tpu.memref_slice %arg3[%add3A, %dma_wait3A, %dma_wait3A_27] : memref<32x80x128xf32, #tpu.memory_space<hbm>> -> memref<1x80x128xf32, #tpu.memory_space<hbm>>
      %dma_wait3A_29 = tpu.memref_squeeze %dma_wait3A_28 : memref<1x80x128xf32, #tpu.memory_space<hbm>> -> memref<80x128xf32, #tpu.memory_space<hbm>>
      %dma_wait3A_30 = arith.constant 0 : i32
      %dma_wait3A_31 = arith.constant 0 : i32
      %dma_wait3A_32 = tpu.memref_slice %arg3[%add3A, %dma_wait3A_30, %dma_wait3A_31] : memref<32x80x128xf32, #tpu.memory_space<hbm>> -> memref<1x80x128xf32, #tpu.memory_space<hbm>>
      %dma_wait3A_33 = tpu.memref_squeeze %dma_wait3A_32 : memref<1x80x128xf32, #tpu.memory_space<hbm>> -> memref<80x128xf32, #tpu.memory_space<hbm>>
      tpu.wait_dma2 semaphore(%run_scoped3A : memref<!tpu.dma_semaphore, #tpu.memory_space<semaphore_mem>>) src(%dma_wait3A_33 : memref<80x128xf32, #tpu.memory_space<hbm>>) dst(%arg6 : memref<80x128xf32, #tpu.memory_space<vmem>>)
      tpu.yield
    }) : () -> ()
    %scan3A = arith.constant 0 : i32
    %scan3A_1 = arith.constant 8 : i32
    %scan3A_2 = arith.addi %scan3A, %scan3A_1 : i32
    %scan3A_3 = arith.constant 1 : i32
    scf.for %scan3A_20 = %scan3A to %scan3A_2 step %scan3A_3  : i32 {
      %mul3A_21 = arith.constant 1 : i32
      %mul3A_22 = arith.muli %scan3A_20, %mul3A_21 : i32
      %add3A_23 = arith.constant 0 : i32
      %add3A_24 = arith.addi %add3A_23, %mul3A_22 : i32
      %broadcast_in_dim3A = arith.constant 0.000000e+00 : f32
      %broadcast_in_dim3A_25 = vector.broadcast %broadcast_in_dim3A : f32 to vector<16xf32>
      %mul3A_26 = arith.constant 16 : i32
      %mul3A_27 = arith.muli %add3A_24, %mul3A_26 : i32
      %swap3A = arith.index_cast %mul3A_27 : i32 to index
      %swap3A_28 = tpu.vector_load %arg7[%swap3A] {strides = array<i32>} : memref<128xf32, #tpu.memory_space<vmem>>, vector<16xf32>,
      tpu.vector_store %arg7[%swap3A], %broadcast_in_dim3A_25 {strides = array<i32>} : memref<128xf32, #tpu.memory_space<vmem>>, vector<16xf32>,
    }
    %scan3A_4 = arith.constant 8 : i32
    %scan3A_5 = arith.constant 0 : i32
    %scan3A_6 = arith.constant 5 : i32
    %scan3A_7 = arith.addi %scan3A_5, %scan3A_6 : i32
    %scan3A_8 = arith.constant 1 : i32
    scf.for %scan3A_20 = %scan3A_5 to %scan3A_7 step %scan3A_8  : i32 {
      %mul3A_21 = arith.constant 1 : i32
      %mul3A_22 = arith.muli %scan3A_20, %mul3A_21 : i32
      %add3A_23 = arith.constant 0 : i32
      %add3A_24 = arith.addi %add3A_23, %mul3A_22 : i32
      %mul3A_25 = arith.constant 640 : i32
      %mul3A_26 = arith.muli %arg1, %mul3A_25 : i32
      %mul3A_27 = arith.constant 128 : i32
      %mul3A_28 = arith.muli %add3A_24, %mul3A_27 : i32
      %add3A_29 = arith.addi %mul3A_26, %mul3A_28 : i32
      "tpu.region"() ({
        %run_scoped3A = tpu.sem_alloc : memref<!tpu.dma_semaphore, #tpu.memory_space<semaphore_mem>>
        %dma_start3A = tpu.memref_slice %arg8[%add3A_29] : memref<10240xf32, #tpu.memory_space<vmem_shared>> -> memref<128xf32, #tpu.memory_space<vmem_shared>>
        %dma_start3A_30 = tpu.memref_slice %arg8[%add3A_29] : memref<10240xf32, #tpu.memory_space<vmem_shared>> -> memref<128xf32, #tpu.memory_space<vmem_shared>>
        tpu.enqueue_dma source(%arg7 : memref<128xf32, #tpu.memory_space<vmem>>) target(%dma_start3A_30 : memref<128xf32, #tpu.memory_space<vmem_shared>>) target_semaphore(%run_scoped3A : memref<!tpu.dma_semaphore, #tpu.memory_space<semaphore_mem>>)
        %dma_wait3A = tpu.memref_slice %arg8[%add3A_29] : memref<10240xf32, #tpu.memory_space<vmem_shared>> -> memref<128xf32, #tpu.memory_space<vmem_shared>>
        %dma_wait3A_31 = tpu.memref_slice %arg8[%add3A_29] : memref<10240xf32, #tpu.memory_space<vmem_shared>> -> memref<128xf32, #tpu.memory_space<vmem_shared>>
        tpu.wait_dma2 semaphore(%run_scoped3A : memref<!tpu.dma_semaphore, #tpu.memory_space<semaphore_mem>>) src(%arg7 : memref<128xf32, #tpu.memory_space<vmem>>) dst(%dma_wait3A_31 : memref<128xf32, #tpu.memory_space<vmem_shared>>)
        tpu.yield
      }) : () -> ()
    }
    %scan3A_9 = arith.constant 5 : i32
    %barrier3A = arith.constant 0 : index
    tpu.barrier barrier_id(%barrier3A)
    %scan3A_10 = arith.constant 0 : i32
    %scan3A_11 = arith.constant 80 : i32
    %scan3A_12 = arith.addi %scan3A_10, %scan3A_11 : i32
    %scan3A_13 = arith.constant 1 : i32
    scf.for %scan3A_20 = %scan3A_10 to %scan3A_12 step %scan3A_13  : i32 {
      %mul3A_21 = arith.constant 1 : i32
      %mul3A_22 = arith.muli %scan3A_20, %mul3A_21 : i32
      %add3A_23 = arith.constant 0 : i32
      %add3A_24 = arith.addi %add3A_23, %mul3A_22 : i32
      "tpu.region"() ({
        %run_scoped3A = tpu.sem_alloc : memref<!tpu.dma_semaphore, #tpu.memory_space<semaphore_mem>>
        %dma_start3A = arith.constant 0 : i32
        %dma_start3A_25 = tpu.memref_slice %arg6[%add3A_24, %dma_start3A] : memref<80x128xf32, #tpu.memory_space<vmem>> -> memref<1x128xf32, #tpu.memory_space<vmem>>
        %dma_start3A_26 = tpu.memref_squeeze %dma_start3A_25 : memref<1x128xf32, #tpu.memory_space<vmem>> -> memref<128xf32, #tpu.memory_space<vmem>>
        %dma_start3A_27 = arith.constant 0 : i32
        %dma_start3A_28 = tpu.memref_slice %arg5[%add3A_24, %dma_start3A_27] : memref<80x128xi32, #tpu.memory_space<vmem>> -> memref<1x128xi32, #tpu.memory_space<vmem>>
        %dma_start3A_29 = tpu.memref_squeeze %dma_start3A_28 : memref<1x128xi32, #tpu.memory_space<vmem>> -> memref<128xi32, #tpu.memory_space<vmem>>
        %dma_start3A_30 = arith.constant 0 : i32
        %dma_start3A_31 = tpu.memref_slice %arg8[%dma_start3A_30] : memref<10240xf32, #tpu.memory_space<vmem_shared>> -> memref<10240xf32, #tpu.memory_space<vmem_shared>>
        tpu.enqueue_indirect_dma source(%dma_start3A_26 : memref<128xf32, #tpu.memory_space<vmem>>) target(%dma_start3A_31 : memref<10240xf32, #tpu.memory_space<vmem_shared>>) offsets(%dma_start3A_29 : memref<128xi32, #tpu.memory_space<vmem>>) semaphore(%run_scoped3A : memref<!tpu.dma_semaphore, #tpu.memory_space<semaphore_mem>>) {add = true}
        %dma_wait3A = arith.constant 0 : i32
        %dma_wait3A_32 = tpu.memref_slice %arg6[%add3A_24, %dma_wait3A] : memref<80x128xf32, #tpu.memory_space<vmem>> -> memref<1x128xf32, #tpu.memory_space<vmem>>
        %dma_wait3A_33 = tpu.memref_squeeze %dma_wait3A_32 : memref<1x128xf32, #tpu.memory_space<vmem>> -> memref<128xf32, #tpu.memory_space<vmem>>
        %dma_wait3A_34 = arith.constant 0 : i32
        %dma_wait3A_35 = tpu.memref_slice %arg5[%add3A_24, %dma_wait3A_34] : memref<80x128xi32, #tpu.memory_space<vmem>> -> memref<1x128xi32, #tpu.memory_space<vmem>>
        %dma_wait3A_36 = tpu.memref_squeeze %dma_wait3A_35 : memref<1x128xi32, #tpu.memory_space<vmem>> -> memref<128xi32, #tpu.memory_space<vmem>>
        %dma_wait3A_37 = arith.constant 0 : i32
        %dma_wait3A_38 = tpu.memref_slice %arg8[%dma_wait3A_37] : memref<10240xf32, #tpu.memory_space<vmem_shared>> -> memref<10240xf32, #tpu.memory_space<vmem_shared>>
        tpu.wait_indirect_dma semaphore(%run_scoped3A : memref<!tpu.dma_semaphore, #tpu.memory_space<semaphore_mem>>) src(%dma_wait3A_33 : memref<128xf32, #tpu.memory_space<vmem>>) dst(%dma_wait3A_38 : memref<10240xf32, #tpu.memory_space<vmem_shared>>)
        tpu.yield
      }) : () -> ()
    }
    %scan3A_14 = arith.constant 80 : i32
    %barrier3A_15 = arith.constant 0 : index
    tpu.barrier barrier_id(%barrier3A_15)
    %mul3A_16 = arith.constant 640 : i32
    %mul3A_17 = arith.muli %arg1, %mul3A_16 : i32
    %mul3A_18 = arith.constant 640 : i32
    %mul3A_19 = arith.muli %arg1, %mul3A_18 : i32
    "tpu.region"() ({
      %run_scoped3A = tpu.sem_alloc : memref<!tpu.dma_semaphore, #tpu.memory_space<semaphore_mem>>
      %dma_start3A = tpu.memref_slice %arg4[%arg0, %mul3A_19] : memref<2x10240xf32, #tpu.memory_space<hbm>> -> memref<1x640xf32, #tpu.memory_space<hbm>>
      %dma_start3A_20 = tpu.memref_squeeze %dma_start3A : memref<1x640xf32, #tpu.memory_space<hbm>> -> memref<640xf32, #tpu.memory_space<hbm>>
      %dma_start3A_21 = tpu.memref_slice %arg8[%mul3A_17] : memref<10240xf32, #tpu.memory_space<vmem_shared>> -> memref<640xf32, #tpu.memory_space<vmem_shared>>
      tpu.enqueue_dma source(%dma_start3A_21 : memref<640xf32, #tpu.memory_space<vmem_shared>>) target(%dma_start3A_20 : memref<640xf32, #tpu.memory_space<hbm>>) target_semaphore(%run_scoped3A : memref<!tpu.dma_semaphore, #tpu.memory_space<semaphore_mem>>)
      %dma_wait3A = tpu.memref_slice %arg4[%arg0, %mul3A_19] : memref<2x10240xf32, #tpu.memory_space<hbm>> -> memref<1x640xf32, #tpu.memory_space<hbm>>
      %dma_wait3A_22 = tpu.memref_squeeze %dma_wait3A : memref<1x640xf32, #tpu.memory_space<hbm>> -> memref<640xf32, #tpu.memory_space<hbm>>
      %dma_wait3A_23 = tpu.memref_slice %arg8[%mul3A_17] : memref<10240xf32, #tpu.memory_space<vmem_shared>> -> memref<640xf32, #tpu.memory_space<vmem_shared>>
      tpu.wait_dma2 semaphore(%run_scoped3A : memref<!tpu.dma_semaphore, #tpu.memory_space<semaphore_mem>>) src(%dma_wait3A_23 : memref<640xf32, #tpu.memory_space<vmem_shared>>) dst(%dma_wait3A_22 : memref<640xf32, #tpu.memory_space<hbm>>)
      tpu.yield
    }) : () -> ()
    return
  }
}

#map = affine_map<(d0, d1) -> (0, 0)>
#map1 = affine_map<(d0, d1) -> (0, 0, 0)>
module attributes {stable_mosaic.version = 14 : i64} {
  func.func @_spmm_wrap(%arg0: i32, %arg1: i32, %arg2: memref<16x20480xi32, #tpu.memory_space<hbm>>, %arg3: memref<16x320x64xi32, #tpu.memory_space<hbm>>, %arg4: memref<2x16x20480xf32, #tpu.memory_space<hbm>>, %arg5: memref<10000x64xi32, #tpu.memory_space<hbm>>, %arg6: memref<2x10240x128xf32, #tpu.memory_space<hbm>>, %arg7: memref<2560xi32, #tpu.memory_space<vmem>>, %arg8: memref<2x40x64xi32, #tpu.memory_space<vmem>>, %arg9: memref<2560xf32, #tpu.memory_space<vmem>>, %arg10: memref<64x64xi32, #tpu.memory_space<vmem>>, %arg11: memref<64x64xi32, #tpu.memory_space<vmem>>, %arg12: memref<64x64xi32, #tpu.memory_space<vmem>>, %arg13: memref<64x64xi32, #tpu.memory_space<vmem>>, %arg14: memref<64x128xf32, #tpu.memory_space<vmem>>, %arg15: memref<64x128xf32, #tpu.memory_space<vmem>>, %arg16: memref<10240x128xf32, #tpu.memory_space<vmem_shared>>, %arg17: memref<!tpu.dma_semaphore, #tpu.memory_space<semaphore_mem>>, %arg18: memref<!tpu.dma_semaphore, #tpu.memory_space<semaphore_mem>>, %arg19: memref<!tpu.dma_semaphore, #tpu.memory_space<semaphore_mem>>, %arg20: memref<!tpu.dma_semaphore, #tpu.memory_space<semaphore_mem>>, %arg21: memref<!tpu.dma_semaphore, #tpu.memory_space<semaphore_mem>>, %arg22: memref<!tpu.dma_semaphore, #tpu.memory_space<semaphore_mem>>) attributes {dimension_semantics = [#tpu.dimension_semantics<core_parallel>, #tpu.dimension_semantics<subcore_parallel>], iteration_bounds = array<i64: 2, 16>, scalar_prefetch = 0 : i64, scratch_operands = 16 : i64, tpu.core_type = #tpu.core_type<sc_vector_subcore>, window_params = [{transform_indices = #map}, {transform_indices = #map1}, {transform_indices = #map1}, {transform_indices = #map}, {transform_indices = #map1}]} {
    %scan3A = arith.constant 0 : i32
    %scan3A_0 = arith.constant 64 : i32
    %scan3A_1 = arith.addi %scan3A, %scan3A_0 : i32
    %scan3A_2 = arith.constant 1 : i32
    scf.for %scan3A_33 = %scan3A to %scan3A_1 step %scan3A_2  : i32 {
      %mul3A_34 = arith.constant 1 : i32
      %mul3A_35 = arith.muli %scan3A_33, %mul3A_34 : i32
      %add3A = arith.constant 0 : i32
      %add3A_36 = arith.addi %add3A, %mul3A_35 : i32
      %broadcast_in_dim3A = arith.constant 0.000000e+00 : f32
      %broadcast_in_dim3A_37 = vector.broadcast %broadcast_in_dim3A : f32 to vector<16xf32>
      %swap3A = arith.index_cast %add3A_36 : i32 to index
      %swap3A_38 = arith.constant 0 : index
      %swap3A_39 = tpu.vector_load %arg14[%swap3A, %swap3A_38] {strides = array<i32>} : memref<64x128xf32, #tpu.memory_space<vmem>>, vector<16xf32>,
      tpu.vector_store %arg14[%swap3A, %swap3A_38], %broadcast_in_dim3A_37 {strides = array<i32>} : memref<64x128xf32, #tpu.memory_space<vmem>>, vector<16xf32>,
      %broadcast_in_dim3A_40 = arith.constant 0.000000e+00 : f32
      %broadcast_in_dim3A_41 = vector.broadcast %broadcast_in_dim3A_40 : f32 to vector<16xf32>
      %swap3A_42 = arith.index_cast %add3A_36 : i32 to index
      %swap3A_43 = arith.constant 16 : index
      %swap3A_44 = tpu.vector_load %arg14[%swap3A_42, %swap3A_43] {strides = array<i32>} : memref<64x128xf32, #tpu.memory_space<vmem>>, vector<16xf32>,
      tpu.vector_store %arg14[%swap3A_42, %swap3A_43], %broadcast_in_dim3A_41 {strides = array<i32>} : memref<64x128xf32, #tpu.memory_space<vmem>>, vector<16xf32>,
      %broadcast_in_dim3A_45 = arith.constant 0.000000e+00 : f32
      %broadcast_in_dim3A_46 = vector.broadcast %broadcast_in_dim3A_45 : f32 to vector<16xf32>
      %swap3A_47 = arith.index_cast %add3A_36 : i32 to index
      %swap3A_48 = arith.constant 32 : index
      %swap3A_49 = tpu.vector_load %arg14[%swap3A_47, %swap3A_48] {strides = array<i32>} : memref<64x128xf32, #tpu.memory_space<vmem>>, vector<16xf32>,
      tpu.vector_store %arg14[%swap3A_47, %swap3A_48], %broadcast_in_dim3A_46 {strides = array<i32>} : memref<64x128xf32, #tpu.memory_space<vmem>>, vector<16xf32>,
      %broadcast_in_dim3A_50 = arith.constant 0.000000e+00 : f32
      %broadcast_in_dim3A_51 = vector.broadcast %broadcast_in_dim3A_50 : f32 to vector<16xf32>
      %swap3A_52 = arith.index_cast %add3A_36 : i32 to index
      %swap3A_53 = arith.constant 48 : index
      %swap3A_54 = tpu.vector_load %arg14[%swap3A_52, %swap3A_53] {strides = array<i32>} : memref<64x128xf32, #tpu.memory_space<vmem>>, vector<16xf32>,
      tpu.vector_store %arg14[%swap3A_52, %swap3A_53], %broadcast_in_dim3A_51 {strides = array<i32>} : memref<64x128xf32, #tpu.memory_space<vmem>>, vector<16xf32>,
      %broadcast_in_dim3A_55 = arith.constant 0.000000e+00 : f32
      %broadcast_in_dim3A_56 = vector.broadcast %broadcast_in_dim3A_55 : f32 to vector<16xf32>
      %swap3A_57 = arith.index_cast %add3A_36 : i32 to index
      %swap3A_58 = arith.constant 64 : index
      %swap3A_59 = tpu.vector_load %arg14[%swap3A_57, %swap3A_58] {strides = array<i32>} : memref<64x128xf32, #tpu.memory_space<vmem>>, vector<16xf32>,
      tpu.vector_store %arg14[%swap3A_57, %swap3A_58], %broadcast_in_dim3A_56 {strides = array<i32>} : memref<64x128xf32, #tpu.memory_space<vmem>>, vector<16xf32>,
      %broadcast_in_dim3A_60 = arith.constant 0.000000e+00 : f32
      %broadcast_in_dim3A_61 = vector.broadcast %broadcast_in_dim3A_60 : f32 to vector<16xf32>
      %swap3A_62 = arith.index_cast %add3A_36 : i32 to index
      %swap3A_63 = arith.constant 80 : index
      %swap3A_64 = tpu.vector_load %arg14[%swap3A_62, %swap3A_63] {strides = array<i32>} : memref<64x128xf32, #tpu.memory_space<vmem>>, vector<16xf32>,
      tpu.vector_store %arg14[%swap3A_62, %swap3A_63], %broadcast_in_dim3A_61 {strides = array<i32>} : memref<64x128xf32, #tpu.memory_space<vmem>>, vector<16xf32>,
      %broadcast_in_dim3A_65 = arith.constant 0.000000e+00 : f32
      %broadcast_in_dim3A_66 = vector.broadcast %broadcast_in_dim3A_65 : f32 to vector<16xf32>
      %swap3A_67 = arith.index_cast %add3A_36 : i32 to index
      %swap3A_68 = arith.constant 96 : index
      %swap3A_69 = tpu.vector_load %arg14[%swap3A_67, %swap3A_68] {strides = array<i32>} : memref<64x128xf32, #tpu.memory_space<vmem>>, vector<16xf32>,
      tpu.vector_store %arg14[%swap3A_67, %swap3A_68], %broadcast_in_dim3A_66 {strides = array<i32>} : memref<64x128xf32, #tpu.memory_space<vmem>>, vector<16xf32>,
      %broadcast_in_dim3A_70 = arith.constant 0.000000e+00 : f32
      %broadcast_in_dim3A_71 = vector.broadcast %broadcast_in_dim3A_70 : f32 to vector<16xf32>
      %swap3A_72 = arith.index_cast %add3A_36 : i32 to index
      %swap3A_73 = arith.constant 112 : index
      %swap3A_74 = tpu.vector_load %arg14[%swap3A_72, %swap3A_73] {strides = array<i32>} : memref<64x128xf32, #tpu.memory_space<vmem>>, vector<16xf32>,
      tpu.vector_store %arg14[%swap3A_72, %swap3A_73], %broadcast_in_dim3A_71 {strides = array<i32>} : memref<64x128xf32, #tpu.memory_space<vmem>>, vector<16xf32>,
    }
    %scan3A_3 = arith.constant 64 : i32
    %scan3A_4 = arith.constant 0 : i32
    %scan3A_5 = arith.constant 10 : i32
    %scan3A_6 = arith.addi %scan3A_4, %scan3A_5 : i32
    %scan3A_7 = arith.constant 1 : i32
    scf.for %scan3A_33 = %scan3A_4 to %scan3A_6 step %scan3A_7  : i32 {
      %mul3A_34 = arith.constant 1 : i32
      %mul3A_35 = arith.muli %scan3A_33, %mul3A_34 : i32
      %add3A = arith.constant 0 : i32
      %add3A_36 = arith.addi %add3A, %mul3A_35 : i32
      %mul3A_37 = arith.constant 640 : i32
      %mul3A_38 = arith.muli %arg1, %mul3A_37 : i32
      %mul3A_39 = arith.constant 64 : i32
      %mul3A_40 = arith.muli %add3A_36, %mul3A_39 : i32
      %add3A_41 = arith.addi %mul3A_38, %mul3A_40 : i32
      "tpu.region"() ({
        %run_scoped3A = tpu.sem_alloc : memref<!tpu.dma_semaphore, #tpu.memory_space<semaphore_mem>>
        %dma_start3A = arith.constant 0 : i32
        %dma_start3A_42 = tpu.memref_slice %arg16[%add3A_41, %dma_start3A] : memref<10240x128xf32, #tpu.memory_space<vmem_shared>> -> memref<64x128xf32, #tpu.memory_space<vmem_shared>>
        %dma_start3A_43 = arith.constant 0 : i32
        %dma_start3A_44 = tpu.memref_slice %arg16[%add3A_41, %dma_start3A_43] : memref<10240x128xf32, #tpu.memory_space<vmem_shared>> -> memref<64x128xf32, #tpu.memory_space<vmem_shared>>
        tpu.enqueue_dma source(%arg14 : memref<64x128xf32, #tpu.memory_space<vmem>>) target(%dma_start3A_44 : memref<64x128xf32, #tpu.memory_space<vmem_shared>>) target_semaphore(%run_scoped3A : memref<!tpu.dma_semaphore, #tpu.memory_space<semaphore_mem>>)
        %dma_wait3A_45 = arith.constant 0 : i32
        %dma_wait3A_46 = tpu.memref_slice %arg16[%add3A_41, %dma_wait3A_45] : memref<10240x128xf32, #tpu.memory_space<vmem_shared>> -> memref<64x128xf32, #tpu.memory_space<vmem_shared>>
        %dma_wait3A_47 = arith.constant 0 : i32
        %dma_wait3A_48 = tpu.memref_slice %arg16[%add3A_41, %dma_wait3A_47] : memref<10240x128xf32, #tpu.memory_space<vmem_shared>> -> memref<64x128xf32, #tpu.memory_space<vmem_shared>>
        tpu.wait_dma2 semaphore(%run_scoped3A : memref<!tpu.dma_semaphore, #tpu.memory_space<semaphore_mem>>) src(%arg14 : memref<64x128xf32, #tpu.memory_space<vmem>>) dst(%dma_wait3A_48 : memref<64x128xf32, #tpu.memory_space<vmem_shared>>)
        tpu.yield
      }) : () -> ()
    }
    %scan3A_8 = arith.constant 10 : i32
    %barrier3A = arith.constant 0 : index
    tpu.barrier barrier_id(%barrier3A)
    %scan3A_9 = arith.constant 0 : i32
    %scan3A_10 = arith.constant 4 : i32
    %scan3A_11 = arith.addi %scan3A_9, %scan3A_10 : i32
    %scan3A_12 = arith.constant 1 : i32
    scf.for %scan3A_33 = %scan3A_9 to %scan3A_11 step %scan3A_12  : i32 {
      %mul3A_34 = arith.constant 1 : i32
      %mul3A_35 = arith.muli %scan3A_33, %mul3A_34 : i32
      %add3A = arith.constant 0 : i32
      %add3A_36 = arith.addi %add3A, %mul3A_35 : i32
      %mul3A_37 = arith.constant 2 : i32
      %mul3A_38 = arith.muli %add3A_36, %mul3A_37 : i32
      %add3A_39 = arith.constant 0 : i32
      %add3A_40 = arith.addi %mul3A_38, %add3A_39 : i32
      %mul3A_41 = arith.constant 40 : i32
      %mul3A_42 = arith.muli %add3A_40, %mul3A_41 : i32
      %mul3A_43 = arith.constant 64 : i32
      %mul3A_44 = arith.muli %mul3A_42, %mul3A_43 : i32
      "tpu.region"() ({
        %run_scoped3A_105 = tpu.sem_alloc : memref<!tpu.dma_semaphore, #tpu.memory_space<semaphore_mem>>
        %dma_start3A_106 = tpu.memref_slice %arg2[%arg1, %mul3A_44] : memref<16x20480xi32, #tpu.memory_space<hbm>> -> memref<1x2560xi32, #tpu.memory_space<hbm>>
        %dma_start3A_107 = tpu.memref_squeeze %dma_start3A_106 : memref<1x2560xi32, #tpu.memory_space<hbm>> -> memref<2560xi32, #tpu.memory_space<hbm>>
        %dma_start3A_108 = tpu.memref_slice %arg2[%arg1, %mul3A_44] : memref<16x20480xi32, #tpu.memory_space<hbm>> -> memref<1x2560xi32, #tpu.memory_space<hbm>>
        %dma_start3A_109 = tpu.memref_squeeze %dma_start3A_108 : memref<1x2560xi32, #tpu.memory_space<hbm>> -> memref<2560xi32, #tpu.memory_space<hbm>>
        tpu.enqueue_dma source(%dma_start3A_109 : memref<2560xi32, #tpu.memory_space<hbm>>) target(%arg7 : memref<2560xi32, #tpu.memory_space<vmem>>) target_semaphore(%run_scoped3A_105 : memref<!tpu.dma_semaphore, #tpu.memory_space<semaphore_mem>>)
        %dma_wait3A_110 = tpu.memref_slice %arg2[%arg1, %mul3A_44] : memref<16x20480xi32, #tpu.memory_space<hbm>> -> memref<1x2560xi32, #tpu.memory_space<hbm>>
        %dma_wait3A_111 = tpu.memref_squeeze %dma_wait3A_110 : memref<1x2560xi32, #tpu.memory_space<hbm>> -> memref<2560xi32, #tpu.memory_space<hbm>>
        %dma_wait3A_112 = tpu.memref_slice %arg2[%arg1, %mul3A_44] : memref<16x20480xi32, #tpu.memory_space<hbm>> -> memref<1x2560xi32, #tpu.memory_space<hbm>>
        %dma_wait3A_113 = tpu.memref_squeeze %dma_wait3A_112 : memref<1x2560xi32, #tpu.memory_space<hbm>> -> memref<2560xi32, #tpu.memory_space<hbm>>
        tpu.wait_dma2 semaphore(%run_scoped3A_105 : memref<!tpu.dma_semaphore, #tpu.memory_space<semaphore_mem>>) src(%dma_wait3A_113 : memref<2560xi32, #tpu.memory_space<hbm>>) dst(%arg7 : memref<2560xi32, #tpu.memory_space<vmem>>)
        tpu.yield
      }) : () -> ()
      %mul3A_45 = arith.constant 40 : i32
      %mul3A_46 = arith.muli %add3A_40, %mul3A_45 : i32
      %run_scoped3A = arith.constant 0 : i32
      "tpu.region"() ({
        %run_scoped3A_105 = tpu.sem_alloc : memref<!tpu.dma_semaphore, #tpu.memory_space<semaphore_mem>>
        %dma_start3A_106 = arith.constant 0 : i32
        %dma_start3A_107 = arith.constant 0 : i32
        %dma_start3A_108 = tpu.memref_slice %arg8[%run_scoped3A, %dma_start3A_106, %dma_start3A_107] : memref<2x40x64xi32, #tpu.memory_space<vmem>> -> memref<1x40x64xi32, #tpu.memory_space<vmem>>
        %dma_start3A_109 = tpu.memref_squeeze %dma_start3A_108 : memref<1x40x64xi32, #tpu.memory_space<vmem>> -> memref<40x64xi32, #tpu.memory_space<vmem>>
        %dma_start3A_110 = arith.constant 0 : i32
        %dma_start3A_111 = tpu.memref_slice %arg3[%arg1, %mul3A_46, %dma_start3A_110] : memref<16x320x64xi32, #tpu.memory_space<hbm>> -> memref<1x40x64xi32, #tpu.memory_space<hbm>>
        %dma_start3A_112 = tpu.memref_squeeze %dma_start3A_111 : memref<1x40x64xi32, #tpu.memory_space<hbm>> -> memref<40x64xi32, #tpu.memory_space<hbm>>
        %dma_start3A_113 = arith.constant 0 : i32
        %dma_start3A_114 = arith.constant 0 : i32
        %dma_start3A_115 = tpu.memref_slice %arg8[%run_scoped3A, %dma_start3A_113, %dma_start3A_114] : memref<2x40x64xi32, #tpu.memory_space<vmem>> -> memref<1x40x64xi32, #tpu.memory_space<vmem>>
        %dma_start3A_116 = tpu.memref_squeeze %dma_start3A_115 : memref<1x40x64xi32, #tpu.memory_space<vmem>> -> memref<40x64xi32, #tpu.memory_space<vmem>>
        %dma_start3A_117 = arith.constant 0 : i32
        %dma_start3A_118 = tpu.memref_slice %arg3[%arg1, %mul3A_46, %dma_start3A_117] : memref<16x320x64xi32, #tpu.memory_space<hbm>> -> memref<1x40x64xi32, #tpu.memory_space<hbm>>
        %dma_start3A_119 = tpu.memref_squeeze %dma_start3A_118 : memref<1x40x64xi32, #tpu.memory_space<hbm>> -> memref<40x64xi32, #tpu.memory_space<hbm>>
        tpu.enqueue_dma source(%dma_start3A_119 : memref<40x64xi32, #tpu.memory_space<hbm>>) target(%dma_start3A_116 : memref<40x64xi32, #tpu.memory_space<vmem>>) target_semaphore(%run_scoped3A_105 : memref<!tpu.dma_semaphore, #tpu.memory_space<semaphore_mem>>)
        %dma_wait3A_120 = arith.constant 0 : i32
        %dma_wait3A_121 = arith.constant 0 : i32
        %dma_wait3A_122 = tpu.memref_slice %arg8[%run_scoped3A, %dma_wait3A_120, %dma_wait3A_121] : memref<2x40x64xi32, #tpu.memory_space<vmem>> -> memref<1x40x64xi32, #tpu.memory_space<vmem>>
        %dma_wait3A_123 = tpu.memref_squeeze %dma_wait3A_122 : memref<1x40x64xi32, #tpu.memory_space<vmem>> -> memref<40x64xi32, #tpu.memory_space<vmem>>
        %dma_wait3A_124 = arith.constant 0 : i32
        %dma_wait3A_125 = tpu.memref_slice %arg3[%arg1, %mul3A_46, %dma_wait3A_124] : memref<16x320x64xi32, #tpu.memory_space<hbm>> -> memref<1x40x64xi32, #tpu.memory_space<hbm>>
        %dma_wait3A_126 = tpu.memref_squeeze %dma_wait3A_125 : memref<1x40x64xi32, #tpu.memory_space<hbm>> -> memref<40x64xi32, #tpu.memory_space<hbm>>
        %dma_wait3A_127 = arith.constant 0 : i32
        %dma_wait3A_128 = arith.constant 0 : i32
        %dma_wait3A_129 = tpu.memref_slice %arg8[%run_scoped3A, %dma_wait3A_127, %dma_wait3A_128] : memref<2x40x64xi32, #tpu.memory_space<vmem>> -> memref<1x40x64xi32, #tpu.memory_space<vmem>>
        %dma_wait3A_130 = tpu.memref_squeeze %dma_wait3A_129 : memref<1x40x64xi32, #tpu.memory_space<vmem>> -> memref<40x64xi32, #tpu.memory_space<vmem>>
        %dma_wait3A_131 = arith.constant 0 : i32
        %dma_wait3A_132 = tpu.memref_slice %arg3[%arg1, %mul3A_46, %dma_wait3A_131] : memref<16x320x64xi32, #tpu.memory_space<hbm>> -> memref<1x40x64xi32, #tpu.memory_space<hbm>>
        %dma_wait3A_133 = tpu.memref_squeeze %dma_wait3A_132 : memref<1x40x64xi32, #tpu.memory_space<hbm>> -> memref<40x64xi32, #tpu.memory_space<hbm>>
        tpu.wait_dma2 semaphore(%run_scoped3A_105 : memref<!tpu.dma_semaphore, #tpu.memory_space<semaphore_mem>>) src(%dma_wait3A_133 : memref<40x64xi32, #tpu.memory_space<hbm>>) dst(%dma_wait3A_130 : memref<40x64xi32, #tpu.memory_space<vmem>>)
        tpu.yield
      }) : () -> ()
      %mul3A_47 = arith.constant 40 : i32
      %mul3A_48 = arith.muli %add3A_40, %mul3A_47 : i32
      %mul3A_49 = arith.constant 64 : i32
      %mul3A_50 = arith.muli %mul3A_48, %mul3A_49 : i32
      "tpu.region"() ({
        %run_scoped3A_105 = tpu.sem_alloc : memref<!tpu.dma_semaphore, #tpu.memory_space<semaphore_mem>>
        %dma_start3A_106 = tpu.memref_slice %arg4[%arg0, %arg1, %mul3A_50] : memref<2x16x20480xf32, #tpu.memory_space<hbm>> -> memref<1x1x2560xf32, #tpu.memory_space<hbm>>
        %dma_start3A_107 = tpu.memref_squeeze %dma_start3A_106 : memref<1x1x2560xf32, #tpu.memory_space<hbm>> -> memref<2560xf32, #tpu.memory_space<hbm>>
        %dma_start3A_108 = tpu.memref_slice %arg4[%arg0, %arg1, %mul3A_50] : memref<2x16x20480xf32, #tpu.memory_space<hbm>> -> memref<1x1x2560xf32, #tpu.memory_space<hbm>>
        %dma_start3A_109 = tpu.memref_squeeze %dma_start3A_108 : memref<1x1x2560xf32, #tpu.memory_space<hbm>> -> memref<2560xf32, #tpu.memory_space<hbm>>
        tpu.enqueue_dma source(%dma_start3A_109 : memref<2560xf32, #tpu.memory_space<hbm>>) target(%arg9 : memref<2560xf32, #tpu.memory_space<vmem>>) target_semaphore(%run_scoped3A_105 : memref<!tpu.dma_semaphore, #tpu.memory_space<semaphore_mem>>)
        %dma_wait3A_110 = tpu.memref_slice %arg4[%arg0, %arg1, %mul3A_50] : memref<2x16x20480xf32, #tpu.memory_space<hbm>> -> memref<1x1x2560xf32, #tpu.memory_space<hbm>>
        %dma_wait3A_111 = tpu.memref_squeeze %dma_wait3A_110 : memref<1x1x2560xf32, #tpu.memory_space<hbm>> -> memref<2560xf32, #tpu.memory_space<hbm>>
        %dma_wait3A_112 = tpu.memref_slice %arg4[%arg0, %arg1, %mul3A_50] : memref<2x16x20480xf32, #tpu.memory_space<hbm>> -> memref<1x1x2560xf32, #tpu.memory_space<hbm>>
        %dma_wait3A_113 = tpu.memref_squeeze %dma_wait3A_112 : memref<1x1x2560xf32, #tpu.memory_space<hbm>> -> memref<2560xf32, #tpu.memory_space<hbm>>
        tpu.wait_dma2 semaphore(%run_scoped3A_105 : memref<!tpu.dma_semaphore, #tpu.memory_space<semaphore_mem>>) src(%dma_wait3A_113 : memref<2560xf32, #tpu.memory_space<hbm>>) dst(%arg9 : memref<2560xf32, #tpu.memory_space<vmem>>)
        tpu.yield
      }) : () -> ()
      %dma_start3A = arith.constant 0 : i32
      %dma_start3A_51 = tpu.memref_slice %arg7[%dma_start3A] : memref<2560xi32, #tpu.memory_space<vmem>> -> memref<64xi32, #tpu.memory_space<vmem>>
      %dma_start3A_52 = arith.constant 0 : i32
      %dma_start3A_53 = arith.constant 0 : i32
      %dma_start3A_54 = tpu.memref_slice %arg5[%dma_start3A_52, %dma_start3A_53] : memref<10000x64xi32, #tpu.memory_space<hbm>> -> memref<10000x64xi32, #tpu.memory_space<hbm>>
      tpu.enqueue_indirect_dma source(%dma_start3A_54 : memref<10000x64xi32, #tpu.memory_space<hbm>>) target(%arg10 : memref<64x64xi32, #tpu.memory_space<vmem>>) offsets(%dma_start3A_51 : memref<64xi32, #tpu.memory_space<vmem>>) semaphore(%arg17 : memref<!tpu.dma_semaphore, #tpu.memory_space<semaphore_mem>>)
      %dma_start3A_55 = arith.constant 64 : i32
      %dma_start3A_56 = tpu.memref_slice %arg7[%dma_start3A_55] : memref<2560xi32, #tpu.memory_space<vmem>> -> memref<64xi32, #tpu.memory_space<vmem>>
      %dma_start3A_57 = arith.constant 0 : i32
      %dma_start3A_58 = arith.constant 0 : i32
      %dma_start3A_59 = tpu.memref_slice %arg5[%dma_start3A_57, %dma_start3A_58] : memref<10000x64xi32, #tpu.memory_space<hbm>> -> memref<10000x64xi32, #tpu.memory_space<hbm>>
      tpu.enqueue_indirect_dma source(%dma_start3A_59 : memref<10000x64xi32, #tpu.memory_space<hbm>>) target(%arg11 : memref<64x64xi32, #tpu.memory_space<vmem>>) offsets(%dma_start3A_56 : memref<64xi32, #tpu.memory_space<vmem>>) semaphore(%arg18 : memref<!tpu.dma_semaphore, #tpu.memory_space<semaphore_mem>>)
      %dma_start3A_60 = arith.constant 128 : i32
      %dma_start3A_61 = tpu.memref_slice %arg7[%dma_start3A_60] : memref<2560xi32, #tpu.memory_space<vmem>> -> memref<64xi32, #tpu.memory_space<vmem>>
      %dma_start3A_62 = arith.constant 0 : i32
      %dma_start3A_63 = arith.constant 0 : i32
      %dma_start3A_64 = tpu.memref_slice %arg5[%dma_start3A_62, %dma_start3A_63] : memref<10000x64xi32, #tpu.memory_space<hbm>> -> memref<10000x64xi32, #tpu.memory_space<hbm>>
      tpu.enqueue_indirect_dma source(%dma_start3A_64 : memref<10000x64xi32, #tpu.memory_space<hbm>>) target(%arg12 : memref<64x64xi32, #tpu.memory_space<vmem>>) offsets(%dma_start3A_61 : memref<64xi32, #tpu.memory_space<vmem>>) semaphore(%arg19 : memref<!tpu.dma_semaphore, #tpu.memory_space<semaphore_mem>>)
      %scan3A_65 = arith.constant 0 : i32
      %scan3A_66 = arith.constant 10 : i32
      %scan3A_67 = arith.addi %scan3A_65, %scan3A_66 : i32
      %scan3A_68 = arith.constant 1 : i32
      scf.for %scan3A_105 = %scan3A_65 to %scan3A_67 step %scan3A_68  : i32 {
        %mul3A_106 = arith.constant 1 : i32
        %mul3A_107 = arith.muli %scan3A_105, %mul3A_106 : i32
        %add3A_108 = arith.constant 0 : i32
        %add3A_109 = arith.addi %add3A_108, %mul3A_107 : i32
        %mul3A_110 = arith.constant 4 : i32
        %mul3A_111 = arith.muli %add3A_109, %mul3A_110 : i32
        %add3A_112 = arith.constant 0 : i32
        %add3A_113 = arith.addi %mul3A_111, %add3A_112 : i32
        %add3A_114 = arith.constant 4 : i32
        %add3A_115 = arith.addi %add3A_113, %add3A_114 : i32
        %sub3A = arith.constant 1 : i32
        %sub3A_116 = arith.subi %add3A_115, %sub3A : i32
        %lt3A = arith.constant 40 : i32
        %lt3A_117 = arith.cmpi slt, %sub3A_116, %lt3A : i32
        %convert_element_type3A = arith.extui %lt3A_117 : i1 to i32
        %cond3A = arith.constant 0 : i32
        %cond3A_118 = arith.cmpi ne, %convert_element_type3A, %cond3A : i32
        scf.if %cond3A_118 {
          %add3A_260 = arith.constant 4 : i32
          %add3A_261 = arith.addi %add3A_113, %add3A_260 : i32
          %sub3A_262 = arith.constant 1 : i32
          %sub3A_263 = arith.subi %add3A_261, %sub3A_262 : i32
          %mul3A_264 = arith.constant 64 : i32
          %mul3A_265 = arith.muli %sub3A_263, %mul3A_264 : i32
          %dma_start3A_266 = tpu.memref_slice %arg7[%mul3A_265] : memref<2560xi32, #tpu.memory_space<vmem>> -> memref<64xi32, #tpu.memory_space<vmem>>
          %dma_start3A_267 = arith.constant 0 : i32
          %dma_start3A_268 = arith.constant 0 : i32
          %dma_start3A_269 = tpu.memref_slice %arg5[%dma_start3A_267, %dma_start3A_268] : memref<10000x64xi32, #tpu.memory_space<hbm>> -> memref<10000x64xi32, #tpu.memory_space<hbm>>
          tpu.enqueue_indirect_dma source(%dma_start3A_269 : memref<10000x64xi32, #tpu.memory_space<hbm>>) target(%arg13 : memref<64x64xi32, #tpu.memory_space<vmem>>) offsets(%dma_start3A_266 : memref<64xi32, #tpu.memory_space<vmem>>) semaphore(%arg20 : memref<!tpu.dma_semaphore, #tpu.memory_space<semaphore_mem>>)
        } else {
        }
        %gt3A = arith.constant 0 : i32
        %gt3A_119 = arith.cmpi sgt, %add3A_40, %gt3A : i32
        %gt3A_120 = arith.constant 1 : i32
        %gt3A_121 = arith.cmpi sgt, %add3A_113, %gt3A_120 : i32
        %or3A = arith.ori %gt3A_119, %gt3A_121 : i1
        %convert_element_type3A_122 = arith.extui %or3A : i1 to i32
        %cond3A_123 = arith.constant 0 : i32
        %cond3A_124 = arith.cmpi ne, %convert_element_type3A_122, %cond3A_123 : i32
        scf.if %cond3A_124 {
          %dma_wait3A_260 = arith.constant 0 : i32
          %dma_wait3A_261 = arith.constant 0 : i32
          %dma_wait3A_262 = tpu.memref_slice %arg8[%dma_wait3A_260, %add3A_113, %dma_wait3A_261] : memref<2x40x64xi32, #tpu.memory_space<vmem>> -> memref<1x1x64xi32, #tpu.memory_space<vmem>>
          %dma_wait3A_263 = tpu.memref_squeeze %dma_wait3A_262 : memref<1x1x64xi32, #tpu.memory_space<vmem>> -> memref<64xi32, #tpu.memory_space<vmem>>
          %dma_wait3A_264 = arith.constant 0 : i32
          %dma_wait3A_265 = arith.constant 0 : i32
          %dma_wait3A_266 = tpu.memref_slice %arg16[%dma_wait3A_264, %dma_wait3A_265] : memref<10240x128xf32, #tpu.memory_space<vmem_shared>> -> memref<10240x128xf32, #tpu.memory_space<vmem_shared>>
          tpu.wait_indirect_dma semaphore(%arg21 : memref<!tpu.dma_semaphore, #tpu.memory_space<semaphore_mem>>) src(%arg14 : memref<64x128xf32, #tpu.memory_space<vmem>>) dst(%dma_wait3A_266 : memref<10240x128xf32, #tpu.memory_space<vmem_shared>>)
        } else {
        }
        %mul3A_125 = arith.constant 64 : i32
        %mul3A_126 = arith.muli %add3A_113, %mul3A_125 : i32
        %dma_wait3A_127 = tpu.memref_slice %arg7[%mul3A_126] : memref<2560xi32, #tpu.memory_space<vmem>> -> memref<64xi32, #tpu.memory_space<vmem>>
        %dma_wait3A_128 = arith.constant 0 : i32
        %dma_wait3A_129 = arith.constant 0 : i32
        %dma_wait3A_130 = tpu.memref_slice %arg5[%dma_wait3A_128, %dma_wait3A_129] : memref<10000x64xi32, #tpu.memory_space<hbm>> -> memref<10000x64xi32, #tpu.memory_space<hbm>>
        tpu.wait_indirect_dma semaphore(%arg17 : memref<!tpu.dma_semaphore, #tpu.memory_space<semaphore_mem>>) src(%dma_wait3A_130 : memref<10000x64xi32, #tpu.memory_space<hbm>>) dst(%arg10 : memref<64x64xi32, #tpu.memory_space<vmem>>)
        %scan3A_131 = arith.constant 0 : i32
        %scan3A_132 = arith.constant 64 : i32
        %scan3A_133 = arith.addi %scan3A_131, %scan3A_132 : i32
        %scan3A_134 = arith.constant 1 : i32
        scf.for %scan3A_260 = %scan3A_131 to %scan3A_133 step %scan3A_134  : i32 {
          %mul3A_261 = arith.constant 1 : i32
          %mul3A_262 = arith.muli %scan3A_260, %mul3A_261 : i32
          %add3A_263 = arith.constant 0 : i32
          %add3A_264 = arith.addi %add3A_263, %mul3A_262 : i32
          %mul3A_265 = arith.constant 64 : i32
          %mul3A_266 = arith.muli %add3A_113, %mul3A_265 : i32
          %add3A_267 = arith.addi %mul3A_266, %add3A_264 : i32
          %broadcast_in_dim3A = vector.broadcast %add3A_267 : i32 to vector<16xi32>
          %gather3A = tpu.vector_load_idx %arg9[%broadcast_in_dim3A] : memref<2560xf32, #tpu.memory_space<vmem>>[vector<16xi32>], vector<16xf32>,
          %get3A = arith.index_cast %add3A_264 : i32 to index
          %get3A_268 = arith.constant 0 : index
          %get3A_269 = tpu.vector_load %arg10[%get3A, %get3A_268] {strides = array<i32>} : memref<64x64xi32, #tpu.memory_space<vmem>>, vector<16xi32>,
          %bitcast3A = vector.bitcast %get3A_269 : vector<16xi32> to vector<16xi32>
          %shift_left3A = arith.constant 16 : i32
          %shift_left3A_270 = vector.broadcast %shift_left3A : i32 to vector<16xi32>
          %shift_left3A_271 = arith.shli %bitcast3A, %shift_left3A_270 : vector<16xi32>
          %bitcast3A_272 = vector.bitcast %shift_left3A_271 : vector<16xi32> to vector<16xf32>
          %and3A = arith.constant -65536 : i32
          %and3A_273 = vector.broadcast %and3A : i32 to vector<16xi32>
          %and3A_274 = arith.andi %bitcast3A, %and3A_273 : vector<16xi32>
          %bitcast3A_275 = vector.bitcast %and3A_274 : vector<16xi32> to vector<16xf32>
          %mul3A_276 = arith.mulf %bitcast3A_272, %gather3A : vector<16xf32>
          %swap3A = arith.index_cast %add3A_264 : i32 to index
          %swap3A_277 = arith.constant 0 : index
          %swap3A_278 = tpu.vector_load %arg14[%swap3A, %swap3A_277] {strides = array<i32>} : memref<64x128xf32, #tpu.memory_space<vmem>>, vector<16xf32>,
          tpu.vector_store %arg14[%swap3A, %swap3A_277], %mul3A_276 {strides = array<i32>} : memref<64x128xf32, #tpu.memory_space<vmem>>, vector<16xf32>,
          %mul3A_279 = arith.mulf %bitcast3A_275, %gather3A : vector<16xf32>
          %swap3A_280 = arith.index_cast %add3A_264 : i32 to index
          %swap3A_281 = arith.constant 16 : index
          %swap3A_282 = tpu.vector_load %arg14[%swap3A_280, %swap3A_281] {strides = array<i32>} : memref<64x128xf32, #tpu.memory_space<vmem>>, vector<16xf32>,
          tpu.vector_store %arg14[%swap3A_280, %swap3A_281], %mul3A_279 {strides = array<i32>} : memref<64x128xf32, #tpu.memory_space<vmem>>, vector<16xf32>,
          %get3A_283 = arith.index_cast %add3A_264 : i32 to index
          %get3A_284 = arith.constant 16 : index
          %get3A_285 = tpu.vector_load %arg10[%get3A_283, %get3A_284] {strides = array<i32>} : memref<64x64xi32, #tpu.memory_space<vmem>>, vector<16xi32>,
          %bitcast3A_286 = vector.bitcast %get3A_285 : vector<16xi32> to vector<16xi32>
          %shift_left3A_287 = arith.constant 16 : i32
          %shift_left3A_288 = vector.broadcast %shift_left3A_287 : i32 to vector<16xi32>
          %shift_left3A_289 = arith.shli %bitcast3A_286, %shift_left3A_288 : vector<16xi32>
          %bitcast3A_290 = vector.bitcast %shift_left3A_289 : vector<16xi32> to vector<16xf32>
          %and3A_291 = arith.constant -65536 : i32
          %and3A_292 = vector.broadcast %and3A_291 : i32 to vector<16xi32>
          %and3A_293 = arith.andi %bitcast3A_286, %and3A_292 : vector<16xi32>
          %bitcast3A_294 = vector.bitcast %and3A_293 : vector<16xi32> to vector<16xf32>
          %mul3A_295 = arith.mulf %bitcast3A_290, %gather3A : vector<16xf32>
          %swap3A_296 = arith.index_cast %add3A_264 : i32 to index
          %swap3A_297 = arith.constant 32 : index
          %swap3A_298 = tpu.vector_load %arg14[%swap3A_296, %swap3A_297] {strides = array<i32>} : memref<64x128xf32, #tpu.memory_space<vmem>>, vector<16xf32>,
          tpu.vector_store %arg14[%swap3A_296, %swap3A_297], %mul3A_295 {strides = array<i32>} : memref<64x128xf32, #tpu.memory_space<vmem>>, vector<16xf32>,
          %mul3A_299 = arith.mulf %bitcast3A_294, %gather3A : vector<16xf32>
          %swap3A_300 = arith.index_cast %add3A_264 : i32 to index
          %swap3A_301 = arith.constant 48 : index
          %swap3A_302 = tpu.vector_load %arg14[%swap3A_300, %swap3A_301] {strides = array<i32>} : memref<64x128xf32, #tpu.memory_space<vmem>>, vector<16xf32>,
          tpu.vector_store %arg14[%swap3A_300, %swap3A_301], %mul3A_299 {strides = array<i32>} : memref<64x128xf32, #tpu.memory_space<vmem>>, vector<16xf32>,
          %get3A_303 = arith.index_cast %add3A_264 : i32 to index
          %get3A_304 = arith.constant 32 : index
          %get3A_305 = tpu.vector_load %arg10[%get3A_303, %get3A_304] {strides = array<i32>} : memref<64x64xi32, #tpu.memory_space<vmem>>, vector<16xi32>,
          %bitcast3A_306 = vector.bitcast %get3A_305 : vector<16xi32> to vector<16xi32>
          %shift_left3A_307 = arith.constant 16 : i32
          %shift_left3A_308 = vector.broadcast %shift_left3A_307 : i32 to vector<16xi32>
          %shift_left3A_309 = arith.shli %bitcast3A_306, %shift_left3A_308 : vector<16xi32>
          %bitcast3A_310 = vector.bitcast %shift_left3A_309 : vector<16xi32> to vector<16xf32>
          %and3A_311 = arith.constant -65536 : i32
          %and3A_312 = vector.broadcast %and3A_311 : i32 to vector<16xi32>
          %and3A_313 = arith.andi %bitcast3A_306, %and3A_312 : vector<16xi32>
          %bitcast3A_314 = vector.bitcast %and3A_313 : vector<16xi32> to vector<16xf32>
          %mul3A_315 = arith.mulf %bitcast3A_310, %gather3A : vector<16xf32>
          %swap3A_316 = arith.index_cast %add3A_264 : i32 to index
          %swap3A_317 = arith.constant 64 : index
          %swap3A_318 = tpu.vector_load %arg14[%swap3A_316, %swap3A_317] {strides = array<i32>} : memref<64x128xf32, #tpu.memory_space<vmem>>, vector<16xf32>,
          tpu.vector_store %arg14[%swap3A_316, %swap3A_317], %mul3A_315 {strides = array<i32>} : memref<64x128xf32, #tpu.memory_space<vmem>>, vector<16xf32>,
          %mul3A_319 = arith.mulf %bitcast3A_314, %gather3A : vector<16xf32>
          %swap3A_320 = arith.index_cast %add3A_264 : i32 to index
          %swap3A_321 = arith.constant 80 : index
          %swap3A_322 = tpu.vector_load %arg14[%swap3A_320, %swap3A_321] {strides = array<i32>} : memref<64x128xf32, #tpu.memory_space<vmem>>, vector<16xf32>,
          tpu.vector_store %arg14[%swap3A_320, %swap3A_321], %mul3A_319 {strides = array<i32>} : memref<64x128xf32, #tpu.memory_space<vmem>>, vector<16xf32>,
          %get3A_323 = arith.index_cast %add3A_264 : i32 to index
          %get3A_324 = arith.constant 48 : index
          %get3A_325 = tpu.vector_load %arg10[%get3A_323, %get3A_324] {strides = array<i32>} : memref<64x64xi32, #tpu.memory_space<vmem>>, vector<16xi32>,
          %bitcast3A_326 = vector.bitcast %get3A_325 : vector<16xi32> to vector<16xi32>
          %shift_left3A_327 = arith.constant 16 : i32
          %shift_left3A_328 = vector.broadcast %shift_left3A_327 : i32 to vector<16xi32>
          %shift_left3A_329 = arith.shli %bitcast3A_326, %shift_left3A_328 : vector<16xi32>
          %bitcast3A_330 = vector.bitcast %shift_left3A_329 : vector<16xi32> to vector<16xf32>
          %and3A_331 = arith.constant -65536 : i32
          %and3A_332 = vector.broadcast %and3A_331 : i32 to vector<16xi32>
          %and3A_333 = arith.andi %bitcast3A_326, %and3A_332 : vector<16xi32>
          %bitcast3A_334 = vector.bitcast %and3A_333 : vector<16xi32> to vector<16xf32>
          %mul3A_335 = arith.mulf %bitcast3A_330, %gather3A : vector<16xf32>
          %swap3A_336 = arith.index_cast %add3A_264 : i32 to index
          %swap3A_337 = arith.constant 96 : index
          %swap3A_338 = tpu.vector_load %arg14[%swap3A_336, %swap3A_337] {strides = array<i32>} : memref<64x128xf32, #tpu.memory_space<vmem>>, vector<16xf32>,
          tpu.vector_store %arg14[%swap3A_336, %swap3A_337], %mul3A_335 {strides = array<i32>} : memref<64x128xf32, #tpu.memory_space<vmem>>, vector<16xf32>,
          %mul3A_339 = arith.mulf %bitcast3A_334, %gather3A : vector<16xf32>
          %swap3A_340 = arith.index_cast %add3A_264 : i32 to index
          %swap3A_341 = arith.constant 112 : index
          %swap3A_342 = tpu.vector_load %arg14[%swap3A_340, %swap3A_341] {strides = array<i32>} : memref<64x128xf32, #tpu.memory_space<vmem>>, vector<16xf32>,
          tpu.vector_store %arg14[%swap3A_340, %swap3A_341], %mul3A_339 {strides = array<i32>} : memref<64x128xf32, #tpu.memory_space<vmem>>, vector<16xf32>,
        }
        %scan3A_135 = arith.constant 64 : i32
        %dma_start3A_136 = arith.constant 0 : i32
        %dma_start3A_137 = arith.constant 0 : i32
        %dma_start3A_138 = tpu.memref_slice %arg8[%dma_start3A_136, %add3A_113, %dma_start3A_137] : memref<2x40x64xi32, #tpu.memory_space<vmem>> -> memref<1x1x64xi32, #tpu.memory_space<vmem>>
        %dma_start3A_139 = tpu.memref_squeeze %dma_start3A_138 : memref<1x1x64xi32, #tpu.memory_space<vmem>> -> memref<64xi32, #tpu.memory_space<vmem>>
        %dma_start3A_140 = arith.constant 0 : i32
        %dma_start3A_141 = arith.constant 0 : i32
        %dma_start3A_142 = tpu.memref_slice %arg16[%dma_start3A_140, %dma_start3A_141] : memref<10240x128xf32, #tpu.memory_space<vmem_shared>> -> memref<10240x128xf32, #tpu.memory_space<vmem_shared>>
        tpu.enqueue_indirect_dma source(%arg14 : memref<64x128xf32, #tpu.memory_space<vmem>>) target(%dma_start3A_142 : memref<10240x128xf32, #tpu.memory_space<vmem_shared>>) offsets(%dma_start3A_139 : memref<64xi32, #tpu.memory_space<vmem>>) semaphore(%arg21 : memref<!tpu.dma_semaphore, #tpu.memory_space<semaphore_mem>>) {add = true}
        %mul3A_143 = arith.constant 4 : i32
        %mul3A_144 = arith.muli %add3A_109, %mul3A_143 : i32
        %add3A_145 = arith.constant 1 : i32
        %add3A_146 = arith.addi %mul3A_144, %add3A_145 : i32
        %add3A_147 = arith.constant 4 : i32
        %add3A_148 = arith.addi %add3A_146, %add3A_147 : i32
        %sub3A_149 = arith.constant 1 : i32
        %sub3A_150 = arith.subi %add3A_148, %sub3A_149 : i32
        %lt3A_151 = arith.constant 40 : i32
        %lt3A_152 = arith.cmpi slt, %sub3A_150, %lt3A_151 : i32
        %convert_element_type3A_153 = arith.extui %lt3A_152 : i1 to i32
        %cond3A_154 = arith.constant 0 : i32
        %cond3A_155 = arith.cmpi ne, %convert_element_type3A_153, %cond3A_154 : i32
        scf.if %cond3A_155 {
          %add3A_260 = arith.constant 4 : i32
          %add3A_261 = arith.addi %add3A_146, %add3A_260 : i32
          %sub3A_262 = arith.constant 1 : i32
          %sub3A_263 = arith.subi %add3A_261, %sub3A_262 : i32
          %mul3A_264 = arith.constant 64 : i32
          %mul3A_265 = arith.muli %sub3A_263, %mul3A_264 : i32
          %dma_start3A_266 = tpu.memref_slice %arg7[%mul3A_265] : memref<2560xi32, #tpu.memory_space<vmem>> -> memref<64xi32, #tpu.memory_space<vmem>>
          %dma_start3A_267 = arith.constant 0 : i32
          %dma_start3A_268 = arith.constant 0 : i32
          %dma_start3A_269 = tpu.memref_slice %arg5[%dma_start3A_267, %dma_start3A_268] : memref<10000x64xi32, #tpu.memory_space<hbm>> -> memref<10000x64xi32, #tpu.memory_space<hbm>>
          tpu.enqueue_indirect_dma source(%dma_start3A_269 : memref<10000x64xi32, #tpu.memory_space<hbm>>) target(%arg10 : memref<64x64xi32, #tpu.memory_space<vmem>>) offsets(%dma_start3A_266 : memref<64xi32, #tpu.memory_space<vmem>>) semaphore(%arg17 : memref<!tpu.dma_semaphore, #tpu.memory_space<semaphore_mem>>)
        } else {
        }
        %gt3A_156 = arith.constant 0 : i32
        %gt3A_157 = arith.cmpi sgt, %add3A_40, %gt3A_156 : i32
        %gt3A_158 = arith.constant 1 : i32
        %gt3A_159 = arith.cmpi sgt, %add3A_146, %gt3A_158 : i32
        %or3A_160 = arith.ori %gt3A_157, %gt3A_159 : i1
        %convert_element_type3A_161 = arith.extui %or3A_160 : i1 to i32
        %cond3A_162 = arith.constant 0 : i32
        %cond3A_163 = arith.cmpi ne, %convert_element_type3A_161, %cond3A_162 : i32
        scf.if %cond3A_163 {
          %dma_wait3A_260 = arith.constant 0 : i32
          %dma_wait3A_261 = arith.constant 0 : i32
          %dma_wait3A_262 = tpu.memref_slice %arg8[%dma_wait3A_260, %add3A_146, %dma_wait3A_261] : memref<2x40x64xi32, #tpu.memory_space<vmem>> -> memref<1x1x64xi32, #tpu.memory_space<vmem>>
          %dma_wait3A_263 = tpu.memref_squeeze %dma_wait3A_262 : memref<1x1x64xi32, #tpu.memory_space<vmem>> -> memref<64xi32, #tpu.memory_space<vmem>>
          %dma_wait3A_264 = arith.constant 0 : i32
          %dma_wait3A_265 = arith.constant 0 : i32
          %dma_wait3A_266 = tpu.memref_slice %arg16[%dma_wait3A_264, %dma_wait3A_265] : memref<10240x128xf32, #tpu.memory_space<vmem_shared>> -> memref<10240x128xf32, #tpu.memory_space<vmem_shared>>
          tpu.wait_indirect_dma semaphore(%arg22 : memref<!tpu.dma_semaphore, #tpu.memory_space<semaphore_mem>>) src(%arg15 : memref<64x128xf32, #tpu.memory_space<vmem>>) dst(%dma_wait3A_266 : memref<10240x128xf32, #tpu.memory_space<vmem_shared>>)
        } else {
        }
        %mul3A_164 = arith.constant 64 : i32
        %mul3A_165 = arith.muli %add3A_146, %mul3A_164 : i32
        %dma_wait3A_166 = tpu.memref_slice %arg7[%mul3A_165] : memref<2560xi32, #tpu.memory_space<vmem>> -> memref<64xi32, #tpu.memory_space<vmem>>
        %dma_wait3A_167 = arith.constant 0 : i32
        %dma_wait3A_168 = arith.constant 0 : i32
        %dma_wait3A_169 = tpu.memref_slice %arg5[%dma_wait3A_167, %dma_wait3A_168] : memref<10000x64xi32, #tpu.memory_space<hbm>> -> memref<10000x64xi32, #tpu.memory_space<hbm>>
        tpu.wait_indirect_dma semaphore(%arg18 : memref<!tpu.dma_semaphore, #tpu.memory_space<semaphore_mem>>) src(%dma_wait3A_169 : memref<10000x64xi32, #tpu.memory_space<hbm>>) dst(%arg11 : memref<64x64xi32, #tpu.memory_space<vmem>>)
        %scan3A_170 = arith.constant 0 : i32
        %scan3A_171 = arith.constant 64 : i32
        %scan3A_172 = arith.addi %scan3A_170, %scan3A_171 : i32
        %scan3A_173 = arith.constant 1 : i32
        scf.for %scan3A_260 = %scan3A_170 to %scan3A_172 step %scan3A_173  : i32 {
          %mul3A_261 = arith.constant 1 : i32
          %mul3A_262 = arith.muli %scan3A_260, %mul3A_261 : i32
          %add3A_263 = arith.constant 0 : i32
          %add3A_264 = arith.addi %add3A_263, %mul3A_262 : i32
          %mul3A_265 = arith.constant 64 : i32
          %mul3A_266 = arith.muli %add3A_146, %mul3A_265 : i32
          %add3A_267 = arith.addi %mul3A_266, %add3A_264 : i32
          %broadcast_in_dim3A = vector.broadcast %add3A_267 : i32 to vector<16xi32>
          %gather3A = tpu.vector_load_idx %arg9[%broadcast_in_dim3A] : memref<2560xf32, #tpu.memory_space<vmem>>[vector<16xi32>], vector<16xf32>,
          %get3A = arith.index_cast %add3A_264 : i32 to index
          %get3A_268 = arith.constant 0 : index
          %get3A_269 = tpu.vector_load %arg11[%get3A, %get3A_268] {strides = array<i32>} : memref<64x64xi32, #tpu.memory_space<vmem>>, vector<16xi32>,
          %bitcast3A = vector.bitcast %get3A_269 : vector<16xi32> to vector<16xi32>
          %shift_left3A = arith.constant 16 : i32
          %shift_left3A_270 = vector.broadcast %shift_left3A : i32 to vector<16xi32>
          %shift_left3A_271 = arith.shli %bitcast3A, %shift_left3A_270 : vector<16xi32>
          %bitcast3A_272 = vector.bitcast %shift_left3A_271 : vector<16xi32> to vector<16xf32>
          %and3A = arith.constant -65536 : i32
          %and3A_273 = vector.broadcast %and3A : i32 to vector<16xi32>
          %and3A_274 = arith.andi %bitcast3A, %and3A_273 : vector<16xi32>
          %bitcast3A_275 = vector.bitcast %and3A_274 : vector<16xi32> to vector<16xf32>
          %mul3A_276 = arith.mulf %bitcast3A_272, %gather3A : vector<16xf32>
          %swap3A = arith.index_cast %add3A_264 : i32 to index
          %swap3A_277 = arith.constant 0 : index
          %swap3A_278 = tpu.vector_load %arg15[%swap3A, %swap3A_277] {strides = array<i32>} : memref<64x128xf32, #tpu.memory_space<vmem>>, vector<16xf32>,
          tpu.vector_store %arg15[%swap3A, %swap3A_277], %mul3A_276 {strides = array<i32>} : memref<64x128xf32, #tpu.memory_space<vmem>>, vector<16xf32>,
          %mul3A_279 = arith.mulf %bitcast3A_275, %gather3A : vector<16xf32>
          %swap3A_280 = arith.index_cast %add3A_264 : i32 to index
          %swap3A_281 = arith.constant 16 : index
          %swap3A_282 = tpu.vector_load %arg15[%swap3A_280, %swap3A_281] {strides = array<i32>} : memref<64x128xf32, #tpu.memory_space<vmem>>, vector<16xf32>,
          tpu.vector_store %arg15[%swap3A_280, %swap3A_281], %mul3A_279 {strides = array<i32>} : memref<64x128xf32, #tpu.memory_space<vmem>>, vector<16xf32>,
          %get3A_283 = arith.index_cast %add3A_264 : i32 to index
          %get3A_284 = arith.constant 16 : index
          %get3A_285 = tpu.vector_load %arg11[%get3A_283, %get3A_284] {strides = array<i32>} : memref<64x64xi32, #tpu.memory_space<vmem>>, vector<16xi32>,
          %bitcast3A_286 = vector.bitcast %get3A_285 : vector<16xi32> to vector<16xi32>
          %shift_left3A_287 = arith.constant 16 : i32
          %shift_left3A_288 = vector.broadcast %shift_left3A_287 : i32 to vector<16xi32>
          %shift_left3A_289 = arith.shli %bitcast3A_286, %shift_left3A_288 : vector<16xi32>
          %bitcast3A_290 = vector.bitcast %shift_left3A_289 : vector<16xi32> to vector<16xf32>
          %and3A_291 = arith.constant -65536 : i32
          %and3A_292 = vector.broadcast %and3A_291 : i32 to vector<16xi32>
          %and3A_293 = arith.andi %bitcast3A_286, %and3A_292 : vector<16xi32>
          %bitcast3A_294 = vector.bitcast %and3A_293 : vector<16xi32> to vector<16xf32>
          %mul3A_295 = arith.mulf %bitcast3A_290, %gather3A : vector<16xf32>
          %swap3A_296 = arith.index_cast %add3A_264 : i32 to index
          %swap3A_297 = arith.constant 32 : index
          %swap3A_298 = tpu.vector_load %arg15[%swap3A_296, %swap3A_297] {strides = array<i32>} : memref<64x128xf32, #tpu.memory_space<vmem>>, vector<16xf32>,
          tpu.vector_store %arg15[%swap3A_296, %swap3A_297], %mul3A_295 {strides = array<i32>} : memref<64x128xf32, #tpu.memory_space<vmem>>, vector<16xf32>,
          %mul3A_299 = arith.mulf %bitcast3A_294, %gather3A : vector<16xf32>
          %swap3A_300 = arith.index_cast %add3A_264 : i32 to index
          %swap3A_301 = arith.constant 48 : index
          %swap3A_302 = tpu.vector_load %arg15[%swap3A_300, %swap3A_301] {strides = array<i32>} : memref<64x128xf32, #tpu.memory_space<vmem>>, vector<16xf32>,
          tpu.vector_store %arg15[%swap3A_300, %swap3A_301], %mul3A_299 {strides = array<i32>} : memref<64x128xf32, #tpu.memory_space<vmem>>, vector<16xf32>,
          %get3A_303 = arith.index_cast %add3A_264 : i32 to index
          %get3A_304 = arith.constant 32 : index
          %get3A_305 = tpu.vector_load %arg11[%get3A_303, %get3A_304] {strides = array<i32>} : memref<64x64xi32, #tpu.memory_space<vmem>>, vector<16xi32>,
          %bitcast3A_306 = vector.bitcast %get3A_305 : vector<16xi32> to vector<16xi32>
          %shift_left3A_307 = arith.constant 16 : i32
          %shift_left3A_308 = vector.broadcast %shift_left3A_307 : i32 to vector<16xi32>
          %shift_left3A_309 = arith.shli %bitcast3A_306, %shift_left3A_308 : vector<16xi32>
          %bitcast3A_310 = vector.bitcast %shift_left3A_309 : vector<16xi32> to vector<16xf32>
          %and3A_311 = arith.constant -65536 : i32
          %and3A_312 = vector.broadcast %and3A_311 : i32 to vector<16xi32>
          %and3A_313 = arith.andi %bitcast3A_306, %and3A_312 : vector<16xi32>
          %bitcast3A_314 = vector.bitcast %and3A_313 : vector<16xi32> to vector<16xf32>
          %mul3A_315 = arith.mulf %bitcast3A_310, %gather3A : vector<16xf32>
          %swap3A_316 = arith.index_cast %add3A_264 : i32 to index
          %swap3A_317 = arith.constant 64 : index
          %swap3A_318 = tpu.vector_load %arg15[%swap3A_316, %swap3A_317] {strides = array<i32>} : memref<64x128xf32, #tpu.memory_space<vmem>>, vector<16xf32>,
          tpu.vector_store %arg15[%swap3A_316, %swap3A_317], %mul3A_315 {strides = array<i32>} : memref<64x128xf32, #tpu.memory_space<vmem>>, vector<16xf32>,
          %mul3A_319 = arith.mulf %bitcast3A_314, %gather3A : vector<16xf32>
          %swap3A_320 = arith.index_cast %add3A_264 : i32 to index
          %swap3A_321 = arith.constant 80 : index
          %swap3A_322 = tpu.vector_load %arg15[%swap3A_320, %swap3A_321] {strides = array<i32>} : memref<64x128xf32, #tpu.memory_space<vmem>>, vector<16xf32>,
          tpu.vector_store %arg15[%swap3A_320, %swap3A_321], %mul3A_319 {strides = array<i32>} : memref<64x128xf32, #tpu.memory_space<vmem>>, vector<16xf32>,
          %get3A_323 = arith.index_cast %add3A_264 : i32 to index
          %get3A_324 = arith.constant 48 : index
          %get3A_325 = tpu.vector_load %arg11[%get3A_323, %get3A_324] {strides = array<i32>} : memref<64x64xi32, #tpu.memory_space<vmem>>, vector<16xi32>,
          %bitcast3A_326 = vector.bitcast %get3A_325 : vector<16xi32> to vector<16xi32>
          %shift_left3A_327 = arith.constant 16 : i32
          %shift_left3A_328 = vector.broadcast %shift_left3A_327 : i32 to vector<16xi32>
          %shift_left3A_329 = arith.shli %bitcast3A_326, %shift_left3A_328 : vector<16xi32>
          %bitcast3A_330 = vector.bitcast %shift_left3A_329 : vector<16xi32> to vector<16xf32>
          %and3A_331 = arith.constant -65536 : i32
          %and3A_332 = vector.broadcast %and3A_331 : i32 to vector<16xi32>
          %and3A_333 = arith.andi %bitcast3A_326, %and3A_332 : vector<16xi32>
          %bitcast3A_334 = vector.bitcast %and3A_333 : vector<16xi32> to vector<16xf32>
          %mul3A_335 = arith.mulf %bitcast3A_330, %gather3A : vector<16xf32>
          %swap3A_336 = arith.index_cast %add3A_264 : i32 to index
          %swap3A_337 = arith.constant 96 : index
          %swap3A_338 = tpu.vector_load %arg15[%swap3A_336, %swap3A_337] {strides = array<i32>} : memref<64x128xf32, #tpu.memory_space<vmem>>, vector<16xf32>,
          tpu.vector_store %arg15[%swap3A_336, %swap3A_337], %mul3A_335 {strides = array<i32>} : memref<64x128xf32, #tpu.memory_space<vmem>>, vector<16xf32>,
          %mul3A_339 = arith.mulf %bitcast3A_334, %gather3A : vector<16xf32>
          %swap3A_340 = arith.index_cast %add3A_264 : i32 to index
          %swap3A_341 = arith.constant 112 : index
          %swap3A_342 = tpu.vector_load %arg15[%swap3A_340, %swap3A_341] {strides = array<i32>} : memref<64x128xf32, #tpu.memory_space<vmem>>, vector<16xf32>,
          tpu.vector_store %arg15[%swap3A_340, %swap3A_341], %mul3A_339 {strides = array<i32>} : memref<64x128xf32, #tpu.memory_space<vmem>>, vector<16xf32>,
        }
        %scan3A_174 = arith.constant 64 : i32
        %dma_start3A_175 = arith.constant 0 : i32
        %dma_start3A_176 = arith.constant 0 : i32
        %dma_start3A_177 = tpu.memref_slice %arg8[%dma_start3A_175, %add3A_146, %dma_start3A_176] : memref<2x40x64xi32, #tpu.memory_space<vmem>> -> memref<1x1x64xi32, #tpu.memory_space<vmem>>
        %dma_start3A_178 = tpu.memref_squeeze %dma_start3A_177 : memref<1x1x64xi32, #tpu.memory_space<vmem>> -> memref<64xi32, #tpu.memory_space<vmem>>
        %dma_start3A_179 = arith.constant 0 : i32
        %dma_start3A_180 = arith.constant 0 : i32
        %dma_start3A_181 = tpu.memref_slice %arg16[%dma_start3A_179, %dma_start3A_180] : memref<10240x128xf32, #tpu.memory_space<vmem_shared>> -> memref<10240x128xf32, #tpu.memory_space<vmem_shared>>
        tpu.enqueue_indirect_dma source(%arg15 : memref<64x128xf32, #tpu.memory_space<vmem>>) target(%dma_start3A_181 : memref<10240x128xf32, #tpu.memory_space<vmem_shared>>) offsets(%dma_start3A_178 : memref<64xi32, #tpu.memory_space<vmem>>) semaphore(%arg22 : memref<!tpu.dma_semaphore, #tpu.memory_space<semaphore_mem>>) {add = true}
        %mul3A_182 = arith.constant 4 : i32
        %mul3A_183 = arith.muli %add3A_109, %mul3A_182 : i32
        %add3A_184 = arith.constant 2 : i32
        %add3A_185 = arith.addi %mul3A_183, %add3A_184 : i32
        %add3A_186 = arith.constant 4 : i32
        %add3A_187 = arith.addi %add3A_185, %add3A_186 : i32
        %sub3A_188 = arith.constant 1 : i32
        %sub3A_189 = arith.subi %add3A_187, %sub3A_188 : i32
        %lt3A_190 = arith.constant 40 : i32
        %lt3A_191 = arith.cmpi slt, %sub3A_189, %lt3A_190 : i32
        %convert_element_type3A_192 = arith.extui %lt3A_191 : i1 to i32
        %cond3A_193 = arith.constant 0 : i32
        %cond3A_194 = arith.cmpi ne, %convert_element_type3A_192, %cond3A_193 : i32
        scf.if %cond3A_194 {
          %add3A_260 = arith.constant 4 : i32
          %add3A_261 = arith.addi %add3A_185, %add3A_260 : i32
          %sub3A_262 = arith.constant 1 : i32
          %sub3A_263 = arith.subi %add3A_261, %sub3A_262 : i32
          %mul3A_264 = arith.constant 64 : i32
          %mul3A_265 = arith.muli %sub3A_263, %mul3A_264 : i32
          %dma_start3A_266 = tpu.memref_slice %arg7[%mul3A_265] : memref<2560xi32, #tpu.memory_space<vmem>> -> memref<64xi32, #tpu.memory_space<vmem>>
          %dma_start3A_267 = arith.constant 0 : i32
          %dma_start3A_268 = arith.constant 0 : i32
          %dma_start3A_269 = tpu.memref_slice %arg5[%dma_start3A_267, %dma_start3A_268] : memref<10000x64xi32, #tpu.memory_space<hbm>> -> memref<10000x64xi32, #tpu.memory_space<hbm>>
          tpu.enqueue_indirect_dma source(%dma_start3A_269 : memref<10000x64xi32, #tpu.memory_space<hbm>>) target(%arg11 : memref<64x64xi32, #tpu.memory_space<vmem>>) offsets(%dma_start3A_266 : memref<64xi32, #tpu.memory_space<vmem>>) semaphore(%arg18 : memref<!tpu.dma_semaphore, #tpu.memory_space<semaphore_mem>>)
        } else {
        }
        %gt3A_195 = arith.constant 0 : i32
        %gt3A_196 = arith.cmpi sgt, %add3A_40, %gt3A_195 : i32
        %gt3A_197 = arith.constant 1 : i32
        %gt3A_198 = arith.cmpi sgt, %add3A_185, %gt3A_197 : i32
        %or3A_199 = arith.ori %gt3A_196, %gt3A_198 : i1
        %convert_element_type3A_200 = arith.extui %or3A_199 : i1 to i32
        %cond3A_201 = arith.constant 0 : i32
        %cond3A_202 = arith.cmpi ne, %convert_element_type3A_200, %cond3A_201 : i32
        scf.if %cond3A_202 {
          %dma_wait3A_260 = arith.constant 0 : i32
          %dma_wait3A_261 = arith.constant 0 : i32
          %dma_wait3A_262 = tpu.memref_slice %arg8[%dma_wait3A_260, %add3A_185, %dma_wait3A_261] : memref<2x40x64xi32, #tpu.memory_space<vmem>> -> memref<1x1x64xi32, #tpu.memory_space<vmem>>
          %dma_wait3A_263 = tpu.memref_squeeze %dma_wait3A_262 : memref<1x1x64xi32, #tpu.memory_space<vmem>> -> memref<64xi32, #tpu.memory_space<vmem>>
          %dma_wait3A_264 = arith.constant 0 : i32
          %dma_wait3A_265 = arith.constant 0 : i32
          %dma_wait3A_266 = tpu.memref_slice %arg16[%dma_wait3A_264, %dma_wait3A_265] : memref<10240x128xf32, #tpu.memory_space<vmem_shared>> -> memref<10240x128xf32, #tpu.memory_space<vmem_shared>>
          tpu.wait_indirect_dma semaphore(%arg21 : memref<!tpu.dma_semaphore, #tpu.memory_space<semaphore_mem>>) src(%arg14 : memref<64x128xf32, #tpu.memory_space<vmem>>) dst(%dma_wait3A_266 : memref<10240x128xf32, #tpu.memory_space<vmem_shared>>)
        } else {
        }
        %mul3A_203 = arith.constant 64 : i32
        %mul3A_204 = arith.muli %add3A_185, %mul3A_203 : i32
        %dma_wait3A_205 = tpu.memref_slice %arg7[%mul3A_204] : memref<2560xi32, #tpu.memory_space<vmem>> -> memref<64xi32, #tpu.memory_space<vmem>>
        %dma_wait3A_206 = arith.constant 0 : i32
        %dma_wait3A_207 = arith.constant 0 : i32
        %dma_wait3A_208 = tpu.memref_slice %arg5[%dma_wait3A_206, %dma_wait3A_207] : memref<10000x64xi32, #tpu.memory_space<hbm>> -> memref<10000x64xi32, #tpu.memory_space<hbm>>
        tpu.wait_indirect_dma semaphore(%arg19 : memref<!tpu.dma_semaphore, #tpu.memory_space<semaphore_mem>>) src(%dma_wait3A_208 : memref<10000x64xi32, #tpu.memory_space<hbm>>) dst(%arg12 : memref<64x64xi32, #tpu.memory_space<vmem>>)
        %scan3A_209 = arith.constant 0 : i32
        %scan3A_210 = arith.constant 64 : i32
        %scan3A_211 = arith.addi %scan3A_209, %scan3A_210 : i32
        %scan3A_212 = arith.constant 1 : i32
        scf.for %scan3A_260 = %scan3A_209 to %scan3A_211 step %scan3A_212  : i32 {
          %mul3A_261 = arith.constant 1 : i32
          %mul3A_262 = arith.muli %scan3A_260, %mul3A_261 : i32
          %add3A_263 = arith.constant 0 : i32
          %add3A_264 = arith.addi %add3A_263, %mul3A_262 : i32
          %mul3A_265 = arith.constant 64 : i32
          %mul3A_266 = arith.muli %add3A_185, %mul3A_265 : i32
          %add3A_267 = arith.addi %mul3A_266, %add3A_264 : i32
          %broadcast_in_dim3A = vector.broadcast %add3A_267 : i32 to vector<16xi32>
          %gather3A = tpu.vector_load_idx %arg9[%broadcast_in_dim3A] : memref<2560xf32, #tpu.memory_space<vmem>>[vector<16xi32>], vector<16xf32>,
          %get3A = arith.index_cast %add3A_264 : i32 to index
          %get3A_268 = arith.constant 0 : index
          %get3A_269 = tpu.vector_load %arg12[%get3A, %get3A_268] {strides = array<i32>} : memref<64x64xi32, #tpu.memory_space<vmem>>, vector<16xi32>,
          %bitcast3A = vector.bitcast %get3A_269 : vector<16xi32> to vector<16xi32>
          %shift_left3A = arith.constant 16 : i32
          %shift_left3A_270 = vector.broadcast %shift_left3A : i32 to vector<16xi32>
          %shift_left3A_271 = arith.shli %bitcast3A, %shift_left3A_270 : vector<16xi32>
          %bitcast3A_272 = vector.bitcast %shift_left3A_271 : vector<16xi32> to vector<16xf32>
          %and3A = arith.constant -65536 : i32
          %and3A_273 = vector.broadcast %and3A : i32 to vector<16xi32>
          %and3A_274 = arith.andi %bitcast3A, %and3A_273 : vector<16xi32>
          %bitcast3A_275 = vector.bitcast %and3A_274 : vector<16xi32> to vector<16xf32>
          %mul3A_276 = arith.mulf %bitcast3A_272, %gather3A : vector<16xf32>
          %swap3A = arith.index_cast %add3A_264 : i32 to index
          %swap3A_277 = arith.constant 0 : index
          %swap3A_278 = tpu.vector_load %arg14[%swap3A, %swap3A_277] {strides = array<i32>} : memref<64x128xf32, #tpu.memory_space<vmem>>, vector<16xf32>,
          tpu.vector_store %arg14[%swap3A, %swap3A_277], %mul3A_276 {strides = array<i32>} : memref<64x128xf32, #tpu.memory_space<vmem>>, vector<16xf32>,
          %mul3A_279 = arith.mulf %bitcast3A_275, %gather3A : vector<16xf32>
          %swap3A_280 = arith.index_cast %add3A_264 : i32 to index
          %swap3A_281 = arith.constant 16 : index
          %swap3A_282 = tpu.vector_load %arg14[%swap3A_280, %swap3A_281] {strides = array<i32>} : memref<64x128xf32, #tpu.memory_space<vmem>>, vector<16xf32>,
          tpu.vector_store %arg14[%swap3A_280, %swap3A_281], %mul3A_279 {strides = array<i32>} : memref<64x128xf32, #tpu.memory_space<vmem>>, vector<16xf32>,
          %get3A_283 = arith.index_cast %add3A_264 : i32 to index
          %get3A_284 = arith.constant 16 : index
          %get3A_285 = tpu.vector_load %arg12[%get3A_283, %get3A_284] {strides = array<i32>} : memref<64x64xi32, #tpu.memory_space<vmem>>, vector<16xi32>,
          %bitcast3A_286 = vector.bitcast %get3A_285 : vector<16xi32> to vector<16xi32>
          %shift_left3A_287 = arith.constant 16 : i32
          %shift_left3A_288 = vector.broadcast %shift_left3A_287 : i32 to vector<16xi32>
          %shift_left3A_289 = arith.shli %bitcast3A_286, %shift_left3A_288 : vector<16xi32>
          %bitcast3A_290 = vector.bitcast %shift_left3A_289 : vector<16xi32> to vector<16xf32>
          %and3A_291 = arith.constant -65536 : i32
          %and3A_292 = vector.broadcast %and3A_291 : i32 to vector<16xi32>
          %and3A_293 = arith.andi %bitcast3A_286, %and3A_292 : vector<16xi32>
          %bitcast3A_294 = vector.bitcast %and3A_293 : vector<16xi32> to vector<16xf32>
          %mul3A_295 = arith.mulf %bitcast3A_290, %gather3A : vector<16xf32>
          %swap3A_296 = arith.index_cast %add3A_264 : i32 to index
          %swap3A_297 = arith.constant 32 : index
          %swap3A_298 = tpu.vector_load %arg14[%swap3A_296, %swap3A_297] {strides = array<i32>} : memref<64x128xf32, #tpu.memory_space<vmem>>, vector<16xf32>,
          tpu.vector_store %arg14[%swap3A_296, %swap3A_297], %mul3A_295 {strides = array<i32>} : memref<64x128xf32, #tpu.memory_space<vmem>>, vector<16xf32>,
          %mul3A_299 = arith.mulf %bitcast3A_294, %gather3A : vector<16xf32>
          %swap3A_300 = arith.index_cast %add3A_264 : i32 to index
          %swap3A_301 = arith.constant 48 : index
          %swap3A_302 = tpu.vector_load %arg14[%swap3A_300, %swap3A_301] {strides = array<i32>} : memref<64x128xf32, #tpu.memory_space<vmem>>, vector<16xf32>,
          tpu.vector_store %arg14[%swap3A_300, %swap3A_301], %mul3A_299 {strides = array<i32>} : memref<64x128xf32, #tpu.memory_space<vmem>>, vector<16xf32>,
          %get3A_303 = arith.index_cast %add3A_264 : i32 to index
          %get3A_304 = arith.constant 32 : index
          %get3A_305 = tpu.vector_load %arg12[%get3A_303, %get3A_304] {strides = array<i32>} : memref<64x64xi32, #tpu.memory_space<vmem>>, vector<16xi32>,
          %bitcast3A_306 = vector.bitcast %get3A_305 : vector<16xi32> to vector<16xi32>
          %shift_left3A_307 = arith.constant 16 : i32
          %shift_left3A_308 = vector.broadcast %shift_left3A_307 : i32 to vector<16xi32>
          %shift_left3A_309 = arith.shli %bitcast3A_306, %shift_left3A_308 : vector<16xi32>
          %bitcast3A_310 = vector.bitcast %shift_left3A_309 : vector<16xi32> to vector<16xf32>
          %and3A_311 = arith.constant -65536 : i32
          %and3A_312 = vector.broadcast %and3A_311 : i32 to vector<16xi32>
          %and3A_313 = arith.andi %bitcast3A_306, %and3A_312 : vector<16xi32>
          %bitcast3A_314 = vector.bitcast %and3A_313 : vector<16xi32> to vector<16xf32>
          %mul3A_315 = arith.mulf %bitcast3A_310, %gather3A : vector<16xf32>
          %swap3A_316 = arith.index_cast %add3A_264 : i32 to index
          %swap3A_317 = arith.constant 64 : index
          %swap3A_318 = tpu.vector_load %arg14[%swap3A_316, %swap3A_317] {strides = array<i32>} : memref<64x128xf32, #tpu.memory_space<vmem>>, vector<16xf32>,
          tpu.vector_store %arg14[%swap3A_316, %swap3A_317], %mul3A_315 {strides = array<i32>} : memref<64x128xf32, #tpu.memory_space<vmem>>, vector<16xf32>,
          %mul3A_319 = arith.mulf %bitcast3A_314, %gather3A : vector<16xf32>
          %swap3A_320 = arith.index_cast %add3A_264 : i32 to index
          %swap3A_321 = arith.constant 80 : index
          %swap3A_322 = tpu.vector_load %arg14[%swap3A_320, %swap3A_321] {strides = array<i32>} : memref<64x128xf32, #tpu.memory_space<vmem>>, vector<16xf32>,
          tpu.vector_store %arg14[%swap3A_320, %swap3A_321], %mul3A_319 {strides = array<i32>} : memref<64x128xf32, #tpu.memory_space<vmem>>, vector<16xf32>,
          %get3A_323 = arith.index_cast %add3A_264 : i32 to index
          %get3A_324 = arith.constant 48 : index
          %get3A_325 = tpu.vector_load %arg12[%get3A_323, %get3A_324] {strides = array<i32>} : memref<64x64xi32, #tpu.memory_space<vmem>>, vector<16xi32>,
          %bitcast3A_326 = vector.bitcast %get3A_325 : vector<16xi32> to vector<16xi32>
          %shift_left3A_327 = arith.constant 16 : i32
          %shift_left3A_328 = vector.broadcast %shift_left3A_327 : i32 to vector<16xi32>
          %shift_left3A_329 = arith.shli %bitcast3A_326, %shift_left3A_328 : vector<16xi32>
          %bitcast3A_330 = vector.bitcast %shift_left3A_329 : vector<16xi32> to vector<16xf32>
          %and3A_331 = arith.constant -65536 : i32
          %and3A_332 = vector.broadcast %and3A_331 : i32 to vector<16xi32>
          %and3A_333 = arith.andi %bitcast3A_326, %and3A_332 : vector<16xi32>
          %bitcast3A_334 = vector.bitcast %and3A_333 : vector<16xi32> to vector<16xf32>
          %mul3A_335 = arith.mulf %bitcast3A_330, %gather3A : vector<16xf32>
          %swap3A_336 = arith.index_cast %add3A_264 : i32 to index
          %swap3A_337 = arith.constant 96 : index
          %swap3A_338 = tpu.vector_load %arg14[%swap3A_336, %swap3A_337] {strides = array<i32>} : memref<64x128xf32, #tpu.memory_space<vmem>>, vector<16xf32>,
          tpu.vector_store %arg14[%swap3A_336, %swap3A_337], %mul3A_335 {strides = array<i32>} : memref<64x128xf32, #tpu.memory_space<vmem>>, vector<16xf32>,
          %mul3A_339 = arith.mulf %bitcast3A_334, %gather3A : vector<16xf32>
          %swap3A_340 = arith.index_cast %add3A_264 : i32 to index
          %swap3A_341 = arith.constant 112 : index
          %swap3A_342 = tpu.vector_load %arg14[%swap3A_340, %swap3A_341] {strides = array<i32>} : memref<64x128xf32, #tpu.memory_space<vmem>>, vector<16xf32>,
          tpu.vector_store %arg14[%swap3A_340, %swap3A_341], %mul3A_339 {strides = array<i32>} : memref<64x128xf32, #tpu.memory_space<vmem>>, vector<16xf32>,
        }
        %scan3A_213 = arith.constant 64 : i32
        %dma_start3A_214 = arith.constant 0 : i32
        %dma_start3A_215 = arith.constant 0 : i32
        %dma_start3A_216 = tpu.memref_slice %arg8[%dma_start3A_214, %add3A_185, %dma_start3A_215] : memref<2x40x64xi32, #tpu.memory_space<vmem>> -> memref<1x1x64xi32, #tpu.memory_space<vmem>>
        %dma_start3A_217 = tpu.memref_squeeze %dma_start3A_216 : memref<1x1x64xi32, #tpu.memory_space<vmem>> -> memref<64xi32, #tpu.memory_space<vmem>>
        %dma_start3A_218 = arith.constant 0 : i32
        %dma_start3A_219 = arith.constant 0 : i32
        %dma_start3A_220 = tpu.memref_slice %arg16[%dma_start3A_218, %dma_start3A_219] : memref<10240x128xf32, #tpu.memory_space<vmem_shared>> -> memref<10240x128xf32, #tpu.memory_space<vmem_shared>>
        tpu.enqueue_indirect_dma source(%arg14 : memref<64x128xf32, #tpu.memory_space<vmem>>) target(%dma_start3A_220 : memref<10240x128xf32, #tpu.memory_space<vmem_shared>>) offsets(%dma_start3A_217 : memref<64xi32, #tpu.memory_space<vmem>>) semaphore(%arg21 : memref<!tpu.dma_semaphore, #tpu.memory_space<semaphore_mem>>) {add = true}
        %mul3A_221 = arith.constant 4 : i32
        %mul3A_222 = arith.muli %add3A_109, %mul3A_221 : i32
        %add3A_223 = arith.constant 3 : i32
        %add3A_224 = arith.addi %mul3A_222, %add3A_223 : i32
        %add3A_225 = arith.constant 4 : i32
        %add3A_226 = arith.addi %add3A_224, %add3A_225 : i32
        %sub3A_227 = arith.constant 1 : i32
        %sub3A_228 = arith.subi %add3A_226, %sub3A_227 : i32
        %lt3A_229 = arith.constant 40 : i32
        %lt3A_230 = arith.cmpi slt, %sub3A_228, %lt3A_229 : i32
        %convert_element_type3A_231 = arith.extui %lt3A_230 : i1 to i32
        %cond3A_232 = arith.constant 0 : i32
        %cond3A_233 = arith.cmpi ne, %convert_element_type3A_231, %cond3A_232 : i32
        scf.if %cond3A_233 {
          %add3A_260 = arith.constant 4 : i32
          %add3A_261 = arith.addi %add3A_224, %add3A_260 : i32
          %sub3A_262 = arith.constant 1 : i32
          %sub3A_263 = arith.subi %add3A_261, %sub3A_262 : i32
          %mul3A_264 = arith.constant 64 : i32
          %mul3A_265 = arith.muli %sub3A_263, %mul3A_264 : i32
          %dma_start3A_266 = tpu.memref_slice %arg7[%mul3A_265] : memref<2560xi32, #tpu.memory_space<vmem>> -> memref<64xi32, #tpu.memory_space<vmem>>
          %dma_start3A_267 = arith.constant 0 : i32
          %dma_start3A_268 = arith.constant 0 : i32
          %dma_start3A_269 = tpu.memref_slice %arg5[%dma_start3A_267, %dma_start3A_268] : memref<10000x64xi32, #tpu.memory_space<hbm>> -> memref<10000x64xi32, #tpu.memory_space<hbm>>
          tpu.enqueue_indirect_dma source(%dma_start3A_269 : memref<10000x64xi32, #tpu.memory_space<hbm>>) target(%arg12 : memref<64x64xi32, #tpu.memory_space<vmem>>) offsets(%dma_start3A_266 : memref<64xi32, #tpu.memory_space<vmem>>) semaphore(%arg19 : memref<!tpu.dma_semaphore, #tpu.memory_space<semaphore_mem>>)
        } else {
        }
        %gt3A_234 = arith.constant 0 : i32
        %gt3A_235 = arith.cmpi sgt, %add3A_40, %gt3A_234 : i32
        %gt3A_236 = arith.constant 1 : i32
        %gt3A_237 = arith.cmpi sgt, %add3A_224, %gt3A_236 : i32
        %or3A_238 = arith.ori %gt3A_235, %gt3A_237 : i1
        %convert_element_type3A_239 = arith.extui %or3A_238 : i1 to i32
        %cond3A_240 = arith.constant 0 : i32
        %cond3A_241 = arith.cmpi ne, %convert_element_type3A_239, %cond3A_240 : i32
        scf.if %cond3A_241 {
          %dma_wait3A_260 = arith.constant 0 : i32
          %dma_wait3A_261 = arith.constant 0 : i32
          %dma_wait3A_262 = tpu.memref_slice %arg8[%dma_wait3A_260, %add3A_224, %dma_wait3A_261] : memref<2x40x64xi32, #tpu.memory_space<vmem>> -> memref<1x1x64xi32, #tpu.memory_space<vmem>>
          %dma_wait3A_263 = tpu.memref_squeeze %dma_wait3A_262 : memref<1x1x64xi32, #tpu.memory_space<vmem>> -> memref<64xi32, #tpu.memory_space<vmem>>
          %dma_wait3A_264 = arith.constant 0 : i32
          %dma_wait3A_265 = arith.constant 0 : i32
          %dma_wait3A_266 = tpu.memref_slice %arg16[%dma_wait3A_264, %dma_wait3A_265] : memref<10240x128xf32, #tpu.memory_space<vmem_shared>> -> memref<10240x128xf32, #tpu.memory_space<vmem_shared>>
          tpu.wait_indirect_dma semaphore(%arg22 : memref<!tpu.dma_semaphore, #tpu.memory_space<semaphore_mem>>) src(%arg15 : memref<64x128xf32, #tpu.memory_space<vmem>>) dst(%dma_wait3A_266 : memref<10240x128xf32, #tpu.memory_space<vmem_shared>>)
        } else {
        }
        %mul3A_242 = arith.constant 64 : i32
        %mul3A_243 = arith.muli %add3A_224, %mul3A_242 : i32
        %dma_wait3A_244 = tpu.memref_slice %arg7[%mul3A_243] : memref<2560xi32, #tpu.memory_space<vmem>> -> memref<64xi32, #tpu.memory_space<vmem>>
        %dma_wait3A_245 = arith.constant 0 : i32
        %dma_wait3A_246 = arith.constant 0 : i32
        %dma_wait3A_247 = tpu.memref_slice %arg5[%dma_wait3A_245, %dma_wait3A_246] : memref<10000x64xi32, #tpu.memory_space<hbm>> -> memref<10000x64xi32, #tpu.memory_space<hbm>>
        tpu.wait_indirect_dma semaphore(%arg20 : memref<!tpu.dma_semaphore, #tpu.memory_space<semaphore_mem>>) src(%dma_wait3A_247 : memref<10000x64xi32, #tpu.memory_space<hbm>>) dst(%arg13 : memref<64x64xi32, #tpu.memory_space<vmem>>)
        %scan3A_248 = arith.constant 0 : i32
        %scan3A_249 = arith.constant 64 : i32
        %scan3A_250 = arith.addi %scan3A_248, %scan3A_249 : i32
        %scan3A_251 = arith.constant 1 : i32
        scf.for %scan3A_260 = %scan3A_248 to %scan3A_250 step %scan3A_251  : i32 {
          %mul3A_261 = arith.constant 1 : i32
          %mul3A_262 = arith.muli %scan3A_260, %mul3A_261 : i32
          %add3A_263 = arith.constant 0 : i32
          %add3A_264 = arith.addi %add3A_263, %mul3A_262 : i32
          %mul3A_265 = arith.constant 64 : i32
          %mul3A_266 = arith.muli %add3A_224, %mul3A_265 : i32
          %add3A_267 = arith.addi %mul3A_266, %add3A_264 : i32
          %broadcast_in_dim3A = vector.broadcast %add3A_267 : i32 to vector<16xi32>
          %gather3A = tpu.vector_load_idx %arg9[%broadcast_in_dim3A] : memref<2560xf32, #tpu.memory_space<vmem>>[vector<16xi32>], vector<16xf32>,
          %get3A = arith.index_cast %add3A_264 : i32 to index
          %get3A_268 = arith.constant 0 : index
          %get3A_269 = tpu.vector_load %arg13[%get3A, %get3A_268] {strides = array<i32>} : memref<64x64xi32, #tpu.memory_space<vmem>>, vector<16xi32>,
          %bitcast3A = vector.bitcast %get3A_269 : vector<16xi32> to vector<16xi32>
          %shift_left3A = arith.constant 16 : i32
          %shift_left3A_270 = vector.broadcast %shift_left3A : i32 to vector<16xi32>
          %shift_left3A_271 = arith.shli %bitcast3A, %shift_left3A_270 : vector<16xi32>
          %bitcast3A_272 = vector.bitcast %shift_left3A_271 : vector<16xi32> to vector<16xf32>
          %and3A = arith.constant -65536 : i32
          %and3A_273 = vector.broadcast %and3A : i32 to vector<16xi32>
          %and3A_274 = arith.andi %bitcast3A, %and3A_273 : vector<16xi32>
          %bitcast3A_275 = vector.bitcast %and3A_274 : vector<16xi32> to vector<16xf32>
          %mul3A_276 = arith.mulf %bitcast3A_272, %gather3A : vector<16xf32>
          %swap3A = arith.index_cast %add3A_264 : i32 to index
          %swap3A_277 = arith.constant 0 : index
          %swap3A_278 = tpu.vector_load %arg15[%swap3A, %swap3A_277] {strides = array<i32>} : memref<64x128xf32, #tpu.memory_space<vmem>>, vector<16xf32>,
          tpu.vector_store %arg15[%swap3A, %swap3A_277], %mul3A_276 {strides = array<i32>} : memref<64x128xf32, #tpu.memory_space<vmem>>, vector<16xf32>,
          %mul3A_279 = arith.mulf %bitcast3A_275, %gather3A : vector<16xf32>
          %swap3A_280 = arith.index_cast %add3A_264 : i32 to index
          %swap3A_281 = arith.constant 16 : index
          %swap3A_282 = tpu.vector_load %arg15[%swap3A_280, %swap3A_281] {strides = array<i32>} : memref<64x128xf32, #tpu.memory_space<vmem>>, vector<16xf32>,
          tpu.vector_store %arg15[%swap3A_280, %swap3A_281], %mul3A_279 {strides = array<i32>} : memref<64x128xf32, #tpu.memory_space<vmem>>, vector<16xf32>,
          %get3A_283 = arith.index_cast %add3A_264 : i32 to index
          %get3A_284 = arith.constant 16 : index
          %get3A_285 = tpu.vector_load %arg13[%get3A_283, %get3A_284] {strides = array<i32>} : memref<64x64xi32, #tpu.memory_space<vmem>>, vector<16xi32>,
          %bitcast3A_286 = vector.bitcast %get3A_285 : vector<16xi32> to vector<16xi32>
          %shift_left3A_287 = arith.constant 16 : i32
          %shift_left3A_288 = vector.broadcast %shift_left3A_287 : i32 to vector<16xi32>
          %shift_left3A_289 = arith.shli %bitcast3A_286, %shift_left3A_288 : vector<16xi32>
          %bitcast3A_290 = vector.bitcast %shift_left3A_289 : vector<16xi32> to vector<16xf32>
          %and3A_291 = arith.constant -65536 : i32
          %and3A_292 = vector.broadcast %and3A_291 : i32 to vector<16xi32>
          %and3A_293 = arith.andi %bitcast3A_286, %and3A_292 : vector<16xi32>
          %bitcast3A_294 = vector.bitcast %and3A_293 : vector<16xi32> to vector<16xf32>
          %mul3A_295 = arith.mulf %bitcast3A_290, %gather3A : vector<16xf32>
          %swap3A_296 = arith.index_cast %add3A_264 : i32 to index
          %swap3A_297 = arith.constant 32 : index
          %swap3A_298 = tpu.vector_load %arg15[%swap3A_296, %swap3A_297] {strides = array<i32>} : memref<64x128xf32, #tpu.memory_space<vmem>>, vector<16xf32>,
          tpu.vector_store %arg15[%swap3A_296, %swap3A_297], %mul3A_295 {strides = array<i32>} : memref<64x128xf32, #tpu.memory_space<vmem>>, vector<16xf32>,
          %mul3A_299 = arith.mulf %bitcast3A_294, %gather3A : vector<16xf32>
          %swap3A_300 = arith.index_cast %add3A_264 : i32 to index
          %swap3A_301 = arith.constant 48 : index
          %swap3A_302 = tpu.vector_load %arg15[%swap3A_300, %swap3A_301] {strides = array<i32>} : memref<64x128xf32, #tpu.memory_space<vmem>>, vector<16xf32>,
          tpu.vector_store %arg15[%swap3A_300, %swap3A_301], %mul3A_299 {strides = array<i32>} : memref<64x128xf32, #tpu.memory_space<vmem>>, vector<16xf32>,
          %get3A_303 = arith.index_cast %add3A_264 : i32 to index
          %get3A_304 = arith.constant 32 : index
          %get3A_305 = tpu.vector_load %arg13[%get3A_303, %get3A_304] {strides = array<i32>} : memref<64x64xi32, #tpu.memory_space<vmem>>, vector<16xi32>,
          %bitcast3A_306 = vector.bitcast %get3A_305 : vector<16xi32> to vector<16xi32>
          %shift_left3A_307 = arith.constant 16 : i32
          %shift_left3A_308 = vector.broadcast %shift_left3A_307 : i32 to vector<16xi32>
          %shift_left3A_309 = arith.shli %bitcast3A_306, %shift_left3A_308 : vector<16xi32>
          %bitcast3A_310 = vector.bitcast %shift_left3A_309 : vector<16xi32> to vector<16xf32>
          %and3A_311 = arith.constant -65536 : i32
          %and3A_312 = vector.broadcast %and3A_311 : i32 to vector<16xi32>
          %and3A_313 = arith.andi %bitcast3A_306, %and3A_312 : vector<16xi32>
          %bitcast3A_314 = vector.bitcast %and3A_313 : vector<16xi32> to vector<16xf32>
          %mul3A_315 = arith.mulf %bitcast3A_310, %gather3A : vector<16xf32>
          %swap3A_316 = arith.index_cast %add3A_264 : i32 to index
          %swap3A_317 = arith.constant 64 : index
          %swap3A_318 = tpu.vector_load %arg15[%swap3A_316, %swap3A_317] {strides = array<i32>} : memref<64x128xf32, #tpu.memory_space<vmem>>, vector<16xf32>,
          tpu.vector_store %arg15[%swap3A_316, %swap3A_317], %mul3A_315 {strides = array<i32>} : memref<64x128xf32, #tpu.memory_space<vmem>>, vector<16xf32>,
          %mul3A_319 = arith.mulf %bitcast3A_314, %gather3A : vector<16xf32>
          %swap3A_320 = arith.index_cast %add3A_264 : i32 to index
          %swap3A_321 = arith.constant 80 : index
          %swap3A_322 = tpu.vector_load %arg15[%swap3A_320, %swap3A_321] {strides = array<i32>} : memref<64x128xf32, #tpu.memory_space<vmem>>, vector<16xf32>,
          tpu.vector_store %arg15[%swap3A_320, %swap3A_321], %mul3A_319 {strides = array<i32>} : memref<64x128xf32, #tpu.memory_space<vmem>>, vector<16xf32>,
          %get3A_323 = arith.index_cast %add3A_264 : i32 to index
          %get3A_324 = arith.constant 48 : index
          %get3A_325 = tpu.vector_load %arg13[%get3A_323, %get3A_324] {strides = array<i32>} : memref<64x64xi32, #tpu.memory_space<vmem>>, vector<16xi32>,
          %bitcast3A_326 = vector.bitcast %get3A_325 : vector<16xi32> to vector<16xi32>
          %shift_left3A_327 = arith.constant 16 : i32
          %shift_left3A_328 = vector.broadcast %shift_left3A_327 : i32 to vector<16xi32>
          %shift_left3A_329 = arith.shli %bitcast3A_326, %shift_left3A_328 : vector<16xi32>
          %bitcast3A_330 = vector.bitcast %shift_left3A_329 : vector<16xi32> to vector<16xf32>
          %and3A_331 = arith.constant -65536 : i32
          %and3A_332 = vector.broadcast %and3A_331 : i32 to vector<16xi32>
          %and3A_333 = arith.andi %bitcast3A_326, %and3A_332 : vector<16xi32>
          %bitcast3A_334 = vector.bitcast %and3A_333 : vector<16xi32> to vector<16xf32>
          %mul3A_335 = arith.mulf %bitcast3A_330, %gather3A : vector<16xf32>
          %swap3A_336 = arith.index_cast %add3A_264 : i32 to index
          %swap3A_337 = arith.constant 96 : index
          %swap3A_338 = tpu.vector_load %arg15[%swap3A_336, %swap3A_337] {strides = array<i32>} : memref<64x128xf32, #tpu.memory_space<vmem>>, vector<16xf32>,
          tpu.vector_store %arg15[%swap3A_336, %swap3A_337], %mul3A_335 {strides = array<i32>} : memref<64x128xf32, #tpu.memory_space<vmem>>, vector<16xf32>,
          %mul3A_339 = arith.mulf %bitcast3A_334, %gather3A : vector<16xf32>
          %swap3A_340 = arith.index_cast %add3A_264 : i32 to index
          %swap3A_341 = arith.constant 112 : index
          %swap3A_342 = tpu.vector_load %arg15[%swap3A_340, %swap3A_341] {strides = array<i32>} : memref<64x128xf32, #tpu.memory_space<vmem>>, vector<16xf32>,
          tpu.vector_store %arg15[%swap3A_340, %swap3A_341], %mul3A_339 {strides = array<i32>} : memref<64x128xf32, #tpu.memory_space<vmem>>, vector<16xf32>,
        }
        %scan3A_252 = arith.constant 64 : i32
        %dma_start3A_253 = arith.constant 0 : i32
        %dma_start3A_254 = arith.constant 0 : i32
        %dma_start3A_255 = tpu.memref_slice %arg8[%dma_start3A_253, %add3A_224, %dma_start3A_254] : memref<2x40x64xi32, #tpu.memory_space<vmem>> -> memref<1x1x64xi32, #tpu.memory_space<vmem>>
        %dma_start3A_256 = tpu.memref_squeeze %dma_start3A_255 : memref<1x1x64xi32, #tpu.memory_space<vmem>> -> memref<64xi32, #tpu.memory_space<vmem>>
        %dma_start3A_257 = arith.constant 0 : i32
        %dma_start3A_258 = arith.constant 0 : i32
        %dma_start3A_259 = tpu.memref_slice %arg16[%dma_start3A_257, %dma_start3A_258] : memref<10240x128xf32, #tpu.memory_space<vmem_shared>> -> memref<10240x128xf32, #tpu.memory_space<vmem_shared>>
        tpu.enqueue_indirect_dma source(%arg15 : memref<64x128xf32, #tpu.memory_space<vmem>>) target(%dma_start3A_259 : memref<10240x128xf32, #tpu.memory_space<vmem_shared>>) offsets(%dma_start3A_256 : memref<64xi32, #tpu.memory_space<vmem>>) semaphore(%arg22 : memref<!tpu.dma_semaphore, #tpu.memory_space<semaphore_mem>>) {add = true}
      }
      %scan3A_69 = arith.constant 10 : i32
      %mul3A_70 = arith.constant 2 : i32
      %mul3A_71 = arith.muli %add3A_36, %mul3A_70 : i32
      %add3A_72 = arith.constant 1 : i32
      %add3A_73 = arith.addi %mul3A_71, %add3A_72 : i32
      %mul3A_74 = arith.constant 40 : i32
      %mul3A_75 = arith.muli %add3A_73, %mul3A_74 : i32
      %mul3A_76 = arith.constant 64 : i32
      %mul3A_77 = arith.muli %mul3A_75, %mul3A_76 : i32
      "tpu.region"() ({
        %run_scoped3A_105 = tpu.sem_alloc : memref<!tpu.dma_semaphore, #tpu.memory_space<semaphore_mem>>
        %dma_start3A_106 = tpu.memref_slice %arg2[%arg1, %mul3A_77] : memref<16x20480xi32, #tpu.memory_space<hbm>> -> memref<1x2560xi32, #tpu.memory_space<hbm>>
        %dma_start3A_107 = tpu.memref_squeeze %dma_start3A_106 : memref<1x2560xi32, #tpu.memory_space<hbm>> -> memref<2560xi32, #tpu.memory_space<hbm>>
        %dma_start3A_108 = tpu.memref_slice %arg2[%arg1, %mul3A_77] : memref<16x20480xi32, #tpu.memory_space<hbm>> -> memref<1x2560xi32, #tpu.memory_space<hbm>>
        %dma_start3A_109 = tpu.memref_squeeze %dma_start3A_108 : memref<1x2560xi32, #tpu.memory_space<hbm>> -> memref<2560xi32, #tpu.memory_space<hbm>>
        tpu.enqueue_dma source(%dma_start3A_109 : memref<2560xi32, #tpu.memory_space<hbm>>) target(%arg7 : memref<2560xi32, #tpu.memory_space<vmem>>) target_semaphore(%run_scoped3A_105 : memref<!tpu.dma_semaphore, #tpu.memory_space<semaphore_mem>>)
        %dma_wait3A_110 = tpu.memref_slice %arg2[%arg1, %mul3A_77] : memref<16x20480xi32, #tpu.memory_space<hbm>> -> memref<1x2560xi32, #tpu.memory_space<hbm>>
        %dma_wait3A_111 = tpu.memref_squeeze %dma_wait3A_110 : memref<1x2560xi32, #tpu.memory_space<hbm>> -> memref<2560xi32, #tpu.memory_space<hbm>>
        %dma_wait3A_112 = tpu.memref_slice %arg2[%arg1, %mul3A_77] : memref<16x20480xi32, #tpu.memory_space<hbm>> -> memref<1x2560xi32, #tpu.memory_space<hbm>>
        %dma_wait3A_113 = tpu.memref_squeeze %dma_wait3A_112 : memref<1x2560xi32, #tpu.memory_space<hbm>> -> memref<2560xi32, #tpu.memory_space<hbm>>
        tpu.wait_dma2 semaphore(%run_scoped3A_105 : memref<!tpu.dma_semaphore, #tpu.memory_space<semaphore_mem>>) src(%dma_wait3A_113 : memref<2560xi32, #tpu.memory_space<hbm>>) dst(%arg7 : memref<2560xi32, #tpu.memory_space<vmem>>)
        tpu.yield
      }) : () -> ()
      %mul3A_78 = arith.constant 40 : i32
      %mul3A_79 = arith.muli %add3A_73, %mul3A_78 : i32
      %run_scoped3A_80 = arith.constant 1 : i32
      "tpu.region"() ({
        %run_scoped3A_105 = tpu.sem_alloc : memref<!tpu.dma_semaphore, #tpu.memory_space<semaphore_mem>>
        %dma_start3A_106 = arith.constant 0 : i32
        %dma_start3A_107 = arith.constant 0 : i32
        %dma_start3A_108 = tpu.memref_slice %arg8[%run_scoped3A_80, %dma_start3A_106, %dma_start3A_107] : memref<2x40x64xi32, #tpu.memory_space<vmem>> -> memref<1x40x64xi32, #tpu.memory_space<vmem>>
        %dma_start3A_109 = tpu.memref_squeeze %dma_start3A_108 : memref<1x40x64xi32, #tpu.memory_space<vmem>> -> memref<40x64xi32, #tpu.memory_space<vmem>>
        %dma_start3A_110 = arith.constant 0 : i32
        %dma_start3A_111 = tpu.memref_slice %arg3[%arg1, %mul3A_79, %dma_start3A_110] : memref<16x320x64xi32, #tpu.memory_space<hbm>> -> memref<1x40x64xi32, #tpu.memory_space<hbm>>
        %dma_start3A_112 = tpu.memref_squeeze %dma_start3A_111 : memref<1x40x64xi32, #tpu.memory_space<hbm>> -> memref<40x64xi32, #tpu.memory_space<hbm>>
        %dma_start3A_113 = arith.constant 0 : i32
        %dma_start3A_114 = arith.constant 0 : i32
        %dma_start3A_115 = tpu.memref_slice %arg8[%run_scoped3A_80, %dma_start3A_113, %dma_start3A_114] : memref<2x40x64xi32, #tpu.memory_space<vmem>> -> memref<1x40x64xi32, #tpu.memory_space<vmem>>
        %dma_start3A_116 = tpu.memref_squeeze %dma_start3A_115 : memref<1x40x64xi32, #tpu.memory_space<vmem>> -> memref<40x64xi32, #tpu.memory_space<vmem>>
        %dma_start3A_117 = arith.constant 0 : i32
        %dma_start3A_118 = tpu.memref_slice %arg3[%arg1, %mul3A_79, %dma_start3A_117] : memref<16x320x64xi32, #tpu.memory_space<hbm>> -> memref<1x40x64xi32, #tpu.memory_space<hbm>>
        %dma_start3A_119 = tpu.memref_squeeze %dma_start3A_118 : memref<1x40x64xi32, #tpu.memory_space<hbm>> -> memref<40x64xi32, #tpu.memory_space<hbm>>
        tpu.enqueue_dma source(%dma_start3A_119 : memref<40x64xi32, #tpu.memory_space<hbm>>) target(%dma_start3A_116 : memref<40x64xi32, #tpu.memory_space<vmem>>) target_semaphore(%run_scoped3A_105 : memref<!tpu.dma_semaphore, #tpu.memory_space<semaphore_mem>>)
        %dma_wait3A_120 = arith.constant 0 : i32
        %dma_wait3A_121 = arith.constant 0 : i32
        %dma_wait3A_122 = tpu.memref_slice %arg8[%run_scoped3A_80, %dma_wait3A_120, %dma_wait3A_121] : memref<2x40x64xi32, #tpu.memory_space<vmem>> -> memref<1x40x64xi32, #tpu.memory_space<vmem>>
        %dma_wait3A_123 = tpu.memref_squeeze %dma_wait3A_122 : memref<1x40x64xi32, #tpu.memory_space<vmem>> -> memref<40x64xi32, #tpu.memory_space<vmem>>
        %dma_wait3A_124 = arith.constant 0 : i32
        %dma_wait3A_125 = tpu.memref_slice %arg3[%arg1, %mul3A_79, %dma_wait3A_124] : memref<16x320x64xi32, #tpu.memory_space<hbm>> -> memref<1x40x64xi32, #tpu.memory_space<hbm>>
        %dma_wait3A_126 = tpu.memref_squeeze %dma_wait3A_125 : memref<1x40x64xi32, #tpu.memory_space<hbm>> -> memref<40x64xi32, #tpu.memory_space<hbm>>
        %dma_wait3A_127 = arith.constant 0 : i32
        %dma_wait3A_128 = arith.constant 0 : i32
        %dma_wait3A_129 = tpu.memref_slice %arg8[%run_scoped3A_80, %dma_wait3A_127, %dma_wait3A_128] : memref<2x40x64xi32, #tpu.memory_space<vmem>> -> memref<1x40x64xi32, #tpu.memory_space<vmem>>
        %dma_wait3A_130 = tpu.memref_squeeze %dma_wait3A_129 : memref<1x40x64xi32, #tpu.memory_space<vmem>> -> memref<40x64xi32, #tpu.memory_space<vmem>>
        %dma_wait3A_131 = arith.constant 0 : i32
        %dma_wait3A_132 = tpu.memref_slice %arg3[%arg1, %mul3A_79, %dma_wait3A_131] : memref<16x320x64xi32, #tpu.memory_space<hbm>> -> memref<1x40x64xi32, #tpu.memory_space<hbm>>
        %dma_wait3A_133 = tpu.memref_squeeze %dma_wait3A_132 : memref<1x40x64xi32, #tpu.memory_space<hbm>> -> memref<40x64xi32, #tpu.memory_space<hbm>>
        tpu.wait_dma2 semaphore(%run_scoped3A_105 : memref<!tpu.dma_semaphore, #tpu.memory_space<semaphore_mem>>) src(%dma_wait3A_133 : memref<40x64xi32, #tpu.memory_space<hbm>>) dst(%dma_wait3A_130 : memref<40x64xi32, #tpu.memory_space<vmem>>)
        tpu.yield
      }) : () -> ()
      %mul3A_81 = arith.constant 40 : i32
      %mul3A_82 = arith.muli %add3A_73, %mul3A_81 : i32
      %mul3A_83 = arith.constant 64 : i32
      %mul3A_84 = arith.muli %mul3A_82, %mul3A_83 : i32
      "tpu.region"() ({
        %run_scoped3A_105 = tpu.sem_alloc : memref<!tpu.dma_semaphore, #tpu.memory_space<semaphore_mem>>
        %dma_start3A_106 = tpu.memref_slice %arg4[%arg0, %arg1, %mul3A_84] : memref<2x16x20480xf32, #tpu.memory_space<hbm>> -> memref<1x1x2560xf32, #tpu.memory_space<hbm>>
        %dma_start3A_107 = tpu.memref_squeeze %dma_start3A_106 : memref<1x1x2560xf32, #tpu.memory_space<hbm>> -> memref<2560xf32, #tpu.memory_space<hbm>>
        %dma_start3A_108 = tpu.memref_slice %arg4[%arg0, %arg1, %mul3A_84] : memref<2x16x20480xf32, #tpu.memory_space<hbm>> -> memref<1x1x2560xf32, #tpu.memory_space<hbm>>
        %dma_start3A_109 = tpu.memref_squeeze %dma_start3A_108 : memref<1x1x2560xf32, #tpu.memory_space<hbm>> -> memref<2560xf32, #tpu.memory_space<hbm>>
        tpu.enqueue_dma source(%dma_start3A_109 : memref<2560xf32, #tpu.memory_space<hbm>>) target(%arg9 : memref<2560xf32, #tpu.memory_space<vmem>>) target_semaphore(%run_scoped3A_105 : memref<!tpu.dma_semaphore, #tpu.memory_space<semaphore_mem>>)
        %dma_wait3A_110 = tpu.memref_slice %arg4[%arg0, %arg1, %mul3A_84] : memref<2x16x20480xf32, #tpu.memory_space<hbm>> -> memref<1x1x2560xf32, #tpu.memory_space<hbm>>
        %dma_wait3A_111 = tpu.memref_squeeze %dma_wait3A_110 : memref<1x1x2560xf32, #tpu.memory_space<hbm>> -> memref<2560xf32, #tpu.memory_space<hbm>>
        %dma_wait3A_112 = tpu.memref_slice %arg4[%arg0, %arg1, %mul3A_84] : memref<2x16x20480xf32, #tpu.memory_space<hbm>> -> memref<1x1x2560xf32, #tpu.memory_space<hbm>>
        %dma_wait3A_113 = tpu.memref_squeeze %dma_wait3A_112 : memref<1x1x2560xf32, #tpu.memory_space<hbm>> -> memref<2560xf32, #tpu.memory_space<hbm>>
        tpu.wait_dma2 semaphore(%run_scoped3A_105 : memref<!tpu.dma_semaphore, #tpu.memory_space<semaphore_mem>>) src(%dma_wait3A_113 : memref<2560xf32, #tpu.memory_space<hbm>>) dst(%arg9 : memref<2560xf32, #tpu.memory_space<vmem>>)
        tpu.yield
      }) : () -> ()
      %dma_start3A_85 = arith.constant 0 : i32
      %dma_start3A_86 = tpu.memref_slice %arg7[%dma_start3A_85] : memref<2560xi32, #tpu.memory_space<vmem>> -> memref<64xi32, #tpu.memory_space<vmem>>
      %dma_start3A_87 = arith.constant 0 : i32
      %dma_start3A_88 = arith.constant 0 : i32
      %dma_start3A_89 = tpu.memref_slice %arg5[%dma_start3A_87, %dma_start3A_88] : memref<10000x64xi32, #tpu.memory_space<hbm>> -> memref<10000x64xi32, #tpu.memory_space<hbm>>
      tpu.enqueue_indirect_dma source(%dma_start3A_89 : memref<10000x64xi32, #tpu.memory_space<hbm>>) target(%arg10 : memref<64x64xi32, #tpu.memory_space<vmem>>) offsets(%dma_start3A_86 : memref<64xi32, #tpu.memory_space<vmem>>) semaphore(%arg17 : memref<!tpu.dma_semaphore, #tpu.memory_space<semaphore_mem>>)
      %dma_start3A_90 = arith.constant 64 : i32
      %dma_start3A_91 = tpu.memref_slice %arg7[%dma_start3A_90] : memref<2560xi32, #tpu.memory_space<vmem>> -> memref<64xi32, #tpu.memory_space<vmem>>
      %dma_start3A_92 = arith.constant 0 : i32
      %dma_start3A_93 = arith.constant 0 : i32
      %dma_start3A_94 = tpu.memref_slice %arg5[%dma_start3A_92, %dma_start3A_93] : memref<10000x64xi32, #tpu.memory_space<hbm>> -> memref<10000x64xi32, #tpu.memory_space<hbm>>
      tpu.enqueue_indirect_dma source(%dma_start3A_94 : memref<10000x64xi32, #tpu.memory_space<hbm>>) target(%arg11 : memref<64x64xi32, #tpu.memory_space<vmem>>) offsets(%dma_start3A_91 : memref<64xi32, #tpu.memory_space<vmem>>) semaphore(%arg18 : memref<!tpu.dma_semaphore, #tpu.memory_space<semaphore_mem>>)
      %dma_start3A_95 = arith.constant 128 : i32
      %dma_start3A_96 = tpu.memref_slice %arg7[%dma_start3A_95] : memref<2560xi32, #tpu.memory_space<vmem>> -> memref<64xi32, #tpu.memory_space<vmem>>
      %dma_start3A_97 = arith.constant 0 : i32
      %dma_start3A_98 = arith.constant 0 : i32
      %dma_start3A_99 = tpu.memref_slice %arg5[%dma_start3A_97, %dma_start3A_98] : memref<10000x64xi32, #tpu.memory_space<hbm>> -> memref<10000x64xi32, #tpu.memory_space<hbm>>
      tpu.enqueue_indirect_dma source(%dma_start3A_99 : memref<10000x64xi32, #tpu.memory_space<hbm>>) target(%arg12 : memref<64x64xi32, #tpu.memory_space<vmem>>) offsets(%dma_start3A_96 : memref<64xi32, #tpu.memory_space<vmem>>) semaphore(%arg19 : memref<!tpu.dma_semaphore, #tpu.memory_space<semaphore_mem>>)
      %scan3A_100 = arith.constant 0 : i32
      %scan3A_101 = arith.constant 10 : i32
      %scan3A_102 = arith.addi %scan3A_100, %scan3A_101 : i32
      %scan3A_103 = arith.constant 1 : i32
      scf.for %scan3A_105 = %scan3A_100 to %scan3A_102 step %scan3A_103  : i32 {
        %mul3A_106 = arith.constant 1 : i32
        %mul3A_107 = arith.muli %scan3A_105, %mul3A_106 : i32
        %add3A_108 = arith.constant 0 : i32
        %add3A_109 = arith.addi %add3A_108, %mul3A_107 : i32
        %mul3A_110 = arith.constant 4 : i32
        %mul3A_111 = arith.muli %add3A_109, %mul3A_110 : i32
        %add3A_112 = arith.constant 0 : i32
        %add3A_113 = arith.addi %mul3A_111, %add3A_112 : i32
        %add3A_114 = arith.constant 4 : i32
        %add3A_115 = arith.addi %add3A_113, %add3A_114 : i32
        %sub3A = arith.constant 1 : i32
        %sub3A_116 = arith.subi %add3A_115, %sub3A : i32
        %lt3A = arith.constant 40 : i32
        %lt3A_117 = arith.cmpi slt, %sub3A_116, %lt3A : i32
        %convert_element_type3A = arith.extui %lt3A_117 : i1 to i32
        %cond3A = arith.constant 0 : i32
        %cond3A_118 = arith.cmpi ne, %convert_element_type3A, %cond3A : i32
        scf.if %cond3A_118 {
          %add3A_260 = arith.constant 4 : i32
          %add3A_261 = arith.addi %add3A_113, %add3A_260 : i32
          %sub3A_262 = arith.constant 1 : i32
          %sub3A_263 = arith.subi %add3A_261, %sub3A_262 : i32
          %mul3A_264 = arith.constant 64 : i32
          %mul3A_265 = arith.muli %sub3A_263, %mul3A_264 : i32
          %dma_start3A_266 = tpu.memref_slice %arg7[%mul3A_265] : memref<2560xi32, #tpu.memory_space<vmem>> -> memref<64xi32, #tpu.memory_space<vmem>>
          %dma_start3A_267 = arith.constant 0 : i32
          %dma_start3A_268 = arith.constant 0 : i32
          %dma_start3A_269 = tpu.memref_slice %arg5[%dma_start3A_267, %dma_start3A_268] : memref<10000x64xi32, #tpu.memory_space<hbm>> -> memref<10000x64xi32, #tpu.memory_space<hbm>>
          tpu.enqueue_indirect_dma source(%dma_start3A_269 : memref<10000x64xi32, #tpu.memory_space<hbm>>) target(%arg13 : memref<64x64xi32, #tpu.memory_space<vmem>>) offsets(%dma_start3A_266 : memref<64xi32, #tpu.memory_space<vmem>>) semaphore(%arg20 : memref<!tpu.dma_semaphore, #tpu.memory_space<semaphore_mem>>)
        } else {
        }
        %gt3A = arith.constant 0 : i32
        %gt3A_119 = arith.cmpi sgt, %add3A_73, %gt3A : i32
        %gt3A_120 = arith.constant 1 : i32
        %gt3A_121 = arith.cmpi sgt, %add3A_113, %gt3A_120 : i32
        %or3A = arith.ori %gt3A_119, %gt3A_121 : i1
        %convert_element_type3A_122 = arith.extui %or3A : i1 to i32
        %cond3A_123 = arith.constant 0 : i32
        %cond3A_124 = arith.cmpi ne, %convert_element_type3A_122, %cond3A_123 : i32
        scf.if %cond3A_124 {
          %dma_wait3A_260 = arith.constant 1 : i32
          %dma_wait3A_261 = arith.constant 0 : i32
          %dma_wait3A_262 = tpu.memref_slice %arg8[%dma_wait3A_260, %add3A_113, %dma_wait3A_261] : memref<2x40x64xi32, #tpu.memory_space<vmem>> -> memref<1x1x64xi32, #tpu.memory_space<vmem>>
          %dma_wait3A_263 = tpu.memref_squeeze %dma_wait3A_262 : memref<1x1x64xi32, #tpu.memory_space<vmem>> -> memref<64xi32, #tpu.memory_space<vmem>>
          %dma_wait3A_264 = arith.constant 0 : i32
          %dma_wait3A_265 = arith.constant 0 : i32
          %dma_wait3A_266 = tpu.memref_slice %arg16[%dma_wait3A_264, %dma_wait3A_265] : memref<10240x128xf32, #tpu.memory_space<vmem_shared>> -> memref<10240x128xf32, #tpu.memory_space<vmem_shared>>
          tpu.wait_indirect_dma semaphore(%arg21 : memref<!tpu.dma_semaphore, #tpu.memory_space<semaphore_mem>>) src(%arg14 : memref<64x128xf32, #tpu.memory_space<vmem>>) dst(%dma_wait3A_266 : memref<10240x128xf32, #tpu.memory_space<vmem_shared>>)
        } else {
        }
        %mul3A_125 = arith.constant 64 : i32
        %mul3A_126 = arith.muli %add3A_113, %mul3A_125 : i32
        %dma_wait3A_127 = tpu.memref_slice %arg7[%mul3A_126] : memref<2560xi32, #tpu.memory_space<vmem>> -> memref<64xi32, #tpu.memory_space<vmem>>
        %dma_wait3A_128 = arith.constant 0 : i32
        %dma_wait3A_129 = arith.constant 0 : i32
        %dma_wait3A_130 = tpu.memref_slice %arg5[%dma_wait3A_128, %dma_wait3A_129] : memref<10000x64xi32, #tpu.memory_space<hbm>> -> memref<10000x64xi32, #tpu.memory_space<hbm>>
        tpu.wait_indirect_dma semaphore(%arg17 : memref<!tpu.dma_semaphore, #tpu.memory_space<semaphore_mem>>) src(%dma_wait3A_130 : memref<10000x64xi32, #tpu.memory_space<hbm>>) dst(%arg10 : memref<64x64xi32, #tpu.memory_space<vmem>>)
        %scan3A_131 = arith.constant 0 : i32
        %scan3A_132 = arith.constant 64 : i32
        %scan3A_133 = arith.addi %scan3A_131, %scan3A_132 : i32
        %scan3A_134 = arith.constant 1 : i32
        scf.for %scan3A_260 = %scan3A_131 to %scan3A_133 step %scan3A_134  : i32 {
          %mul3A_261 = arith.constant 1 : i32
          %mul3A_262 = arith.muli %scan3A_260, %mul3A_261 : i32
          %add3A_263 = arith.constant 0 : i32
          %add3A_264 = arith.addi %add3A_263, %mul3A_262 : i32
          %mul3A_265 = arith.constant 64 : i32
          %mul3A_266 = arith.muli %add3A_113, %mul3A_265 : i32
          %add3A_267 = arith.addi %mul3A_266, %add3A_264 : i32
          %broadcast_in_dim3A = vector.broadcast %add3A_267 : i32 to vector<16xi32>
          %gather3A = tpu.vector_load_idx %arg9[%broadcast_in_dim3A] : memref<2560xf32, #tpu.memory_space<vmem>>[vector<16xi32>], vector<16xf32>,
          %get3A = arith.index_cast %add3A_264 : i32 to index
          %get3A_268 = arith.constant 0 : index
          %get3A_269 = tpu.vector_load %arg10[%get3A, %get3A_268] {strides = array<i32>} : memref<64x64xi32, #tpu.memory_space<vmem>>, vector<16xi32>,
          %bitcast3A = vector.bitcast %get3A_269 : vector<16xi32> to vector<16xi32>
          %shift_left3A = arith.constant 16 : i32
          %shift_left3A_270 = vector.broadcast %shift_left3A : i32 to vector<16xi32>
          %shift_left3A_271 = arith.shli %bitcast3A, %shift_left3A_270 : vector<16xi32>
          %bitcast3A_272 = vector.bitcast %shift_left3A_271 : vector<16xi32> to vector<16xf32>
          %and3A = arith.constant -65536 : i32
          %and3A_273 = vector.broadcast %and3A : i32 to vector<16xi32>
          %and3A_274 = arith.andi %bitcast3A, %and3A_273 : vector<16xi32>
          %bitcast3A_275 = vector.bitcast %and3A_274 : vector<16xi32> to vector<16xf32>
          %mul3A_276 = arith.mulf %bitcast3A_272, %gather3A : vector<16xf32>
          %swap3A = arith.index_cast %add3A_264 : i32 to index
          %swap3A_277 = arith.constant 0 : index
          %swap3A_278 = tpu.vector_load %arg14[%swap3A, %swap3A_277] {strides = array<i32>} : memref<64x128xf32, #tpu.memory_space<vmem>>, vector<16xf32>,
          tpu.vector_store %arg14[%swap3A, %swap3A_277], %mul3A_276 {strides = array<i32>} : memref<64x128xf32, #tpu.memory_space<vmem>>, vector<16xf32>,
          %mul3A_279 = arith.mulf %bitcast3A_275, %gather3A : vector<16xf32>
          %swap3A_280 = arith.index_cast %add3A_264 : i32 to index
          %swap3A_281 = arith.constant 16 : index
          %swap3A_282 = tpu.vector_load %arg14[%swap3A_280, %swap3A_281] {strides = array<i32>} : memref<64x128xf32, #tpu.memory_space<vmem>>, vector<16xf32>,
          tpu.vector_store %arg14[%swap3A_280, %swap3A_281], %mul3A_279 {strides = array<i32>} : memref<64x128xf32, #tpu.memory_space<vmem>>, vector<16xf32>,
          %get3A_283 = arith.index_cast %add3A_264 : i32 to index
          %get3A_284 = arith.constant 16 : index
          %get3A_285 = tpu.vector_load %arg10[%get3A_283, %get3A_284] {strides = array<i32>} : memref<64x64xi32, #tpu.memory_space<vmem>>, vector<16xi32>,
          %bitcast3A_286 = vector.bitcast %get3A_285 : vector<16xi32> to vector<16xi32>
          %shift_left3A_287 = arith.constant 16 : i32
          %shift_left3A_288 = vector.broadcast %shift_left3A_287 : i32 to vector<16xi32>
          %shift_left3A_289 = arith.shli %bitcast3A_286, %shift_left3A_288 : vector<16xi32>
          %bitcast3A_290 = vector.bitcast %shift_left3A_289 : vector<16xi32> to vector<16xf32>
          %and3A_291 = arith.constant -65536 : i32
          %and3A_292 = vector.broadcast %and3A_291 : i32 to vector<16xi32>
          %and3A_293 = arith.andi %bitcast3A_286, %and3A_292 : vector<16xi32>
          %bitcast3A_294 = vector.bitcast %and3A_293 : vector<16xi32> to vector<16xf32>
          %mul3A_295 = arith.mulf %bitcast3A_290, %gather3A : vector<16xf32>
          %swap3A_296 = arith.index_cast %add3A_264 : i32 to index
          %swap3A_297 = arith.constant 32 : index
          %swap3A_298 = tpu.vector_load %arg14[%swap3A_296, %swap3A_297] {strides = array<i32>} : memref<64x128xf32, #tpu.memory_space<vmem>>, vector<16xf32>,
          tpu.vector_store %arg14[%swap3A_296, %swap3A_297], %mul3A_295 {strides = array<i32>} : memref<64x128xf32, #tpu.memory_space<vmem>>, vector<16xf32>,
          %mul3A_299 = arith.mulf %bitcast3A_294, %gather3A : vector<16xf32>
          %swap3A_300 = arith.index_cast %add3A_264 : i32 to index
          %swap3A_301 = arith.constant 48 : index
          %swap3A_302 = tpu.vector_load %arg14[%swap3A_300, %swap3A_301] {strides = array<i32>} : memref<64x128xf32, #tpu.memory_space<vmem>>, vector<16xf32>,
          tpu.vector_store %arg14[%swap3A_300, %swap3A_301], %mul3A_299 {strides = array<i32>} : memref<64x128xf32, #tpu.memory_space<vmem>>, vector<16xf32>,
          %get3A_303 = arith.index_cast %add3A_264 : i32 to index
          %get3A_304 = arith.constant 32 : index
          %get3A_305 = tpu.vector_load %arg10[%get3A_303, %get3A_304] {strides = array<i32>} : memref<64x64xi32, #tpu.memory_space<vmem>>, vector<16xi32>,
          %bitcast3A_306 = vector.bitcast %get3A_305 : vector<16xi32> to vector<16xi32>
          %shift_left3A_307 = arith.constant 16 : i32
          %shift_left3A_308 = vector.broadcast %shift_left3A_307 : i32 to vector<16xi32>
          %shift_left3A_309 = arith.shli %bitcast3A_306, %shift_left3A_308 : vector<16xi32>
          %bitcast3A_310 = vector.bitcast %shift_left3A_309 : vector<16xi32> to vector<16xf32>
          %and3A_311 = arith.constant -65536 : i32
          %and3A_312 = vector.broadcast %and3A_311 : i32 to vector<16xi32>
          %and3A_313 = arith.andi %bitcast3A_306, %and3A_312 : vector<16xi32>
          %bitcast3A_314 = vector.bitcast %and3A_313 : vector<16xi32> to vector<16xf32>
          %mul3A_315 = arith.mulf %bitcast3A_310, %gather3A : vector<16xf32>
          %swap3A_316 = arith.index_cast %add3A_264 : i32 to index
          %swap3A_317 = arith.constant 64 : index
          %swap3A_318 = tpu.vector_load %arg14[%swap3A_316, %swap3A_317] {strides = array<i32>} : memref<64x128xf32, #tpu.memory_space<vmem>>, vector<16xf32>,
          tpu.vector_store %arg14[%swap3A_316, %swap3A_317], %mul3A_315 {strides = array<i32>} : memref<64x128xf32, #tpu.memory_space<vmem>>, vector<16xf32>,
          %mul3A_319 = arith.mulf %bitcast3A_314, %gather3A : vector<16xf32>
          %swap3A_320 = arith.index_cast %add3A_264 : i32 to index
          %swap3A_321 = arith.constant 80 : index
          %swap3A_322 = tpu.vector_load %arg14[%swap3A_320, %swap3A_321] {strides = array<i32>} : memref<64x128xf32, #tpu.memory_space<vmem>>, vector<16xf32>,
          tpu.vector_store %arg14[%swap3A_320, %swap3A_321], %mul3A_319 {strides = array<i32>} : memref<64x128xf32, #tpu.memory_space<vmem>>, vector<16xf32>,
          %get3A_323 = arith.index_cast %add3A_264 : i32 to index
          %get3A_324 = arith.constant 48 : index
          %get3A_325 = tpu.vector_load %arg10[%get3A_323, %get3A_324] {strides = array<i32>} : memref<64x64xi32, #tpu.memory_space<vmem>>, vector<16xi32>,
          %bitcast3A_326 = vector.bitcast %get3A_325 : vector<16xi32> to vector<16xi32>
          %shift_left3A_327 = arith.constant 16 : i32
          %shift_left3A_328 = vector.broadcast %shift_left3A_327 : i32 to vector<16xi32>
          %shift_left3A_329 = arith.shli %bitcast3A_326, %shift_left3A_328 : vector<16xi32>
          %bitcast3A_330 = vector.bitcast %shift_left3A_329 : vector<16xi32> to vector<16xf32>
          %and3A_331 = arith.constant -65536 : i32
          %and3A_332 = vector.broadcast %and3A_331 : i32 to vector<16xi32>
          %and3A_333 = arith.andi %bitcast3A_326, %and3A_332 : vector<16xi32>
          %bitcast3A_334 = vector.bitcast %and3A_333 : vector<16xi32> to vector<16xf32>
          %mul3A_335 = arith.mulf %bitcast3A_330, %gather3A : vector<16xf32>
          %swap3A_336 = arith.index_cast %add3A_264 : i32 to index
          %swap3A_337 = arith.constant 96 : index
          %swap3A_338 = tpu.vector_load %arg14[%swap3A_336, %swap3A_337] {strides = array<i32>} : memref<64x128xf32, #tpu.memory_space<vmem>>, vector<16xf32>,
          tpu.vector_store %arg14[%swap3A_336, %swap3A_337], %mul3A_335 {strides = array<i32>} : memref<64x128xf32, #tpu.memory_space<vmem>>, vector<16xf32>,
          %mul3A_339 = arith.mulf %bitcast3A_334, %gather3A : vector<16xf32>
          %swap3A_340 = arith.index_cast %add3A_264 : i32 to index
          %swap3A_341 = arith.constant 112 : index
          %swap3A_342 = tpu.vector_load %arg14[%swap3A_340, %swap3A_341] {strides = array<i32>} : memref<64x128xf32, #tpu.memory_space<vmem>>, vector<16xf32>,
          tpu.vector_store %arg14[%swap3A_340, %swap3A_341], %mul3A_339 {strides = array<i32>} : memref<64x128xf32, #tpu.memory_space<vmem>>, vector<16xf32>,
        }
        %scan3A_135 = arith.constant 64 : i32
        %dma_start3A_136 = arith.constant 1 : i32
        %dma_start3A_137 = arith.constant 0 : i32
        %dma_start3A_138 = tpu.memref_slice %arg8[%dma_start3A_136, %add3A_113, %dma_start3A_137] : memref<2x40x64xi32, #tpu.memory_space<vmem>> -> memref<1x1x64xi32, #tpu.memory_space<vmem>>
        %dma_start3A_139 = tpu.memref_squeeze %dma_start3A_138 : memref<1x1x64xi32, #tpu.memory_space<vmem>> -> memref<64xi32, #tpu.memory_space<vmem>>
        %dma_start3A_140 = arith.constant 0 : i32
        %dma_start3A_141 = arith.constant 0 : i32
        %dma_start3A_142 = tpu.memref_slice %arg16[%dma_start3A_140, %dma_start3A_141] : memref<10240x128xf32, #tpu.memory_space<vmem_shared>> -> memref<10240x128xf32, #tpu.memory_space<vmem_shared>>
        tpu.enqueue_indirect_dma source(%arg14 : memref<64x128xf32, #tpu.memory_space<vmem>>) target(%dma_start3A_142 : memref<10240x128xf32, #tpu.memory_space<vmem_shared>>) offsets(%dma_start3A_139 : memref<64xi32, #tpu.memory_space<vmem>>) semaphore(%arg21 : memref<!tpu.dma_semaphore, #tpu.memory_space<semaphore_mem>>) {add = true}
        %mul3A_143 = arith.constant 4 : i32
        %mul3A_144 = arith.muli %add3A_109, %mul3A_143 : i32
        %add3A_145 = arith.constant 1 : i32
        %add3A_146 = arith.addi %mul3A_144, %add3A_145 : i32
        %add3A_147 = arith.constant 4 : i32
        %add3A_148 = arith.addi %add3A_146, %add3A_147 : i32
        %sub3A_149 = arith.constant 1 : i32
        %sub3A_150 = arith.subi %add3A_148, %sub3A_149 : i32
        %lt3A_151 = arith.constant 40 : i32
        %lt3A_152 = arith.cmpi slt, %sub3A_150, %lt3A_151 : i32
        %convert_element_type3A_153 = arith.extui %lt3A_152 : i1 to i32
        %cond3A_154 = arith.constant 0 : i32
        %cond3A_155 = arith.cmpi ne, %convert_element_type3A_153, %cond3A_154 : i32
        scf.if %cond3A_155 {
          %add3A_260 = arith.constant 4 : i32
          %add3A_261 = arith.addi %add3A_146, %add3A_260 : i32
          %sub3A_262 = arith.constant 1 : i32
          %sub3A_263 = arith.subi %add3A_261, %sub3A_262 : i32
          %mul3A_264 = arith.constant 64 : i32
          %mul3A_265 = arith.muli %sub3A_263, %mul3A_264 : i32
          %dma_start3A_266 = tpu.memref_slice %arg7[%mul3A_265] : memref<2560xi32, #tpu.memory_space<vmem>> -> memref<64xi32, #tpu.memory_space<vmem>>
          %dma_start3A_267 = arith.constant 0 : i32
          %dma_start3A_268 = arith.constant 0 : i32
          %dma_start3A_269 = tpu.memref_slice %arg5[%dma_start3A_267, %dma_start3A_268] : memref<10000x64xi32, #tpu.memory_space<hbm>> -> memref<10000x64xi32, #tpu.memory_space<hbm>>
          tpu.enqueue_indirect_dma source(%dma_start3A_269 : memref<10000x64xi32, #tpu.memory_space<hbm>>) target(%arg10 : memref<64x64xi32, #tpu.memory_space<vmem>>) offsets(%dma_start3A_266 : memref<64xi32, #tpu.memory_space<vmem>>) semaphore(%arg17 : memref<!tpu.dma_semaphore, #tpu.memory_space<semaphore_mem>>)
        } else {
        }
        %gt3A_156 = arith.constant 0 : i32
        %gt3A_157 = arith.cmpi sgt, %add3A_73, %gt3A_156 : i32
        %gt3A_158 = arith.constant 1 : i32
        %gt3A_159 = arith.cmpi sgt, %add3A_146, %gt3A_158 : i32
        %or3A_160 = arith.ori %gt3A_157, %gt3A_159 : i1
        %convert_element_type3A_161 = arith.extui %or3A_160 : i1 to i32
        %cond3A_162 = arith.constant 0 : i32
        %cond3A_163 = arith.cmpi ne, %convert_element_type3A_161, %cond3A_162 : i32
        scf.if %cond3A_163 {
          %dma_wait3A_260 = arith.constant 1 : i32
          %dma_wait3A_261 = arith.constant 0 : i32
          %dma_wait3A_262 = tpu.memref_slice %arg8[%dma_wait3A_260, %add3A_146, %dma_wait3A_261] : memref<2x40x64xi32, #tpu.memory_space<vmem>> -> memref<1x1x64xi32, #tpu.memory_space<vmem>>
          %dma_wait3A_263 = tpu.memref_squeeze %dma_wait3A_262 : memref<1x1x64xi32, #tpu.memory_space<vmem>> -> memref<64xi32, #tpu.memory_space<vmem>>
          %dma_wait3A_264 = arith.constant 0 : i32
          %dma_wait3A_265 = arith.constant 0 : i32
          %dma_wait3A_266 = tpu.memref_slice %arg16[%dma_wait3A_264, %dma_wait3A_265] : memref<10240x128xf32, #tpu.memory_space<vmem_shared>> -> memref<10240x128xf32, #tpu.memory_space<vmem_shared>>
          tpu.wait_indirect_dma semaphore(%arg22 : memref<!tpu.dma_semaphore, #tpu.memory_space<semaphore_mem>>) src(%arg15 : memref<64x128xf32, #tpu.memory_space<vmem>>) dst(%dma_wait3A_266 : memref<10240x128xf32, #tpu.memory_space<vmem_shared>>)
        } else {
        }
        %mul3A_164 = arith.constant 64 : i32
        %mul3A_165 = arith.muli %add3A_146, %mul3A_164 : i32
        %dma_wait3A_166 = tpu.memref_slice %arg7[%mul3A_165] : memref<2560xi32, #tpu.memory_space<vmem>> -> memref<64xi32, #tpu.memory_space<vmem>>
        %dma_wait3A_167 = arith.constant 0 : i32
        %dma_wait3A_168 = arith.constant 0 : i32
        %dma_wait3A_169 = tpu.memref_slice %arg5[%dma_wait3A_167, %dma_wait3A_168] : memref<10000x64xi32, #tpu.memory_space<hbm>> -> memref<10000x64xi32, #tpu.memory_space<hbm>>
        tpu.wait_indirect_dma semaphore(%arg18 : memref<!tpu.dma_semaphore, #tpu.memory_space<semaphore_mem>>) src(%dma_wait3A_169 : memref<10000x64xi32, #tpu.memory_space<hbm>>) dst(%arg11 : memref<64x64xi32, #tpu.memory_space<vmem>>)
        %scan3A_170 = arith.constant 0 : i32
        %scan3A_171 = arith.constant 64 : i32
        %scan3A_172 = arith.addi %scan3A_170, %scan3A_171 : i32
        %scan3A_173 = arith.constant 1 : i32
        scf.for %scan3A_260 = %scan3A_170 to %scan3A_172 step %scan3A_173  : i32 {
          %mul3A_261 = arith.constant 1 : i32
          %mul3A_262 = arith.muli %scan3A_260, %mul3A_261 : i32
          %add3A_263 = arith.constant 0 : i32
          %add3A_264 = arith.addi %add3A_263, %mul3A_262 : i32
          %mul3A_265 = arith.constant 64 : i32
          %mul3A_266 = arith.muli %add3A_146, %mul3A_265 : i32
          %add3A_267 = arith.addi %mul3A_266, %add3A_264 : i32
          %broadcast_in_dim3A = vector.broadcast %add3A_267 : i32 to vector<16xi32>
          %gather3A = tpu.vector_load_idx %arg9[%broadcast_in_dim3A] : memref<2560xf32, #tpu.memory_space<vmem>>[vector<16xi32>], vector<16xf32>,
          %get3A = arith.index_cast %add3A_264 : i32 to index
          %get3A_268 = arith.constant 0 : index
          %get3A_269 = tpu.vector_load %arg11[%get3A, %get3A_268] {strides = array<i32>} : memref<64x64xi32, #tpu.memory_space<vmem>>, vector<16xi32>,
          %bitcast3A = vector.bitcast %get3A_269 : vector<16xi32> to vector<16xi32>
          %shift_left3A = arith.constant 16 : i32
          %shift_left3A_270 = vector.broadcast %shift_left3A : i32 to vector<16xi32>
          %shift_left3A_271 = arith.shli %bitcast3A, %shift_left3A_270 : vector<16xi32>
          %bitcast3A_272 = vector.bitcast %shift_left3A_271 : vector<16xi32> to vector<16xf32>
          %and3A = arith.constant -65536 : i32
          %and3A_273 = vector.broadcast %and3A : i32 to vector<16xi32>
          %and3A_274 = arith.andi %bitcast3A, %and3A_273 : vector<16xi32>
          %bitcast3A_275 = vector.bitcast %and3A_274 : vector<16xi32> to vector<16xf32>
          %mul3A_276 = arith.mulf %bitcast3A_272, %gather3A : vector<16xf32>
          %swap3A = arith.index_cast %add3A_264 : i32 to index
          %swap3A_277 = arith.constant 0 : index
          %swap3A_278 = tpu.vector_load %arg15[%swap3A, %swap3A_277] {strides = array<i32>} : memref<64x128xf32, #tpu.memory_space<vmem>>, vector<16xf32>,
          tpu.vector_store %arg15[%swap3A, %swap3A_277], %mul3A_276 {strides = array<i32>} : memref<64x128xf32, #tpu.memory_space<vmem>>, vector<16xf32>,
          %mul3A_279 = arith.mulf %bitcast3A_275, %gather3A : vector<16xf32>
          %swap3A_280 = arith.index_cast %add3A_264 : i32 to index
          %swap3A_281 = arith.constant 16 : index
          %swap3A_282 = tpu.vector_load %arg15[%swap3A_280, %swap3A_281] {strides = array<i32>} : memref<64x128xf32, #tpu.memory_space<vmem>>, vector<16xf32>,
          tpu.vector_store %arg15[%swap3A_280, %swap3A_281], %mul3A_279 {strides = array<i32>} : memref<64x128xf32, #tpu.memory_space<vmem>>, vector<16xf32>,
          %get3A_283 = arith.index_cast %add3A_264 : i32 to index
          %get3A_284 = arith.constant 16 : index
          %get3A_285 = tpu.vector_load %arg11[%get3A_283, %get3A_284] {strides = array<i32>} : memref<64x64xi32, #tpu.memory_space<vmem>>, vector<16xi32>,
          %bitcast3A_286 = vector.bitcast %get3A_285 : vector<16xi32> to vector<16xi32>
          %shift_left3A_287 = arith.constant 16 : i32
          %shift_left3A_288 = vector.broadcast %shift_left3A_287 : i32 to vector<16xi32>
          %shift_left3A_289 = arith.shli %bitcast3A_286, %shift_left3A_288 : vector<16xi32>
          %bitcast3A_290 = vector.bitcast %shift_left3A_289 : vector<16xi32> to vector<16xf32>
          %and3A_291 = arith.constant -65536 : i32
          %and3A_292 = vector.broadcast %and3A_291 : i32 to vector<16xi32>
          %and3A_293 = arith.andi %bitcast3A_286, %and3A_292 : vector<16xi32>
          %bitcast3A_294 = vector.bitcast %and3A_293 : vector<16xi32> to vector<16xf32>
          %mul3A_295 = arith.mulf %bitcast3A_290, %gather3A : vector<16xf32>
          %swap3A_296 = arith.index_cast %add3A_264 : i32 to index
          %swap3A_297 = arith.constant 32 : index
          %swap3A_298 = tpu.vector_load %arg15[%swap3A_296, %swap3A_297] {strides = array<i32>} : memref<64x128xf32, #tpu.memory_space<vmem>>, vector<16xf32>,
          tpu.vector_store %arg15[%swap3A_296, %swap3A_297], %mul3A_295 {strides = array<i32>} : memref<64x128xf32, #tpu.memory_space<vmem>>, vector<16xf32>,
          %mul3A_299 = arith.mulf %bitcast3A_294, %gather3A : vector<16xf32>
          %swap3A_300 = arith.index_cast %add3A_264 : i32 to index
          %swap3A_301 = arith.constant 48 : index
          %swap3A_302 = tpu.vector_load %arg15[%swap3A_300, %swap3A_301] {strides = array<i32>} : memref<64x128xf32, #tpu.memory_space<vmem>>, vector<16xf32>,
          tpu.vector_store %arg15[%swap3A_300, %swap3A_301], %mul3A_299 {strides = array<i32>} : memref<64x128xf32, #tpu.memory_space<vmem>>, vector<16xf32>,
          %get3A_303 = arith.index_cast %add3A_264 : i32 to index
          %get3A_304 = arith.constant 32 : index
          %get3A_305 = tpu.vector_load %arg11[%get3A_303, %get3A_304] {strides = array<i32>} : memref<64x64xi32, #tpu.memory_space<vmem>>, vector<16xi32>,
          %bitcast3A_306 = vector.bitcast %get3A_305 : vector<16xi32> to vector<16xi32>
          %shift_left3A_307 = arith.constant 16 : i32
          %shift_left3A_308 = vector.broadcast %shift_left3A_307 : i32 to vector<16xi32>
          %shift_left3A_309 = arith.shli %bitcast3A_306, %shift_left3A_308 : vector<16xi32>
          %bitcast3A_310 = vector.bitcast %shift_left3A_309 : vector<16xi32> to vector<16xf32>
          %and3A_311 = arith.constant -65536 : i32
          %and3A_312 = vector.broadcast %and3A_311 : i32 to vector<16xi32>
          %and3A_313 = arith.andi %bitcast3A_306, %and3A_312 : vector<16xi32>
          %bitcast3A_314 = vector.bitcast %and3A_313 : vector<16xi32> to vector<16xf32>
          %mul3A_315 = arith.mulf %bitcast3A_310, %gather3A : vector<16xf32>
          %swap3A_316 = arith.index_cast %add3A_264 : i32 to index
          %swap3A_317 = arith.constant 64 : index
          %swap3A_318 = tpu.vector_load %arg15[%swap3A_316, %swap3A_317] {strides = array<i32>} : memref<64x128xf32, #tpu.memory_space<vmem>>, vector<16xf32>,
          tpu.vector_store %arg15[%swap3A_316, %swap3A_317], %mul3A_315 {strides = array<i32>} : memref<64x128xf32, #tpu.memory_space<vmem>>, vector<16xf32>,
          %mul3A_319 = arith.mulf %bitcast3A_314, %gather3A : vector<16xf32>
          %swap3A_320 = arith.index_cast %add3A_264 : i32 to index
          %swap3A_321 = arith.constant 80 : index
          %swap3A_322 = tpu.vector_load %arg15[%swap3A_320, %swap3A_321] {strides = array<i32>} : memref<64x128xf32, #tpu.memory_space<vmem>>, vector<16xf32>,
          tpu.vector_store %arg15[%swap3A_320, %swap3A_321], %mul3A_319 {strides = array<i32>} : memref<64x128xf32, #tpu.memory_space<vmem>>, vector<16xf32>,
          %get3A_323 = arith.index_cast %add3A_264 : i32 to index
          %get3A_324 = arith.constant 48 : index
          %get3A_325 = tpu.vector_load %arg11[%get3A_323, %get3A_324] {strides = array<i32>} : memref<64x64xi32, #tpu.memory_space<vmem>>, vector<16xi32>,
          %bitcast3A_326 = vector.bitcast %get3A_325 : vector<16xi32> to vector<16xi32>
          %shift_left3A_327 = arith.constant 16 : i32
          %shift_left3A_328 = vector.broadcast %shift_left3A_327 : i32 to vector<16xi32>
          %shift_left3A_329 = arith.shli %bitcast3A_326, %shift_left3A_328 : vector<16xi32>
          %bitcast3A_330 = vector.bitcast %shift_left3A_329 : vector<16xi32> to vector<16xf32>
          %and3A_331 = arith.constant -65536 : i32
          %and3A_332 = vector.broadcast %and3A_331 : i32 to vector<16xi32>
          %and3A_333 = arith.andi %bitcast3A_326, %and3A_332 : vector<16xi32>
          %bitcast3A_334 = vector.bitcast %and3A_333 : vector<16xi32> to vector<16xf32>
          %mul3A_335 = arith.mulf %bitcast3A_330, %gather3A : vector<16xf32>
          %swap3A_336 = arith.index_cast %add3A_264 : i32 to index
          %swap3A_337 = arith.constant 96 : index
          %swap3A_338 = tpu.vector_load %arg15[%swap3A_336, %swap3A_337] {strides = array<i32>} : memref<64x128xf32, #tpu.memory_space<vmem>>, vector<16xf32>,
          tpu.vector_store %arg15[%swap3A_336, %swap3A_337], %mul3A_335 {strides = array<i32>} : memref<64x128xf32, #tpu.memory_space<vmem>>, vector<16xf32>,
          %mul3A_339 = arith.mulf %bitcast3A_334, %gather3A : vector<16xf32>
          %swap3A_340 = arith.index_cast %add3A_264 : i32 to index
          %swap3A_341 = arith.constant 112 : index
          %swap3A_342 = tpu.vector_load %arg15[%swap3A_340, %swap3A_341] {strides = array<i32>} : memref<64x128xf32, #tpu.memory_space<vmem>>, vector<16xf32>,
          tpu.vector_store %arg15[%swap3A_340, %swap3A_341], %mul3A_339 {strides = array<i32>} : memref<64x128xf32, #tpu.memory_space<vmem>>, vector<16xf32>,
        }
        %scan3A_174 = arith.constant 64 : i32
        %dma_start3A_175 = arith.constant 1 : i32
        %dma_start3A_176 = arith.constant 0 : i32
        %dma_start3A_177 = tpu.memref_slice %arg8[%dma_start3A_175, %add3A_146, %dma_start3A_176] : memref<2x40x64xi32, #tpu.memory_space<vmem>> -> memref<1x1x64xi32, #tpu.memory_space<vmem>>
        %dma_start3A_178 = tpu.memref_squeeze %dma_start3A_177 : memref<1x1x64xi32, #tpu.memory_space<vmem>> -> memref<64xi32, #tpu.memory_space<vmem>>
        %dma_start3A_179 = arith.constant 0 : i32
        %dma_start3A_180 = arith.constant 0 : i32
        %dma_start3A_181 = tpu.memref_slice %arg16[%dma_start3A_179, %dma_start3A_180] : memref<10240x128xf32, #tpu.memory_space<vmem_shared>> -> memref<10240x128xf32, #tpu.memory_space<vmem_shared>>
        tpu.enqueue_indirect_dma source(%arg15 : memref<64x128xf32, #tpu.memory_space<vmem>>) target(%dma_start3A_181 : memref<10240x128xf32, #tpu.memory_space<vmem_shared>>) offsets(%dma_start3A_178 : memref<64xi32, #tpu.memory_space<vmem>>) semaphore(%arg22 : memref<!tpu.dma_semaphore, #tpu.memory_space<semaphore_mem>>) {add = true}
        %mul3A_182 = arith.constant 4 : i32
        %mul3A_183 = arith.muli %add3A_109, %mul3A_182 : i32
        %add3A_184 = arith.constant 2 : i32
        %add3A_185 = arith.addi %mul3A_183, %add3A_184 : i32
        %add3A_186 = arith.constant 4 : i32
        %add3A_187 = arith.addi %add3A_185, %add3A_186 : i32
        %sub3A_188 = arith.constant 1 : i32
        %sub3A_189 = arith.subi %add3A_187, %sub3A_188 : i32
        %lt3A_190 = arith.constant 40 : i32
        %lt3A_191 = arith.cmpi slt, %sub3A_189, %lt3A_190 : i32
        %convert_element_type3A_192 = arith.extui %lt3A_191 : i1 to i32
        %cond3A_193 = arith.constant 0 : i32
        %cond3A_194 = arith.cmpi ne, %convert_element_type3A_192, %cond3A_193 : i32
        scf.if %cond3A_194 {
          %add3A_260 = arith.constant 4 : i32
          %add3A_261 = arith.addi %add3A_185, %add3A_260 : i32
          %sub3A_262 = arith.constant 1 : i32
          %sub3A_263 = arith.subi %add3A_261, %sub3A_262 : i32
          %mul3A_264 = arith.constant 64 : i32
          %mul3A_265 = arith.muli %sub3A_263, %mul3A_264 : i32
          %dma_start3A_266 = tpu.memref_slice %arg7[%mul3A_265] : memref<2560xi32, #tpu.memory_space<vmem>> -> memref<64xi32, #tpu.memory_space<vmem>>
          %dma_start3A_267 = arith.constant 0 : i32
          %dma_start3A_268 = arith.constant 0 : i32
          %dma_start3A_269 = tpu.memref_slice %arg5[%dma_start3A_267, %dma_start3A_268] : memref<10000x64xi32, #tpu.memory_space<hbm>> -> memref<10000x64xi32, #tpu.memory_space<hbm>>
          tpu.enqueue_indirect_dma source(%dma_start3A_269 : memref<10000x64xi32, #tpu.memory_space<hbm>>) target(%arg11 : memref<64x64xi32, #tpu.memory_space<vmem>>) offsets(%dma_start3A_266 : memref<64xi32, #tpu.memory_space<vmem>>) semaphore(%arg18 : memref<!tpu.dma_semaphore, #tpu.memory_space<semaphore_mem>>)
        } else {
        }
        %gt3A_195 = arith.constant 0 : i32
        %gt3A_196 = arith.cmpi sgt, %add3A_73, %gt3A_195 : i32
        %gt3A_197 = arith.constant 1 : i32
        %gt3A_198 = arith.cmpi sgt, %add3A_185, %gt3A_197 : i32
        %or3A_199 = arith.ori %gt3A_196, %gt3A_198 : i1
        %convert_element_type3A_200 = arith.extui %or3A_199 : i1 to i32
        %cond3A_201 = arith.constant 0 : i32
        %cond3A_202 = arith.cmpi ne, %convert_element_type3A_200, %cond3A_201 : i32
        scf.if %cond3A_202 {
          %dma_wait3A_260 = arith.constant 1 : i32
          %dma_wait3A_261 = arith.constant 0 : i32
          %dma_wait3A_262 = tpu.memref_slice %arg8[%dma_wait3A_260, %add3A_185, %dma_wait3A_261] : memref<2x40x64xi32, #tpu.memory_space<vmem>> -> memref<1x1x64xi32, #tpu.memory_space<vmem>>
          %dma_wait3A_263 = tpu.memref_squeeze %dma_wait3A_262 : memref<1x1x64xi32, #tpu.memory_space<vmem>> -> memref<64xi32, #tpu.memory_space<vmem>>
          %dma_wait3A_264 = arith.constant 0 : i32
          %dma_wait3A_265 = arith.constant 0 : i32
          %dma_wait3A_266 = tpu.memref_slice %arg16[%dma_wait3A_264, %dma_wait3A_265] : memref<10240x128xf32, #tpu.memory_space<vmem_shared>> -> memref<10240x128xf32, #tpu.memory_space<vmem_shared>>
          tpu.wait_indirect_dma semaphore(%arg21 : memref<!tpu.dma_semaphore, #tpu.memory_space<semaphore_mem>>) src(%arg14 : memref<64x128xf32, #tpu.memory_space<vmem>>) dst(%dma_wait3A_266 : memref<10240x128xf32, #tpu.memory_space<vmem_shared>>)
        } else {
        }
        %mul3A_203 = arith.constant 64 : i32
        %mul3A_204 = arith.muli %add3A_185, %mul3A_203 : i32
        %dma_wait3A_205 = tpu.memref_slice %arg7[%mul3A_204] : memref<2560xi32, #tpu.memory_space<vmem>> -> memref<64xi32, #tpu.memory_space<vmem>>
        %dma_wait3A_206 = arith.constant 0 : i32
        %dma_wait3A_207 = arith.constant 0 : i32
        %dma_wait3A_208 = tpu.memref_slice %arg5[%dma_wait3A_206, %dma_wait3A_207] : memref<10000x64xi32, #tpu.memory_space<hbm>> -> memref<10000x64xi32, #tpu.memory_space<hbm>>
        tpu.wait_indirect_dma semaphore(%arg19 : memref<!tpu.dma_semaphore, #tpu.memory_space<semaphore_mem>>) src(%dma_wait3A_208 : memref<10000x64xi32, #tpu.memory_space<hbm>>) dst(%arg12 : memref<64x64xi32, #tpu.memory_space<vmem>>)
        %scan3A_209 = arith.constant 0 : i32
        %scan3A_210 = arith.constant 64 : i32
        %scan3A_211 = arith.addi %scan3A_209, %scan3A_210 : i32
        %scan3A_212 = arith.constant 1 : i32
        scf.for %scan3A_260 = %scan3A_209 to %scan3A_211 step %scan3A_212  : i32 {
          %mul3A_261 = arith.constant 1 : i32
          %mul3A_262 = arith.muli %scan3A_260, %mul3A_261 : i32
          %add3A_263 = arith.constant 0 : i32
          %add3A_264 = arith.addi %add3A_263, %mul3A_262 : i32
          %mul3A_265 = arith.constant 64 : i32
          %mul3A_266 = arith.muli %add3A_185, %mul3A_265 : i32
          %add3A_267 = arith.addi %mul3A_266, %add3A_264 : i32
          %broadcast_in_dim3A = vector.broadcast %add3A_267 : i32 to vector<16xi32>
          %gather3A = tpu.vector_load_idx %arg9[%broadcast_in_dim3A] : memref<2560xf32, #tpu.memory_space<vmem>>[vector<16xi32>], vector<16xf32>,
          %get3A = arith.index_cast %add3A_264 : i32 to index
          %get3A_268 = arith.constant 0 : index
          %get3A_269 = tpu.vector_load %arg12[%get3A, %get3A_268] {strides = array<i32>} : memref<64x64xi32, #tpu.memory_space<vmem>>, vector<16xi32>,
          %bitcast3A = vector.bitcast %get3A_269 : vector<16xi32> to vector<16xi32>
          %shift_left3A = arith.constant 16 : i32
          %shift_left3A_270 = vector.broadcast %shift_left3A : i32 to vector<16xi32>
          %shift_left3A_271 = arith.shli %bitcast3A, %shift_left3A_270 : vector<16xi32>
          %bitcast3A_272 = vector.bitcast %shift_left3A_271 : vector<16xi32> to vector<16xf32>
          %and3A = arith.constant -65536 : i32
          %and3A_273 = vector.broadcast %and3A : i32 to vector<16xi32>
          %and3A_274 = arith.andi %bitcast3A, %and3A_273 : vector<16xi32>
          %bitcast3A_275 = vector.bitcast %and3A_274 : vector<16xi32> to vector<16xf32>
          %mul3A_276 = arith.mulf %bitcast3A_272, %gather3A : vector<16xf32>
          %swap3A = arith.index_cast %add3A_264 : i32 to index
          %swap3A_277 = arith.constant 0 : index
          %swap3A_278 = tpu.vector_load %arg14[%swap3A, %swap3A_277] {strides = array<i32>} : memref<64x128xf32, #tpu.memory_space<vmem>>, vector<16xf32>,
          tpu.vector_store %arg14[%swap3A, %swap3A_277], %mul3A_276 {strides = array<i32>} : memref<64x128xf32, #tpu.memory_space<vmem>>, vector<16xf32>,
          %mul3A_279 = arith.mulf %bitcast3A_275, %gather3A : vector<16xf32>
          %swap3A_280 = arith.index_cast %add3A_264 : i32 to index
          %swap3A_281 = arith.constant 16 : index
          %swap3A_282 = tpu.vector_load %arg14[%swap3A_280, %swap3A_281] {strides = array<i32>} : memref<64x128xf32, #tpu.memory_space<vmem>>, vector<16xf32>,
          tpu.vector_store %arg14[%swap3A_280, %swap3A_281], %mul3A_279 {strides = array<i32>} : memref<64x128xf32, #tpu.memory_space<vmem>>, vector<16xf32>,
          %get3A_283 = arith.index_cast %add3A_264 : i32 to index
          %get3A_284 = arith.constant 16 : index
          %get3A_285 = tpu.vector_load %arg12[%get3A_283, %get3A_284] {strides = array<i32>} : memref<64x64xi32, #tpu.memory_space<vmem>>, vector<16xi32>,
          %bitcast3A_286 = vector.bitcast %get3A_285 : vector<16xi32> to vector<16xi32>
          %shift_left3A_287 = arith.constant 16 : i32
          %shift_left3A_288 = vector.broadcast %shift_left3A_287 : i32 to vector<16xi32>
          %shift_left3A_289 = arith.shli %bitcast3A_286, %shift_left3A_288 : vector<16xi32>
          %bitcast3A_290 = vector.bitcast %shift_left3A_289 : vector<16xi32> to vector<16xf32>
          %and3A_291 = arith.constant -65536 : i32
          %and3A_292 = vector.broadcast %and3A_291 : i32 to vector<16xi32>
          %and3A_293 = arith.andi %bitcast3A_286, %and3A_292 : vector<16xi32>
          %bitcast3A_294 = vector.bitcast %and3A_293 : vector<16xi32> to vector<16xf32>
          %mul3A_295 = arith.mulf %bitcast3A_290, %gather3A : vector<16xf32>
          %swap3A_296 = arith.index_cast %add3A_264 : i32 to index
          %swap3A_297 = arith.constant 32 : index
          %swap3A_298 = tpu.vector_load %arg14[%swap3A_296, %swap3A_297] {strides = array<i32>} : memref<64x128xf32, #tpu.memory_space<vmem>>, vector<16xf32>,
          tpu.vector_store %arg14[%swap3A_296, %swap3A_297], %mul3A_295 {strides = array<i32>} : memref<64x128xf32, #tpu.memory_space<vmem>>, vector<16xf32>,
          %mul3A_299 = arith.mulf %bitcast3A_294, %gather3A : vector<16xf32>
          %swap3A_300 = arith.index_cast %add3A_264 : i32 to index
          %swap3A_301 = arith.constant 48 : index
          %swap3A_302 = tpu.vector_load %arg14[%swap3A_300, %swap3A_301] {strides = array<i32>} : memref<64x128xf32, #tpu.memory_space<vmem>>, vector<16xf32>,
          tpu.vector_store %arg14[%swap3A_300, %swap3A_301], %mul3A_299 {strides = array<i32>} : memref<64x128xf32, #tpu.memory_space<vmem>>, vector<16xf32>,
          %get3A_303 = arith.index_cast %add3A_264 : i32 to index
          %get3A_304 = arith.constant 32 : index
          %get3A_305 = tpu.vector_load %arg12[%get3A_303, %get3A_304] {strides = array<i32>} : memref<64x64xi32, #tpu.memory_space<vmem>>, vector<16xi32>,
          %bitcast3A_306 = vector.bitcast %get3A_305 : vector<16xi32> to vector<16xi32>
          %shift_left3A_307 = arith.constant 16 : i32
          %shift_left3A_308 = vector.broadcast %shift_left3A_307 : i32 to vector<16xi32>
          %shift_left3A_309 = arith.shli %bitcast3A_306, %shift_left3A_308 : vector<16xi32>
          %bitcast3A_310 = vector.bitcast %shift_left3A_309 : vector<16xi32> to vector<16xf32>
          %and3A_311 = arith.constant -65536 : i32
          %and3A_312 = vector.broadcast %and3A_311 : i32 to vector<16xi32>
          %and3A_313 = arith.andi %bitcast3A_306, %and3A_312 : vector<16xi32>
          %bitcast3A_314 = vector.bitcast %and3A_313 : vector<16xi32> to vector<16xf32>
          %mul3A_315 = arith.mulf %bitcast3A_310, %gather3A : vector<16xf32>
          %swap3A_316 = arith.index_cast %add3A_264 : i32 to index
          %swap3A_317 = arith.constant 64 : index
          %swap3A_318 = tpu.vector_load %arg14[%swap3A_316, %swap3A_317] {strides = array<i32>} : memref<64x128xf32, #tpu.memory_space<vmem>>, vector<16xf32>,
          tpu.vector_store %arg14[%swap3A_316, %swap3A_317], %mul3A_315 {strides = array<i32>} : memref<64x128xf32, #tpu.memory_space<vmem>>, vector<16xf32>,
          %mul3A_319 = arith.mulf %bitcast3A_314, %gather3A : vector<16xf32>
          %swap3A_320 = arith.index_cast %add3A_264 : i32 to index
          %swap3A_321 = arith.constant 80 : index
          %swap3A_322 = tpu.vector_load %arg14[%swap3A_320, %swap3A_321] {strides = array<i32>} : memref<64x128xf32, #tpu.memory_space<vmem>>, vector<16xf32>,
          tpu.vector_store %arg14[%swap3A_320, %swap3A_321], %mul3A_319 {strides = array<i32>} : memref<64x128xf32, #tpu.memory_space<vmem>>, vector<16xf32>,
          %get3A_323 = arith.index_cast %add3A_264 : i32 to index
          %get3A_324 = arith.constant 48 : index
          %get3A_325 = tpu.vector_load %arg12[%get3A_323, %get3A_324] {strides = array<i32>} : memref<64x64xi32, #tpu.memory_space<vmem>>, vector<16xi32>,
          %bitcast3A_326 = vector.bitcast %get3A_325 : vector<16xi32> to vector<16xi32>
          %shift_left3A_327 = arith.constant 16 : i32
          %shift_left3A_328 = vector.broadcast %shift_left3A_327 : i32 to vector<16xi32>
          %shift_left3A_329 = arith.shli %bitcast3A_326, %shift_left3A_328 : vector<16xi32>
          %bitcast3A_330 = vector.bitcast %shift_left3A_329 : vector<16xi32> to vector<16xf32>
          %and3A_331 = arith.constant -65536 : i32
          %and3A_332 = vector.broadcast %and3A_331 : i32 to vector<16xi32>
          %and3A_333 = arith.andi %bitcast3A_326, %and3A_332 : vector<16xi32>
          %bitcast3A_334 = vector.bitcast %and3A_333 : vector<16xi32> to vector<16xf32>
          %mul3A_335 = arith.mulf %bitcast3A_330, %gather3A : vector<16xf32>
          %swap3A_336 = arith.index_cast %add3A_264 : i32 to index
          %swap3A_337 = arith.constant 96 : index
          %swap3A_338 = tpu.vector_load %arg14[%swap3A_336, %swap3A_337] {strides = array<i32>} : memref<64x128xf32, #tpu.memory_space<vmem>>, vector<16xf32>,
          tpu.vector_store %arg14[%swap3A_336, %swap3A_337], %mul3A_335 {strides = array<i32>} : memref<64x128xf32, #tpu.memory_space<vmem>>, vector<16xf32>,
          %mul3A_339 = arith.mulf %bitcast3A_334, %gather3A : vector<16xf32>
          %swap3A_340 = arith.index_cast %add3A_264 : i32 to index
          %swap3A_341 = arith.constant 112 : index
          %swap3A_342 = tpu.vector_load %arg14[%swap3A_340, %swap3A_341] {strides = array<i32>} : memref<64x128xf32, #tpu.memory_space<vmem>>, vector<16xf32>,
          tpu.vector_store %arg14[%swap3A_340, %swap3A_341], %mul3A_339 {strides = array<i32>} : memref<64x128xf32, #tpu.memory_space<vmem>>, vector<16xf32>,
        }
        %scan3A_213 = arith.constant 64 : i32
        %dma_start3A_214 = arith.constant 1 : i32
        %dma_start3A_215 = arith.constant 0 : i32
        %dma_start3A_216 = tpu.memref_slice %arg8[%dma_start3A_214, %add3A_185, %dma_start3A_215] : memref<2x40x64xi32, #tpu.memory_space<vmem>> -> memref<1x1x64xi32, #tpu.memory_space<vmem>>
        %dma_start3A_217 = tpu.memref_squeeze %dma_start3A_216 : memref<1x1x64xi32, #tpu.memory_space<vmem>> -> memref<64xi32, #tpu.memory_space<vmem>>
        %dma_start3A_218 = arith.constant 0 : i32
        %dma_start3A_219 = arith.constant 0 : i32
        %dma_start3A_220 = tpu.memref_slice %arg16[%dma_start3A_218, %dma_start3A_219] : memref<10240x128xf32, #tpu.memory_space<vmem_shared>> -> memref<10240x128xf32, #tpu.memory_space<vmem_shared>>
        tpu.enqueue_indirect_dma source(%arg14 : memref<64x128xf32, #tpu.memory_space<vmem>>) target(%dma_start3A_220 : memref<10240x128xf32, #tpu.memory_space<vmem_shared>>) offsets(%dma_start3A_217 : memref<64xi32, #tpu.memory_space<vmem>>) semaphore(%arg21 : memref<!tpu.dma_semaphore, #tpu.memory_space<semaphore_mem>>) {add = true}
        %mul3A_221 = arith.constant 4 : i32
        %mul3A_222 = arith.muli %add3A_109, %mul3A_221 : i32
        %add3A_223 = arith.constant 3 : i32
        %add3A_224 = arith.addi %mul3A_222, %add3A_223 : i32
        %add3A_225 = arith.constant 4 : i32
        %add3A_226 = arith.addi %add3A_224, %add3A_225 : i32
        %sub3A_227 = arith.constant 1 : i32
        %sub3A_228 = arith.subi %add3A_226, %sub3A_227 : i32
        %lt3A_229 = arith.constant 40 : i32
        %lt3A_230 = arith.cmpi slt, %sub3A_228, %lt3A_229 : i32
        %convert_element_type3A_231 = arith.extui %lt3A_230 : i1 to i32
        %cond3A_232 = arith.constant 0 : i32
        %cond3A_233 = arith.cmpi ne, %convert_element_type3A_231, %cond3A_232 : i32
        scf.if %cond3A_233 {
          %add3A_260 = arith.constant 4 : i32
          %add3A_261 = arith.addi %add3A_224, %add3A_260 : i32
          %sub3A_262 = arith.constant 1 : i32
          %sub3A_263 = arith.subi %add3A_261, %sub3A_262 : i32
          %mul3A_264 = arith.constant 64 : i32
          %mul3A_265 = arith.muli %sub3A_263, %mul3A_264 : i32
          %dma_start3A_266 = tpu.memref_slice %arg7[%mul3A_265] : memref<2560xi32, #tpu.memory_space<vmem>> -> memref<64xi32, #tpu.memory_space<vmem>>
          %dma_start3A_267 = arith.constant 0 : i32
          %dma_start3A_268 = arith.constant 0 : i32
          %dma_start3A_269 = tpu.memref_slice %arg5[%dma_start3A_267, %dma_start3A_268] : memref<10000x64xi32, #tpu.memory_space<hbm>> -> memref<10000x64xi32, #tpu.memory_space<hbm>>
          tpu.enqueue_indirect_dma source(%dma_start3A_269 : memref<10000x64xi32, #tpu.memory_space<hbm>>) target(%arg12 : memref<64x64xi32, #tpu.memory_space<vmem>>) offsets(%dma_start3A_266 : memref<64xi32, #tpu.memory_space<vmem>>) semaphore(%arg19 : memref<!tpu.dma_semaphore, #tpu.memory_space<semaphore_mem>>)
        } else {
        }
        %gt3A_234 = arith.constant 0 : i32
        %gt3A_235 = arith.cmpi sgt, %add3A_73, %gt3A_234 : i32
        %gt3A_236 = arith.constant 1 : i32
        %gt3A_237 = arith.cmpi sgt, %add3A_224, %gt3A_236 : i32
        %or3A_238 = arith.ori %gt3A_235, %gt3A_237 : i1
        %convert_element_type3A_239 = arith.extui %or3A_238 : i1 to i32
        %cond3A_240 = arith.constant 0 : i32
        %cond3A_241 = arith.cmpi ne, %convert_element_type3A_239, %cond3A_240 : i32
        scf.if %cond3A_241 {
          %dma_wait3A_260 = arith.constant 1 : i32
          %dma_wait3A_261 = arith.constant 0 : i32
          %dma_wait3A_262 = tpu.memref_slice %arg8[%dma_wait3A_260, %add3A_224, %dma_wait3A_261] : memref<2x40x64xi32, #tpu.memory_space<vmem>> -> memref<1x1x64xi32, #tpu.memory_space<vmem>>
          %dma_wait3A_263 = tpu.memref_squeeze %dma_wait3A_262 : memref<1x1x64xi32, #tpu.memory_space<vmem>> -> memref<64xi32, #tpu.memory_space<vmem>>
          %dma_wait3A_264 = arith.constant 0 : i32
          %dma_wait3A_265 = arith.constant 0 : i32
          %dma_wait3A_266 = tpu.memref_slice %arg16[%dma_wait3A_264, %dma_wait3A_265] : memref<10240x128xf32, #tpu.memory_space<vmem_shared>> -> memref<10240x128xf32, #tpu.memory_space<vmem_shared>>
          tpu.wait_indirect_dma semaphore(%arg22 : memref<!tpu.dma_semaphore, #tpu.memory_space<semaphore_mem>>) src(%arg15 : memref<64x128xf32, #tpu.memory_space<vmem>>) dst(%dma_wait3A_266 : memref<10240x128xf32, #tpu.memory_space<vmem_shared>>)
        } else {
        }
        %mul3A_242 = arith.constant 64 : i32
        %mul3A_243 = arith.muli %add3A_224, %mul3A_242 : i32
        %dma_wait3A_244 = tpu.memref_slice %arg7[%mul3A_243] : memref<2560xi32, #tpu.memory_space<vmem>> -> memref<64xi32, #tpu.memory_space<vmem>>
        %dma_wait3A_245 = arith.constant 0 : i32
        %dma_wait3A_246 = arith.constant 0 : i32
        %dma_wait3A_247 = tpu.memref_slice %arg5[%dma_wait3A_245, %dma_wait3A_246] : memref<10000x64xi32, #tpu.memory_space<hbm>> -> memref<10000x64xi32, #tpu.memory_space<hbm>>
        tpu.wait_indirect_dma semaphore(%arg20 : memref<!tpu.dma_semaphore, #tpu.memory_space<semaphore_mem>>) src(%dma_wait3A_247 : memref<10000x64xi32, #tpu.memory_space<hbm>>) dst(%arg13 : memref<64x64xi32, #tpu.memory_space<vmem>>)
        %scan3A_248 = arith.constant 0 : i32
        %scan3A_249 = arith.constant 64 : i32
        %scan3A_250 = arith.addi %scan3A_248, %scan3A_249 : i32
        %scan3A_251 = arith.constant 1 : i32
        scf.for %scan3A_260 = %scan3A_248 to %scan3A_250 step %scan3A_251  : i32 {
          %mul3A_261 = arith.constant 1 : i32
          %mul3A_262 = arith.muli %scan3A_260, %mul3A_261 : i32
          %add3A_263 = arith.constant 0 : i32
          %add3A_264 = arith.addi %add3A_263, %mul3A_262 : i32
          %mul3A_265 = arith.constant 64 : i32
          %mul3A_266 = arith.muli %add3A_224, %mul3A_265 : i32
          %add3A_267 = arith.addi %mul3A_266, %add3A_264 : i32
          %broadcast_in_dim3A = vector.broadcast %add3A_267 : i32 to vector<16xi32>
          %gather3A = tpu.vector_load_idx %arg9[%broadcast_in_dim3A] : memref<2560xf32, #tpu.memory_space<vmem>>[vector<16xi32>], vector<16xf32>,
          %get3A = arith.index_cast %add3A_264 : i32 to index
          %get3A_268 = arith.constant 0 : index
          %get3A_269 = tpu.vector_load %arg13[%get3A, %get3A_268] {strides = array<i32>} : memref<64x64xi32, #tpu.memory_space<vmem>>, vector<16xi32>,
          %bitcast3A = vector.bitcast %get3A_269 : vector<16xi32> to vector<16xi32>
          %shift_left3A = arith.constant 16 : i32
          %shift_left3A_270 = vector.broadcast %shift_left3A : i32 to vector<16xi32>
          %shift_left3A_271 = arith.shli %bitcast3A, %shift_left3A_270 : vector<16xi32>
          %bitcast3A_272 = vector.bitcast %shift_left3A_271 : vector<16xi32> to vector<16xf32>
          %and3A = arith.constant -65536 : i32
          %and3A_273 = vector.broadcast %and3A : i32 to vector<16xi32>
          %and3A_274 = arith.andi %bitcast3A, %and3A_273 : vector<16xi32>
          %bitcast3A_275 = vector.bitcast %and3A_274 : vector<16xi32> to vector<16xf32>
          %mul3A_276 = arith.mulf %bitcast3A_272, %gather3A : vector<16xf32>
          %swap3A = arith.index_cast %add3A_264 : i32 to index
          %swap3A_277 = arith.constant 0 : index
          %swap3A_278 = tpu.vector_load %arg15[%swap3A, %swap3A_277] {strides = array<i32>} : memref<64x128xf32, #tpu.memory_space<vmem>>, vector<16xf32>,
          tpu.vector_store %arg15[%swap3A, %swap3A_277], %mul3A_276 {strides = array<i32>} : memref<64x128xf32, #tpu.memory_space<vmem>>, vector<16xf32>,
          %mul3A_279 = arith.mulf %bitcast3A_275, %gather3A : vector<16xf32>
          %swap3A_280 = arith.index_cast %add3A_264 : i32 to index
          %swap3A_281 = arith.constant 16 : index
          %swap3A_282 = tpu.vector_load %arg15[%swap3A_280, %swap3A_281] {strides = array<i32>} : memref<64x128xf32, #tpu.memory_space<vmem>>, vector<16xf32>,
          tpu.vector_store %arg15[%swap3A_280, %swap3A_281], %mul3A_279 {strides = array<i32>} : memref<64x128xf32, #tpu.memory_space<vmem>>, vector<16xf32>,
          %get3A_283 = arith.index_cast %add3A_264 : i32 to index
          %get3A_284 = arith.constant 16 : index
          %get3A_285 = tpu.vector_load %arg13[%get3A_283, %get3A_284] {strides = array<i32>} : memref<64x64xi32, #tpu.memory_space<vmem>>, vector<16xi32>,
          %bitcast3A_286 = vector.bitcast %get3A_285 : vector<16xi32> to vector<16xi32>
          %shift_left3A_287 = arith.constant 16 : i32
          %shift_left3A_288 = vector.broadcast %shift_left3A_287 : i32 to vector<16xi32>
          %shift_left3A_289 = arith.shli %bitcast3A_286, %shift_left3A_288 : vector<16xi32>
          %bitcast3A_290 = vector.bitcast %shift_left3A_289 : vector<16xi32> to vector<16xf32>
          %and3A_291 = arith.constant -65536 : i32
          %and3A_292 = vector.broadcast %and3A_291 : i32 to vector<16xi32>
          %and3A_293 = arith.andi %bitcast3A_286, %and3A_292 : vector<16xi32>
          %bitcast3A_294 = vector.bitcast %and3A_293 : vector<16xi32> to vector<16xf32>
          %mul3A_295 = arith.mulf %bitcast3A_290, %gather3A : vector<16xf32>
          %swap3A_296 = arith.index_cast %add3A_264 : i32 to index
          %swap3A_297 = arith.constant 32 : index
          %swap3A_298 = tpu.vector_load %arg15[%swap3A_296, %swap3A_297] {strides = array<i32>} : memref<64x128xf32, #tpu.memory_space<vmem>>, vector<16xf32>,
          tpu.vector_store %arg15[%swap3A_296, %swap3A_297], %mul3A_295 {strides = array<i32>} : memref<64x128xf32, #tpu.memory_space<vmem>>, vector<16xf32>,
          %mul3A_299 = arith.mulf %bitcast3A_294, %gather3A : vector<16xf32>
          %swap3A_300 = arith.index_cast %add3A_264 : i32 to index
          %swap3A_301 = arith.constant 48 : index
          %swap3A_302 = tpu.vector_load %arg15[%swap3A_300, %swap3A_301] {strides = array<i32>} : memref<64x128xf32, #tpu.memory_space<vmem>>, vector<16xf32>,
          tpu.vector_store %arg15[%swap3A_300, %swap3A_301], %mul3A_299 {strides = array<i32>} : memref<64x128xf32, #tpu.memory_space<vmem>>, vector<16xf32>,
          %get3A_303 = arith.index_cast %add3A_264 : i32 to index
          %get3A_304 = arith.constant 32 : index
          %get3A_305 = tpu.vector_load %arg13[%get3A_303, %get3A_304] {strides = array<i32>} : memref<64x64xi32, #tpu.memory_space<vmem>>, vector<16xi32>,
          %bitcast3A_306 = vector.bitcast %get3A_305 : vector<16xi32> to vector<16xi32>
          %shift_left3A_307 = arith.constant 16 : i32
          %shift_left3A_308 = vector.broadcast %shift_left3A_307 : i32 to vector<16xi32>
          %shift_left3A_309 = arith.shli %bitcast3A_306, %shift_left3A_308 : vector<16xi32>
          %bitcast3A_310 = vector.bitcast %shift_left3A_309 : vector<16xi32> to vector<16xf32>
          %and3A_311 = arith.constant -65536 : i32
          %and3A_312 = vector.broadcast %and3A_311 : i32 to vector<16xi32>
          %and3A_313 = arith.andi %bitcast3A_306, %and3A_312 : vector<16xi32>
          %bitcast3A_314 = vector.bitcast %and3A_313 : vector<16xi32> to vector<16xf32>
          %mul3A_315 = arith.mulf %bitcast3A_310, %gather3A : vector<16xf32>
          %swap3A_316 = arith.index_cast %add3A_264 : i32 to index
          %swap3A_317 = arith.constant 64 : index
          %swap3A_318 = tpu.vector_load %arg15[%swap3A_316, %swap3A_317] {strides = array<i32>} : memref<64x128xf32, #tpu.memory_space<vmem>>, vector<16xf32>,
          tpu.vector_store %arg15[%swap3A_316, %swap3A_317], %mul3A_315 {strides = array<i32>} : memref<64x128xf32, #tpu.memory_space<vmem>>, vector<16xf32>,
          %mul3A_319 = arith.mulf %bitcast3A_314, %gather3A : vector<16xf32>
          %swap3A_320 = arith.index_cast %add3A_264 : i32 to index
          %swap3A_321 = arith.constant 80 : index
          %swap3A_322 = tpu.vector_load %arg15[%swap3A_320, %swap3A_321] {strides = array<i32>} : memref<64x128xf32, #tpu.memory_space<vmem>>, vector<16xf32>,
          tpu.vector_store %arg15[%swap3A_320, %swap3A_321], %mul3A_319 {strides = array<i32>} : memref<64x128xf32, #tpu.memory_space<vmem>>, vector<16xf32>,
          %get3A_323 = arith.index_cast %add3A_264 : i32 to index
          %get3A_324 = arith.constant 48 : index
          %get3A_325 = tpu.vector_load %arg13[%get3A_323, %get3A_324] {strides = array<i32>} : memref<64x64xi32, #tpu.memory_space<vmem>>, vector<16xi32>,
          %bitcast3A_326 = vector.bitcast %get3A_325 : vector<16xi32> to vector<16xi32>
          %shift_left3A_327 = arith.constant 16 : i32
          %shift_left3A_328 = vector.broadcast %shift_left3A_327 : i32 to vector<16xi32>
          %shift_left3A_329 = arith.shli %bitcast3A_326, %shift_left3A_328 : vector<16xi32>
          %bitcast3A_330 = vector.bitcast %shift_left3A_329 : vector<16xi32> to vector<16xf32>
          %and3A_331 = arith.constant -65536 : i32
          %and3A_332 = vector.broadcast %and3A_331 : i32 to vector<16xi32>
          %and3A_333 = arith.andi %bitcast3A_326, %and3A_332 : vector<16xi32>
          %bitcast3A_334 = vector.bitcast %and3A_333 : vector<16xi32> to vector<16xf32>
          %mul3A_335 = arith.mulf %bitcast3A_330, %gather3A : vector<16xf32>
          %swap3A_336 = arith.index_cast %add3A_264 : i32 to index
          %swap3A_337 = arith.constant 96 : index
          %swap3A_338 = tpu.vector_load %arg15[%swap3A_336, %swap3A_337] {strides = array<i32>} : memref<64x128xf32, #tpu.memory_space<vmem>>, vector<16xf32>,
          tpu.vector_store %arg15[%swap3A_336, %swap3A_337], %mul3A_335 {strides = array<i32>} : memref<64x128xf32, #tpu.memory_space<vmem>>, vector<16xf32>,
          %mul3A_339 = arith.mulf %bitcast3A_334, %gather3A : vector<16xf32>
          %swap3A_340 = arith.index_cast %add3A_264 : i32 to index
          %swap3A_341 = arith.constant 112 : index
          %swap3A_342 = tpu.vector_load %arg15[%swap3A_340, %swap3A_341] {strides = array<i32>} : memref<64x128xf32, #tpu.memory_space<vmem>>, vector<16xf32>,
          tpu.vector_store %arg15[%swap3A_340, %swap3A_341], %mul3A_339 {strides = array<i32>} : memref<64x128xf32, #tpu.memory_space<vmem>>, vector<16xf32>,
        }
        %scan3A_252 = arith.constant 64 : i32
        %dma_start3A_253 = arith.constant 1 : i32
        %dma_start3A_254 = arith.constant 0 : i32
        %dma_start3A_255 = tpu.memref_slice %arg8[%dma_start3A_253, %add3A_224, %dma_start3A_254] : memref<2x40x64xi32, #tpu.memory_space<vmem>> -> memref<1x1x64xi32, #tpu.memory_space<vmem>>
        %dma_start3A_256 = tpu.memref_squeeze %dma_start3A_255 : memref<1x1x64xi32, #tpu.memory_space<vmem>> -> memref<64xi32, #tpu.memory_space<vmem>>
        %dma_start3A_257 = arith.constant 0 : i32
        %dma_start3A_258 = arith.constant 0 : i32
        %dma_start3A_259 = tpu.memref_slice %arg16[%dma_start3A_257, %dma_start3A_258] : memref<10240x128xf32, #tpu.memory_space<vmem_shared>> -> memref<10240x128xf32, #tpu.memory_space<vmem_shared>>
        tpu.enqueue_indirect_dma source(%arg15 : memref<64x128xf32, #tpu.memory_space<vmem>>) target(%dma_start3A_259 : memref<10240x128xf32, #tpu.memory_space<vmem_shared>>) offsets(%dma_start3A_256 : memref<64xi32, #tpu.memory_space<vmem>>) semaphore(%arg22 : memref<!tpu.dma_semaphore, #tpu.memory_space<semaphore_mem>>) {add = true}
      }
      %scan3A_104 = arith.constant 10 : i32
    }
    %scan3A_13 = arith.constant 4 : i32
    %dma_wait3A = arith.constant 1 : i32
    %dma_wait3A_14 = arith.constant 0 : i32
    %dma_wait3A_15 = arith.constant 0 : i32
    %dma_wait3A_16 = tpu.memref_slice %arg8[%dma_wait3A, %dma_wait3A_14, %dma_wait3A_15] : memref<2x40x64xi32, #tpu.memory_space<vmem>> -> memref<1x1x64xi32, #tpu.memory_space<vmem>>
    %dma_wait3A_17 = tpu.memref_squeeze %dma_wait3A_16 : memref<1x1x64xi32, #tpu.memory_space<vmem>> -> memref<64xi32, #tpu.memory_space<vmem>>
    %dma_wait3A_18 = arith.constant 0 : i32
    %dma_wait3A_19 = arith.constant 0 : i32
    %dma_wait3A_20 = tpu.memref_slice %arg16[%dma_wait3A_18, %dma_wait3A_19] : memref<10240x128xf32, #tpu.memory_space<vmem_shared>> -> memref<10240x128xf32, #tpu.memory_space<vmem_shared>>
    tpu.wait_indirect_dma semaphore(%arg21 : memref<!tpu.dma_semaphore, #tpu.memory_space<semaphore_mem>>) src(%arg14 : memref<64x128xf32, #tpu.memory_space<vmem>>) dst(%dma_wait3A_20 : memref<10240x128xf32, #tpu.memory_space<vmem_shared>>)
    %dma_wait3A_21 = arith.constant 1 : i32
    %dma_wait3A_22 = arith.constant 0 : i32
    %dma_wait3A_23 = arith.constant 0 : i32
    %dma_wait3A_24 = tpu.memref_slice %arg8[%dma_wait3A_21, %dma_wait3A_22, %dma_wait3A_23] : memref<2x40x64xi32, #tpu.memory_space<vmem>> -> memref<1x1x64xi32, #tpu.memory_space<vmem>>
    %dma_wait3A_25 = tpu.memref_squeeze %dma_wait3A_24 : memref<1x1x64xi32, #tpu.memory_space<vmem>> -> memref<64xi32, #tpu.memory_space<vmem>>
    %dma_wait3A_26 = arith.constant 0 : i32
    %dma_wait3A_27 = arith.constant 0 : i32
    %dma_wait3A_28 = tpu.memref_slice %arg16[%dma_wait3A_26, %dma_wait3A_27] : memref<10240x128xf32, #tpu.memory_space<vmem_shared>> -> memref<10240x128xf32, #tpu.memory_space<vmem_shared>>
    tpu.wait_indirect_dma semaphore(%arg22 : memref<!tpu.dma_semaphore, #tpu.memory_space<semaphore_mem>>) src(%arg15 : memref<64x128xf32, #tpu.memory_space<vmem>>) dst(%dma_wait3A_28 : memref<10240x128xf32, #tpu.memory_space<vmem_shared>>)
    %barrier3A_29 = arith.constant 0 : index
    tpu.barrier barrier_id(%barrier3A_29)
    %mul3A = arith.constant 640 : i32
    %mul3A_30 = arith.muli %arg1, %mul3A : i32
    %mul3A_31 = arith.constant 640 : i32
    %mul3A_32 = arith.muli %arg1, %mul3A_31 : i32
    "tpu.region"() ({
      %run_scoped3A = tpu.sem_alloc : memref<!tpu.dma_semaphore, #tpu.memory_space<semaphore_mem>>
      %dma_start3A = arith.constant 0 : i32
      %dma_start3A_33 = tpu.memref_slice %arg6[%arg0, %mul3A_32, %dma_start3A] : memref<2x10240x128xf32, #tpu.memory_space<hbm>> -> memref<1x640x128xf32, #tpu.memory_space<hbm>>
      %dma_start3A_34 = tpu.memref_squeeze %dma_start3A_33 : memref<1x640x128xf32, #tpu.memory_space<hbm>> -> memref<640x128xf32, #tpu.memory_space<hbm>>
      %dma_start3A_35 = arith.constant 0 : i32
      %dma_start3A_36 = tpu.memref_slice %arg16[%mul3A_30, %dma_start3A_35] : memref<10240x128xf32, #tpu.memory_space<vmem_shared>> -> memref<640x128xf32, #tpu.memory_space<vmem_shared>>
      tpu.enqueue_dma source(%dma_start3A_36 : memref<640x128xf32, #tpu.memory_space<vmem_shared>>) target(%dma_start3A_34 : memref<640x128xf32, #tpu.memory_space<hbm>>) target_semaphore(%run_scoped3A : memref<!tpu.dma_semaphore, #tpu.memory_space<semaphore_mem>>)
      %dma_wait3A_37 = arith.constant 0 : i32
      %dma_wait3A_38 = tpu.memref_slice %arg6[%arg0, %mul3A_32, %dma_wait3A_37] : memref<2x10240x128xf32, #tpu.memory_space<hbm>> -> memref<1x640x128xf32, #tpu.memory_space<hbm>>
      %dma_wait3A_39 = tpu.memref_squeeze %dma_wait3A_38 : memref<1x640x128xf32, #tpu.memory_space<hbm>> -> memref<640x128xf32, #tpu.memory_space<hbm>>
      %dma_wait3A_40 = arith.constant 0 : i32
      %dma_wait3A_41 = tpu.memref_slice %arg16[%mul3A_30, %dma_wait3A_40] : memref<10240x128xf32, #tpu.memory_space<vmem_shared>> -> memref<640x128xf32, #tpu.memory_space<vmem_shared>>
      tpu.wait_dma2 semaphore(%run_scoped3A : memref<!tpu.dma_semaphore, #tpu.memory_space<semaphore_mem>>) src(%dma_wait3A_41 : memref<640x128xf32, #tpu.memory_space<vmem_shared>>) dst(%dma_wait3A_39 : memref<640x128xf32, #tpu.memory_space<hbm>>)
      tpu.yield
    }) : () -> ()
    return
  }
}

module attributes {stable_mosaic.version = 14 : i64} {
  func.func @_mid_body(%arg0: memref<2x10240xf32, #tpu.memory_space<vmem>>, %arg1: memref<128x128xf32, #tpu.memory_space<vmem>>, %arg2: memref<512x128xf32, #tpu.memory_space<vmem>>, %arg3: memref<512xf32, #tpu.memory_space<vmem>>, %arg4: memref<512xf32, #tpu.memory_space<vmem>>, %arg5: memref<512x128xf32, #tpu.memory_space<vmem>>, %arg6: memref<512xf32, #tpu.memory_space<vmem>>, %arg7: memref<512xf32, #tpu.memory_space<vmem>>, %arg8: memref<128x128xf32, #tpu.memory_space<vmem>>, %arg9: memref<128x128xf32, #tpu.memory_space<vmem>>, %arg10: memref<10240xf32, #tpu.memory_space<vmem>>, %arg11: memref<10240xf32, #tpu.memory_space<vmem>>, %arg12: memref<10240xf32, #tpu.memory_space<vmem>>, %arg13: memref<128x128xf32, #tpu.memory_space<vmem>>, %arg14: memref<128x128xf32, #tpu.memory_space<vmem>>) attributes {dimension_semantics = [], scalar_prefetch = 0 : i64, scratch_operands = 0 : i64, tpu.core_type = #tpu.core_type<tc>} {
    %get3A = arith.constant 0 : index
    %get3A_0 = arith.constant 0 : index
    %get3A_1 = vector.load %arg0[%get3A, %get3A_0] : memref<2x10240xf32, #tpu.memory_space<vmem>>, vector<1x10240xf32>
    %get3A_2 = vector.shape_cast %get3A_1 : vector<1x10240xf32> to vector<10240xf32>
    %get3A_3 = arith.constant 1 : index
    %get3A_4 = arith.constant 0 : index
    %get3A_5 = vector.load %arg0[%get3A_3, %get3A_4] : memref<2x10240xf32, #tpu.memory_space<vmem>>, vector<1x10240xf32>
    %get3A_6 = vector.shape_cast %get3A_5 : vector<1x10240xf32> to vector<10240xf32>
    %add3A = arith.addf %get3A_2, %get3A_6 : vector<10240xf32>
    %add3A_7 = arith.constant 1.000000e+00 : f32
    %add3A_8 = vector.broadcast %add3A_7 : f32 to vector<10240xf32>
    %add3A_9 = arith.addf %add3A, %add3A_8 : vector<10240xf32>
    %gt3A = arith.constant 0.000000e+00 : f32
    %gt3A_10 = vector.broadcast %gt3A : f32 to vector<10240xf32>
    %gt3A_11 = arith.cmpf ogt, %add3A_9, %gt3A_10 : vector<10240xf32>
    %rsqrt3A = math.rsqrt %add3A_9 : vector<10240xf32>
    %jit3A = arith.constant 0.000000e+00 : f32
    %broadcast_in_dim3A = vector.broadcast %jit3A : f32 to vector<10240xf32>
    %select_n3A = arith.select %gt3A_11, %rsqrt3A, %broadcast_in_dim3A : vector<10240xi1>, vector<10240xf32>
    %swap3A = arith.constant 0 : index
    %swap3A_12 = vector.load %arg10[%swap3A] : memref<10240xf32, #tpu.memory_space<vmem>>, vector<10240xf32>
    tpu.vector_store %arg10[%swap3A], %select_n3A {strides = array<i32>} : memref<10240xf32, #tpu.memory_space<vmem>>, vector<10240xf32>,
    %mul3A = arith.mulf %select_n3A, %select_n3A : vector<10240xf32>
    %swap3A_13 = arith.constant 0 : index
    %swap3A_14 = vector.load %arg11[%swap3A_13] : memref<10240xf32, #tpu.memory_space<vmem>>, vector<10240xf32>
    tpu.vector_store %arg11[%swap3A_13], %mul3A {strides = array<i32>} : memref<10240xf32, #tpu.memory_space<vmem>>, vector<10240xf32>,
    %max3A = arith.constant 1.000000e+00 : f32
    %max3A_15 = vector.broadcast %max3A : f32 to vector<10240xf32>
    %max3A_16 = arith.maximumf %add3A_9, %max3A_15 : vector<10240xf32>
    %div3A = arith.constant 1.000000e+00 : f32
    %div3A_17 = vector.broadcast %div3A : f32 to vector<10240xf32>
    %div3A_18 = arith.divf %div3A_17, %max3A_16 : vector<10240xf32>
    %swap3A_19 = arith.constant 0 : index
    %swap3A_20 = vector.load %arg12[%swap3A_19] : memref<10240xf32, #tpu.memory_space<vmem>>, vector<10240xf32>
    tpu.vector_store %arg12[%swap3A_19], %div3A_18 {strides = array<i32>} : memref<10240xf32, #tpu.memory_space<vmem>>, vector<10240xf32>,
    %get3A_21 = arith.constant 0 : index
    %get3A_22 = arith.constant 0 : index
    %get3A_23 = vector.load %arg1[%get3A_21, %get3A_22] : memref<128x128xf32, #tpu.memory_space<vmem>>, vector<128x128xf32>
    %get3A_24 = arith.constant 0 : index
    %get3A_25 = arith.constant 0 : index
    %get3A_26 = vector.load %arg2[%get3A_24, %get3A_25] : memref<512x128xf32, #tpu.memory_space<vmem>>, vector<512x128xf32>
    %dot_general3A = arith.constant dense<0.000000e+00> : vector<128x512xf32>
    %dot_general3A_27 = tpu.matmul %get3A_23, %get3A_26, %dot_general3A {dimension_numbers = #tpu.dot_dimension_numbers<[1], [1], [0], [0], [0, 0, 1, 0], [], []>, transpose_lhs_hint = false} : vector<128x128xf32>, vector<512x128xf32>, vector<128x512xf32> -> vector<128x512xf32>
    %get3A_28 = arith.constant 0 : index
    %get3A_29 = vector.load %arg3[%get3A_28] : memref<512xf32, #tpu.memory_space<vmem>>, vector<512xf32>
    %broadcast_in_dim3A_30 = vector.shape_cast %get3A_29 : vector<512xf32> to vector<1x512xf32>
    %add3A_31 = vector.broadcast %broadcast_in_dim3A_30 : vector<1x512xf32> to vector<128x512xf32>
    %add3A_32 = arith.addf %dot_general3A_27, %add3A_31 : vector<128x512xf32>
    %get3A_33 = arith.constant 0 : index
    %get3A_34 = vector.load %arg4[%get3A_33] : memref<512xf32, #tpu.memory_space<vmem>>, vector<512xf32>
    %broadcast_in_dim3A_35 = vector.shape_cast %get3A_34 : vector<512xf32> to vector<1x512xf32>
    %add3A_36 = vector.broadcast %broadcast_in_dim3A_35 : vector<1x512xf32> to vector<128x512xf32>
    %add3A_37 = arith.addf %add3A_32, %add3A_36 : vector<128x512xf32>
    %slice3A = vector.extract_strided_slice %add3A_37 {offsets = [0, 0], sizes = [128, 128], strides = [1, 1]} : vector<128x512xf32> to vector<128x128xf32>
    %slice3A_38 = vector.extract_strided_slice %add3A_37 {offsets = [0, 256], sizes = [128, 128], strides = [1, 1]} : vector<128x512xf32> to vector<128x128xf32>
    %slice3A_39 = vector.extract_strided_slice %add3A_37 {offsets = [0, 384], sizes = [128, 128], strides = [1, 1]} : vector<128x512xf32> to vector<128x128xf32>
    %logistic3A = arith.negf %slice3A : vector<128x128xf32>
    %logistic3A_40 = math.exp %logistic3A : vector<128x128xf32>
    %logistic3A_41 = arith.constant 1.000000e+00 : f32
    %logistic3A_42 = vector.broadcast %logistic3A_41 : f32 to vector<128x128xf32>
    %logistic3A_43 = arith.addf %logistic3A_42, %logistic3A_40 : vector<128x128xf32>
    %logistic3A_44 = arith.divf %logistic3A_42, %logistic3A_43 : vector<128x128xf32>
    %tanh3A = math.tanh %slice3A_38 : vector<128x128xf32>
    %mul3A_45 = arith.mulf %logistic3A_44, %tanh3A : vector<128x128xf32>
    %logistic3A_46 = arith.negf %slice3A_39 : vector<128x128xf32>
    %logistic3A_47 = math.exp %logistic3A_46 : vector<128x128xf32>
    %logistic3A_48 = arith.constant 1.000000e+00 : f32
    %logistic3A_49 = vector.broadcast %logistic3A_48 : f32 to vector<128x128xf32>
    %logistic3A_50 = arith.addf %logistic3A_49, %logistic3A_47 : vector<128x128xf32>
    %logistic3A_51 = arith.divf %logistic3A_49, %logistic3A_50 : vector<128x128xf32>
    %tanh3A_52 = math.tanh %mul3A_45 : vector<128x128xf32>
    %mul3A_53 = arith.mulf %logistic3A_51, %tanh3A_52 : vector<128x128xf32>
    %get3A_54 = arith.constant 0 : index
    %get3A_55 = arith.constant 0 : index
    %get3A_56 = vector.load %arg5[%get3A_54, %get3A_55] : memref<512x128xf32, #tpu.memory_space<vmem>>, vector<512x128xf32>
    %dot_general3A_57 = arith.constant dense<0.000000e+00> : vector<128x512xf32>
    %dot_general3A_58 = tpu.matmul %get3A_23, %get3A_56, %dot_general3A_57 {dimension_numbers = #tpu.dot_dimension_numbers<[1], [1], [0], [0], [0, 0, 1, 0], [], []>, transpose_lhs_hint = false} : vector<128x128xf32>, vector<512x128xf32>, vector<128x512xf32> -> vector<128x512xf32>
    %get3A_59 = arith.constant 0 : index
    %get3A_60 = vector.load %arg6[%get3A_59] : memref<512xf32, #tpu.memory_space<vmem>>, vector<512xf32>
    %broadcast_in_dim3A_61 = vector.shape_cast %get3A_60 : vector<512xf32> to vector<1x512xf32>
    %add3A_62 = vector.broadcast %broadcast_in_dim3A_61 : vector<1x512xf32> to vector<128x512xf32>
    %add3A_63 = arith.addf %dot_general3A_58, %add3A_62 : vector<128x512xf32>
    %get3A_64 = arith.constant 0 : index
    %get3A_65 = vector.load %arg7[%get3A_64] : memref<512xf32, #tpu.memory_space<vmem>>, vector<512xf32>
    %broadcast_in_dim3A_66 = vector.shape_cast %get3A_65 : vector<512xf32> to vector<1x512xf32>
    %add3A_67 = vector.broadcast %broadcast_in_dim3A_66 : vector<1x512xf32> to vector<128x512xf32>
    %add3A_68 = arith.addf %add3A_63, %add3A_67 : vector<128x512xf32>
    %slice3A_69 = vector.extract_strided_slice %add3A_68 {offsets = [0, 0], sizes = [128, 128], strides = [1, 1]} : vector<128x512xf32> to vector<128x128xf32>
    %slice3A_70 = vector.extract_strided_slice %add3A_68 {offsets = [0, 256], sizes = [128, 128], strides = [1, 1]} : vector<128x512xf32> to vector<128x128xf32>
    %slice3A_71 = vector.extract_strided_slice %add3A_68 {offsets = [0, 384], sizes = [128, 128], strides = [1, 1]} : vector<128x512xf32> to vector<128x128xf32>
    %logistic3A_72 = arith.negf %slice3A_69 : vector<128x128xf32>
    %logistic3A_73 = math.exp %logistic3A_72 : vector<128x128xf32>
    %logistic3A_74 = arith.constant 1.000000e+00 : f32
    %logistic3A_75 = vector.broadcast %logistic3A_74 : f32 to vector<128x128xf32>
    %logistic3A_76 = arith.addf %logistic3A_75, %logistic3A_73 : vector<128x128xf32>
    %logistic3A_77 = arith.divf %logistic3A_75, %logistic3A_76 : vector<128x128xf32>
    %tanh3A_78 = math.tanh %slice3A_70 : vector<128x128xf32>
    %mul3A_79 = arith.mulf %logistic3A_77, %tanh3A_78 : vector<128x128xf32>
    %logistic3A_80 = arith.negf %slice3A_71 : vector<128x128xf32>
    %logistic3A_81 = math.exp %logistic3A_80 : vector<128x128xf32>
    %logistic3A_82 = arith.constant 1.000000e+00 : f32
    %logistic3A_83 = vector.broadcast %logistic3A_82 : f32 to vector<128x128xf32>
    %logistic3A_84 = arith.addf %logistic3A_83, %logistic3A_81 : vector<128x128xf32>
    %logistic3A_85 = arith.divf %logistic3A_83, %logistic3A_84 : vector<128x128xf32>
    %tanh3A_86 = math.tanh %mul3A_79 : vector<128x128xf32>
    %mul3A_87 = arith.mulf %logistic3A_85, %tanh3A_86 : vector<128x128xf32>
    %max3A_88 = arith.maximumf %mul3A_53, %mul3A_87 : vector<128x128xf32>
    %get3A_89 = arith.constant 0 : index
    %get3A_90 = arith.constant 0 : index
    %get3A_91 = vector.load %arg9[%get3A_89, %get3A_90] : memref<128x128xf32, #tpu.memory_space<vmem>>, vector<128x128xf32>
    %dot_general3A_92 = arith.constant dense<0.000000e+00> : vector<128x128xf32>
    %dot_general3A_93 = tpu.matmul %max3A_88, %get3A_91, %dot_general3A_92 {dimension_numbers = #tpu.dot_dimension_numbers<[1], [1], [0], [0], [0, 0, 1, 0], [], []>, transpose_lhs_hint = false} : vector<128x128xf32>, vector<128x128xf32>, vector<128x128xf32> -> vector<128x128xf32>
    %swap3A_94 = arith.constant 0 : index
    %swap3A_95 = arith.constant 0 : index
    %swap3A_96 = vector.load %arg13[%swap3A_94, %swap3A_95] : memref<128x128xf32, #tpu.memory_space<vmem>>, vector<128x128xf32>
    tpu.vector_store %arg13[%swap3A_94, %swap3A_95], %dot_general3A_93 {strides = array<i32>} : memref<128x128xf32, #tpu.memory_space<vmem>>, vector<128x128xf32>,
    %get3A_97 = arith.constant 0 : index
    %get3A_98 = arith.constant 0 : index
    %get3A_99 = vector.load %arg8[%get3A_97, %get3A_98] : memref<128x128xf32, #tpu.memory_space<vmem>>, vector<128x128xf32>
    %get3A_100 = arith.constant 0 : index
    %get3A_101 = arith.constant 0 : index
    %get3A_102 = vector.load %arg9[%get3A_100, %get3A_101] : memref<128x128xf32, #tpu.memory_space<vmem>>, vector<128x128xf32>
    %dot_general3A_103 = arith.constant dense<0.000000e+00> : vector<128x128xf32>
    %dot_general3A_104 = tpu.matmul %get3A_99, %get3A_102, %dot_general3A_103 {dimension_numbers = #tpu.dot_dimension_numbers<[1], [1], [0], [0], [0, 0, 1, 0], [], []>, transpose_lhs_hint = false} : vector<128x128xf32>, vector<128x128xf32>, vector<128x128xf32> -> vector<128x128xf32>
    %swap3A_105 = arith.constant 0 : index
    %swap3A_106 = arith.constant 0 : index
    %swap3A_107 = vector.load %arg14[%swap3A_105, %swap3A_106] : memref<128x128xf32, #tpu.memory_space<vmem>>, vector<128x128xf32>
    tpu.vector_store %arg14[%swap3A_105, %swap3A_106], %dot_general3A_104 {strides = array<i32>} : memref<128x128xf32, #tpu.memory_space<vmem>>, vector<128x128xf32>,
    return
  }
}

module attributes {stable_mosaic.version = 14 : i64} {
  func.func @_fuse_body(%arg0: i32, %arg1: memref<400x128xf32, #tpu.memory_space<vmem>>, %arg2: memref<400x128xf32, #tpu.memory_space<vmem>>, %arg3: memref<400x128xf32, #tpu.memory_space<vmem>>, %arg4: memref<400x128xf32, #tpu.memory_space<vmem>>, %arg5: memref<400x1xf32, #tpu.memory_space<vmem>>, %arg6: memref<400x1xf32, #tpu.memory_space<vmem>>, %arg7: memref<400x1xf32, #tpu.memory_space<vmem>>, %arg8: memref<128x128xf32, #tpu.memory_space<vmem>>, %arg9: memref<128x128xf32, #tpu.memory_space<vmem>>, %arg10: memref<128x128xf32, #tpu.memory_space<vmem>>, %arg11: memref<1x128xf32, #tpu.memory_space<vmem>>, %arg12: memref<400x128xf32, #tpu.memory_space<vmem>>) attributes {dimension_semantics = [#tpu.dimension_semantics<arbitrary>], iteration_bounds = array<i64: 25>, scalar_prefetch = 0 : i64, scratch_operands = 0 : i64, tpu.core_type = #tpu.core_type<tc>, window_params = [{transform_indices = @transform_0, window_bounds = array<i64: 400, 128>}, {transform_indices = @transform_1, window_bounds = array<i64: 400, 128>}, {transform_indices = @transform_2, window_bounds = array<i64: 400, 128>}, {transform_indices = @transform_3, window_bounds = array<i64: 400, 128>}, {transform_indices = @transform_4, window_bounds = array<i64: 400, 1>}, {transform_indices = @transform_5, window_bounds = array<i64: 400, 1>}, {transform_indices = @transform_6, window_bounds = array<i64: 400, 1>}, {pipeline_mode = #tpu.pipeline_mode<synchronous>, transform_indices = @transform_7, window_bounds = array<i64: 128, 128>}, {pipeline_mode = #tpu.pipeline_mode<synchronous>, transform_indices = @transform_8, window_bounds = array<i64: 128, 128>}, {pipeline_mode = #tpu.pipeline_mode<synchronous>, transform_indices = @transform_9, window_bounds = array<i64: 128, 128>}, {pipeline_mode = #tpu.pipeline_mode<synchronous>, transform_indices = @transform_10, window_bounds = array<i64: 1, 128>}, {transform_indices = @transform_11, window_bounds = array<i64: 400, 128>}]} {
    %get3A = arith.constant 0 : index
    %get3A_0 = arith.constant 0 : index
    %get3A_1 = vector.load %arg1[%get3A, %get3A_0] : memref<400x128xf32, #tpu.memory_space<vmem>>, vector<400x128xf32>
    %get3A_2 = arith.constant 0 : index
    %get3A_3 = arith.constant 0 : index
    %get3A_4 = vector.load %arg3[%get3A_2, %get3A_3] : memref<400x128xf32, #tpu.memory_space<vmem>>, vector<400x128xf32>
    %get3A_5 = arith.constant 0 : index
    %get3A_6 = arith.constant 0 : index
    %get3A_7 = vector.load %arg5[%get3A_5, %get3A_6] : memref<400x1xf32, #tpu.memory_space<vmem>>, vector<400x1xf32>
    %mul3A = vector.broadcast %get3A_7 : vector<400x1xf32> to vector<400x128xf32>
    %mul3A_8 = arith.mulf %get3A_4, %mul3A : vector<400x128xf32>
    %get3A_9 = arith.constant 0 : index
    %get3A_10 = arith.constant 0 : index
    %get3A_11 = vector.load %arg6[%get3A_9, %get3A_10] : memref<400x1xf32, #tpu.memory_space<vmem>>, vector<400x1xf32>
    %mul3A_12 = vector.broadcast %get3A_11 : vector<400x1xf32> to vector<400x128xf32>
    %mul3A_13 = arith.mulf %get3A_1, %mul3A_12 : vector<400x128xf32>
    %add3A = arith.addf %mul3A_8, %mul3A_13 : vector<400x128xf32>
    %get3A_14 = arith.constant 0 : index
    %get3A_15 = arith.constant 0 : index
    %get3A_16 = vector.load %arg4[%get3A_14, %get3A_15] : memref<400x128xf32, #tpu.memory_space<vmem>>, vector<400x128xf32>
    %add3A_17 = arith.addf %get3A_16, %get3A_1 : vector<400x128xf32>
    %get3A_18 = arith.constant 0 : index
    %get3A_19 = arith.constant 0 : index
    %get3A_20 = vector.load %arg7[%get3A_18, %get3A_19] : memref<400x1xf32, #tpu.memory_space<vmem>>, vector<400x1xf32>
    %mul3A_21 = vector.broadcast %get3A_20 : vector<400x1xf32> to vector<400x128xf32>
    %mul3A_22 = arith.mulf %add3A_17, %mul3A_21 : vector<400x128xf32>
    %get3A_23 = arith.constant 0 : index
    %get3A_24 = arith.constant 0 : index
    %get3A_25 = vector.load %arg2[%get3A_23, %get3A_24] : memref<400x128xf32, #tpu.memory_space<vmem>>, vector<400x128xf32>
    %get3A_26 = arith.constant 0 : index
    %get3A_27 = arith.constant 0 : index
    %get3A_28 = vector.load %arg8[%get3A_26, %get3A_27] : memref<128x128xf32, #tpu.memory_space<vmem>>, vector<128x128xf32>
    %dot_general3A = arith.constant dense<0.000000e+00> : vector<400x128xf32>
    %dot_general3A_29 = tpu.matmul %get3A_25, %get3A_28, %dot_general3A {dimension_numbers = #tpu.dot_dimension_numbers<[1], [1], [0], [0], [0, 0, 1, 0], [], []>, transpose_lhs_hint = false} : vector<400x128xf32>, vector<128x128xf32>, vector<400x128xf32> -> vector<400x128xf32>
    %get3A_30 = arith.constant 0 : index
    %get3A_31 = arith.constant 0 : index
    %get3A_32 = vector.load %arg9[%get3A_30, %get3A_31] : memref<128x128xf32, #tpu.memory_space<vmem>>, vector<128x128xf32>
    %dot_general3A_33 = arith.constant dense<0.000000e+00> : vector<400x128xf32>
    %dot_general3A_34 = tpu.matmul %add3A, %get3A_32, %dot_general3A_33 {dimension_numbers = #tpu.dot_dimension_numbers<[1], [0], [0], [1], [0, 0, 1, 1], [], []>, transpose_lhs_hint = false} : vector<400x128xf32>, vector<128x128xf32>, vector<400x128xf32> -> vector<400x128xf32>
    %add3A_35 = arith.addf %dot_general3A_29, %dot_general3A_34 : vector<400x128xf32>
    %get3A_36 = arith.constant 0 : index
    %get3A_37 = arith.constant 0 : index
    %get3A_38 = vector.load %arg10[%get3A_36, %get3A_37] : memref<128x128xf32, #tpu.memory_space<vmem>>, vector<128x128xf32>
    %dot_general3A_39 = arith.constant dense<0.000000e+00> : vector<400x128xf32>
    %dot_general3A_40 = tpu.matmul %mul3A_22, %get3A_38, %dot_general3A_39 {dimension_numbers = #tpu.dot_dimension_numbers<[1], [0], [0], [1], [0, 0, 1, 1], [], []>, transpose_lhs_hint = false} : vector<400x128xf32>, vector<128x128xf32>, vector<400x128xf32> -> vector<400x128xf32>
    %add3A_41 = arith.addf %add3A_35, %dot_general3A_40 : vector<400x128xf32>
    %get3A_42 = arith.constant 0 : index
    %get3A_43 = arith.constant 0 : index
    %get3A_44 = vector.load %arg11[%get3A_42, %get3A_43] : memref<1x128xf32, #tpu.memory_space<vmem>>, vector<1x128xf32>
    %add3A_45 = vector.broadcast %get3A_44 : vector<1x128xf32> to vector<400x128xf32>
    %add3A_46 = arith.addf %add3A_41, %add3A_45 : vector<400x128xf32>
    %swap3A = arith.constant 0 : index
    %swap3A_47 = arith.constant 0 : index
    %swap3A_48 = vector.load %arg12[%swap3A, %swap3A_47] : memref<400x128xf32, #tpu.memory_space<vmem>>, vector<400x128xf32>
    tpu.vector_store %arg12[%swap3A, %swap3A_47], %add3A_46 {strides = array<i32>} : memref<400x128xf32, #tpu.memory_space<vmem>>, vector<400x128xf32>,
    return
  }
  func.func @transform_0(%arg0: i32) -> (i32, i32) {
    %c0_i32 = arith.constant 0 : i32
    %c0_i32_0 = arith.constant 0 : i32
    return %arg0, %c0_i32 : i32, i32
  }
  func.func @transform_1(%arg0: i32) -> (i32, i32) {
    %c0_i32 = arith.constant 0 : i32
    %c0_i32_0 = arith.constant 0 : i32
    return %arg0, %c0_i32 : i32, i32
  }
  func.func @transform_2(%arg0: i32) -> (i32, i32) {
    %c0_i32 = arith.constant 0 : i32
    %c0_i32_0 = arith.constant 0 : i32
    return %arg0, %c0_i32 : i32, i32
  }
  func.func @transform_3(%arg0: i32) -> (i32, i32) {
    %c0_i32 = arith.constant 0 : i32
    %c0_i32_0 = arith.constant 0 : i32
    return %arg0, %c0_i32 : i32, i32
  }
  func.func @transform_4(%arg0: i32) -> (i32, i32) {
    %c0_i32 = arith.constant 0 : i32
    %c0_i32_0 = arith.constant 0 : i32
    return %arg0, %c0_i32 : i32, i32
  }
  func.func @transform_5(%arg0: i32) -> (i32, i32) {
    %c0_i32 = arith.constant 0 : i32
    %c0_i32_0 = arith.constant 0 : i32
    return %arg0, %c0_i32 : i32, i32
  }
  func.func @transform_6(%arg0: i32) -> (i32, i32) {
    %c0_i32 = arith.constant 0 : i32
    %c0_i32_0 = arith.constant 0 : i32
    return %arg0, %c0_i32 : i32, i32
  }
  func.func @transform_7(%arg0: i32) -> (i32, i32) {
    %c0_i32 = arith.constant 0 : i32
    %c0_i32_0 = arith.constant 0 : i32
    %c0_i32_1 = arith.constant 0 : i32
    return %c0_i32, %c0_i32_0 : i32, i32
  }
  func.func @transform_8(%arg0: i32) -> (i32, i32) {
    %c0_i32 = arith.constant 0 : i32
    %c0_i32_0 = arith.constant 0 : i32
    %c0_i32_1 = arith.constant 0 : i32
    return %c0_i32, %c0_i32_0 : i32, i32
  }
  func.func @transform_9(%arg0: i32) -> (i32, i32) {
    %c0_i32 = arith.constant 0 : i32
    %c0_i32_0 = arith.constant 0 : i32
    %c0_i32_1 = arith.constant 0 : i32
    return %c0_i32, %c0_i32_0 : i32, i32
  }
  func.func @transform_10(%arg0: i32) -> (i32, i32) {
    %c0_i32 = arith.constant 0 : i32
    %c0_i32_0 = arith.constant 0 : i32
    %c0_i32_1 = arith.constant 0 : i32
    return %c0_i32, %c0_i32_0 : i32, i32
  }
  func.func @transform_11(%arg0: i32) -> (i32, i32) {
    %c0_i32 = arith.constant 0 : i32
    %c0_i32_0 = arith.constant 0 : i32
    return %arg0, %c0_i32 : i32, i32
  }
}

</mosaic_0001>

<sc_bundles>
// kernel: kernel.10.cloned.1.call-start
scs
__scs_entry_jumppad:
0x0: {  	(pc) =	sbr.rel $0x88, $3  }
0x1: {  	(tag) =	ssettag $0x0;
	lr =	simm.s32 $0x1  }
0x2: {  	[smem:$0x3F93] =	sst lr;
	_ =	strace $0xD0000000  }
0x3: {  	_ = 	snop  }
0x4: {  	_ = 	snop  }
0x5: {  	_ = 	snop  }
0x6: {  	_ = 	snop  }
0x7: {  	_ = 	snop  }
__scs_overlays_trampoline_lowered:
0x8: {  	[smem:$0x3FA2] =	sst s0  }
0x9: {  	[smem:$0x3FA3] =	sst s1  }
0xa: {  	[smem:$0x3FA4] =	sst s2  }
0xb: {  	[smem:$0x3FA5] =	sst s3  }
0xc: {  	[smem:$0x3FA6] =	sst s4  }
0xd: {  	[smem:$0x3FA7] =	sst s5  }
0xe: {  	[smem:$0x3FA8] =	sst s6  }
0xf: {  	[smem:$0x3FA9] =	sst s7  }
0x10: {  	[smem:$0x3FAA] =	sst s8  }
0x11: {  	[smem:$0x3FAB] =	sst s9;
	s0 =	simm.s32 @!p0 $0x0  }
0x12: {  	s1 =	sld [smem:$0x3F91];
	s0 =	simm.s32 @p0 $0x1  }
0x13: {  	[smem:$0x3FAC] =	sst s0;
	s0 =	simm.s32 @!p1 $0x0  }
0x14: {  	s2 =	sld [smem:$0x3F90];
	s0 =	simm.s32 @p1 $0x1  }
0x15: {  	[smem:$0x3FAD] =	sst s0;
	s0 =	simm.s32 @!p2 $0x0  }
0x16: {  	s3 =	sld [smem:$0x3FDB];
	s0 =	simm.s32 @p2 $0x1  }
0x17: {  	s4 =	simm.s32 $0x1BF5;
	[smem:$0x3FAF] =	sst s0  }
0x18: {  	s0 =	sld [smem:$0x3F92];
	_ =	swait.ge [sflag:s4], $0x0  }
0x19: {  	s7 =	sld [smem:$0x3F93]  }
0x1a: {  	s8 =	sadd.s32 $0xFFFFE003, lr  }
0x1b: {  	s9 =	sadd.s32 $0xFFFFFEF7, lr;
	s5 =	simm.s32 $0xFFFFFFFF;
	p2 =	slt.u32 s8, $0xFFFFF086  }
0x1c: {  	p1 =	slt.u32 s9, $0xF7A;
	s5 =	simm.s32 @!p2 $0x0  }
0x1d: {  	s5 =	simm.s32 @p1 $0x1;
	p0 =	seq.s32 s7, s2  }
0x1e: {  	s7 =	smul.u32 @!p0 $0xF7A, s2;
	p2 =	seq.s32 @!p0 s5, $0x0  }
0x1f: {  	s9 =	smul.u32 $0xF7A, s1;
	s8 =	simm.s32 @!p0 $0x1BF5;
	p2 =	por !p2, p0  }
0x20: {  	[sflag:s8] =	ssyncset.s32 @!p0 $0xFFFFF086;
	s6 =	sadd.s32 @!p0 s3, s7;
	s7 =	simm.s32 @!p0 $0x108  }
0x21: {  	s3 =	sadd.s32 s3, s9;
	s6 =	sadd.s32 @!p0 $0x88, s6;
	s7 =	simm.s32 @p2 $0x1082  }
0x22: {  	[simem:s7], [sflag:s8] =	dma.local @!p0 [hbm:s6], $0xF7A  }
0x23: {  	s9 =	sor.u32 $0xD0000000, s2;
	s6 =	simm.s32 $0x108;
	_ =	swait.ge @!p0 [sflag:s8], $0x0  }
0x24: {  	s3 =	sadd.s32 $0x88, s3;
	s6 =	simm.s32 @!p1 $0x1082;
	[sflag:s4] =	ssyncset.s32 $0xFFFFF086  }
0x25: {  	[simem:s6], [sflag:s4] =	dma.local [hbm:s3], $0xF7A  }
0x26: {  	[smem:$0x3F93] =	sst s1;
	(tag) =	ssettag s2;
	_ =	strace s9  }
0x27: {  	s1 =	sld [smem:$0x3FA3]  }
0x28: {  	s2 =	sld [smem:$0x3FA4]  }
0x29: {  	s4 =	sld [smem:$0x3FA6]  }
0x2a: {  	p0 =	seq.s32 s5, $0x0;
	s5 =	sld [smem:$0x3FA7]  }
0x2b: {  	s6 =	sld [smem:$0x3FA8]  }
0x2c: {  	s7 =	sld [smem:$0x3FA9]  }
0x2d: {  	s3 =	simm.s32 $0x108;
	s8 =	sld [smem:$0x3FAA]  }
0x2e: {  	s3 =	simm.s32 @!p0 $0x1082;
	s9 =	sld [smem:$0x3FAB]  }
0x2f: {  	lr =	sadd.s32 s0, s3;
	s0 =	sld [smem:$0x3FA2]  }
0x30: {  	s3 =	sld [smem:$0x3FA5]  }
0x31: {  	[smem:$0x3FAE] =	sst s10  }
0x32: {  	s10 =	sld [smem:$0x3FAC];
	_ =	sdelay $0x3  }
0x33: {  	p0 =	seq.s32 s10, $0x1;
	s10 =	sld [smem:$0x3FAE];
	_ =	sdelay $0x3  }
0x34: {  	[smem:$0x3FAE] =	sst s10  }
0x35: {  	s10 =	sld [smem:$0x3FAD];
	_ =	sdelay $0x3  }
0x36: {  	p1 =	seq.s32 s10, $0x1;
	s10 =	sld [smem:$0x3FAE];
	_ =	sdelay $0x3  }
0x37: {  	[smem:$0x3FAE] =	sst s10  }
0x38: {  	s10 =	sld [smem:$0x3FAF]  }
0x39: {  	_ = 	snop;
	(pc) =	sbr.ind lr, $3  }
0x3a: {  	_ = 	snop  }
0x3b: {  	_ = 	snop  }
0x3c: {  	p2 =	seq.s32 s10, $0x1;
	s10 =	sld [smem:$0x3FAE]  }
0x3d: {  	_ =	shalt  }
0x3e: {  	_ =	shalt  }
0x3f: {  	_ =	shalt  }
0x40: {  	_ =	shalt  }
0x41: {  	_ =	shalt  }
0x42: {  	_ =	shalt  }
0x43: {  	_ =	shalt  }
0x44: {  	_ =	shalt  }
0x45: {  	_ =	shalt  }
0x46: {  	_ =	shalt  }
0x47: {  	_ =	shalt  }
0x48: {  	_ =	shalt  }
0x49: {  	_ =	shalt  }
0x4a: {  	_ =	shalt  }
0x4b: {  	_ =	shalt  }
0x4c: {  	_ =	shalt  }
0x4d: {  	_ =	shalt  }
0x4e: {  	_ =	shalt  }
0x4f: {  	_ =	shalt  }
0x50: {  	_ =	shalt  }
0x51: {  	_ =	shalt  }
0x52: {  	_ =	shalt  }
0x53: {  	_ =	shalt  }
0x54: {  	_ =	shalt  }
0x55: {  	_ =	shalt  }
0x56: {  	_ =	shalt  }
0x57: {  	_ =	shalt  }
0x58: {  	_ =	shalt  }
0x59: {  	_ =	shalt  }
0x5a: {  	_ =	shalt  }
0x5b: {  	_ =	shalt  }
0x5c: {  	_ =	shalt  }
0x5d: {  	_ =	shalt  }
0x5e: {  	_ =	shalt  }
0x5f: {  	_ =	shalt  }
0x60: {  	_ =	shalt  }
0x61: {  	_ =	shalt  }
0x62: {  	_ =	shalt  }
0x63: {  	_ =	shalt  }
0x64: {  	_ =	shalt  }
0x65: {  	_ =	shalt  }
0x66: {  	_ =	shalt  }
0x67: {  	_ =	shalt  }
0x68: {  	_ =	shalt  }
0x69: {  	_ =	shalt  }
0x6a: {  	_ =	shalt  }
0x6b: {  	_ =	shalt  }
0x6c: {  	_ =	shalt  }
0x6d: {  	_ =	shalt  }
0x6e: {  	_ =	shalt  }
0x6f: {  	_ =	shalt  }
0x70: {  	_ =	shalt  }
0x71: {  	_ =	shalt  }
0x72: {  	_ =	shalt  }
0x73: {  	_ =	shalt  }
0x74: {  	_ =	shalt  }
0x75: {  	_ =	shalt  }
0x76: {  	_ =	shalt  }
0x77: {  	_ =	shalt  }
0x78: {  	_ =	shalt  }
0x79: {  	_ =	shalt  }
0x7a: {  	_ =	shalt  }
0x7b: {  	_ =	shalt  }
0x7c: {  	_ =	shalt  }
0x7d: {  	_ =	shalt  }
0x7e: {  	_ =	shalt  }
0x7f: {  	_ =	shalt  }
0x80: {  	_ =	shalt  }
0x81: {  	_ =	shalt  }
0x82: {  	_ =	shalt  }
0x83: {  	_ =	shalt  }
0x84: {  	_ =	shalt  }
0x85: {  	_ =	shalt  }
0x86: {  	_ =	shalt  }
0x87: {  	_ =	shalt  }
.Lfunc_end0:
.L_simem_size_0:
called_computation.1_lowered:
.L_overlay_start_0:
0x88: {  	s2 =	sld [smem:$0x3FD9]  }
0x89: {  	s3 =	sld [smem:$0x3FFE];
	_ =	sdelay $0x1  }
0x8a: {  	s1 =	srdreg.scid  }
0x8b: {  	s0 =	sand.u32 $0x1, s1  }
0x8c: {  	s17 =	sshll.u32 s0, $0xA;
	s2 =	sadd.s32 s3, s2  }
0x8d: {  	s2 =	sadd.s32 s2, s17  }
0x8e: {  	[smem:$0x3FBA] =	sst s2  }
0x8f: {  	_ = 	snop  }
0x90: {  	s2 =	sld [smem:$0x3FD0];
	(tm) =	ssettm $0x1  }
0x91: {  	s18 =	sld [smem:$0x3FFB];
	_ =	sdelay $0x3  }
0x92: {  	_ =	strace s18  }
0x93: {  	s3 =	sld [smem:$0x3FFC];
	_ =	sdelay $0x3  }
0x94: {  	_ =	strace s3  }
0x95: {  	s3 =	sld [smem:$0x3FFD];
	_ =	sdelay $0x3  }
0x96: {  	_ =	strace s3  }
0x97: {  	_ =	strace $0x8FFFFFFF  }
0x98: {  	s19 =	sld [smem:$0x3FDB];
	_ =	sdelay $0x1  }
0x99: {  	s4 =	simm.s32 $_scs_section_size  }
0x9a: {  	s5 =	simm.s32 $_size__tile_overlayer_lowered;
	s6 =	simm.s32 $_tile_overlayer_lowered  }
0x9b: {  	s22 =	simm.s32 $0x1BFF;
	s21 =	sshll.u32 s6, $0x1;
	s3 =	sadd.s32 s4, s19  }
0x9c: {  	s7 =	simm.s32 $0x0;
	s20 =	sshll.u32 s5, $0x1;
	s5 =	sadd.s32 s21, s3  }
0x9d: {  	[timem:s7], [sflag:s22] =	dma.local [hbm:s5], s20  }
0x9e: {  	_ =	swait.ge [sflag:s22], s20  }
0x9f: {  	s4 =	ssub.s32 $0x0, s20;
	[sflag:s22] =	ssyncset.done $0x0  }
0xa0: {  	[sflag:s22] =	ssyncadd.s32 s4;
	_ =	sdelay $0x1  }
0xa1: {  	s23 =	simm.s32 $0x1B8B  }
0xa2: {  	_ =	swait.ge [sflag:s23], $0x1  }
0xa3: {  	[sflag:s23] =	ssyncset.done $0x0  }
0xa4: {  	s25 =	simm.s32 $0x1B8E;
	s24 =	sld [smem:$0x3FFE];
	[sflag:s23] =	ssyncadd.s32 $0xFFFFFFFF  }
0xa5: {  	s26 =	simm.s32 $execute0_lowered;
	[smem:$0x3FD2] =	sst s25  }
0xa6: {  	s5 =	sshll.u32 s26, $0x1;
	_ =	strace $0x80000049;
	[dreg:$0x1] =	wrdreg $0xFFFFFFFF  }
0xa7: {  	s28 =	simm.s32 $_size_execute0_lowered;
	s3 =	sadd.s32 s3, s5;
	[dreg:$0x0] =	wrdreg $0x0  }
0xa8: {  	s5 =	sshll.u32 s28, $0x1;
	[dreg:$0x2] =	wrdreg s3  }
0xa9: {  	[dreg:$0x3] =	wrdreg s5  }
0xaa: {  	[dreg:$0x4] =	wrdreg $0xC0  }
0xab: {  	_ =	task [dreg:s7], $0x5FFFF  }
0xac: {  	[dreg:$0x1] =	wrdreg $0xFFFFFFFF  }
0xad: {  	[dreg:$0x0] =	wrdreg $0x60  }
0xae: {  	[dreg:$0x2] =	wrdreg s24  }
0xaf: {  	[dreg:$0x3] =	wrdreg s2  }
0xb0: {  	[dreg:$0x4] =	wrdreg $0x9  }
0xb1: {  	_ =	task.clear_ibuf [dreg:s7], $0x5FFFF;
	_ =	strace $0x90000049  }
0xb2: {  	s29 =	simm.s32 $0x9;
	_ =	strace $0x8000004B  }
0xb3: {  	_ =	swait.ge [sflag:s29], $0x1  }
0xb4: {  	[sflag:s29] =	ssyncadd.s32 $0xFFFFFFFF  }
0xb5: {  	_ =	strace $0x9000004B  }
0xb6: {  	_ =	sfence  }
0xb7: {  	s30 =	sld [smem:$0x0];
	_ =	sdelay $0x2  }
0xb8: {  	s31 =	sshll.u32 s1, $0xD;
	s1 =	sshrl.u32 s1, $0x2  }
0xb9: {  	s3 =	sand.u32 $0x4000, s31;
	s1 =	sadd.s32 s1, s30  }
0xba: {  	s0 =	sor.u32 s3, s0;
	s1 =	sshll.u32 s1, $0x11  }
0xbb: {  	s0 =	sor.u32 s1, s0  }
0xbc: {  	s0 =	sadd.s32 $0x8F2B, s0  }
0xbd: {  	[sflag:s0] =	ssyncadd.remote.s32 $0x1  }
0xbe: {  	_ =	sfence.sel $0xFFFF  }
0xbf: {  	[dreg:$0x0] =	wrdreg $0xFFFFFFFF;
	(pc) =	sbr.abs _section_cstart, $3  }
0xc0: {  	[dreg:$0x1] =	wrdreg $0xFFFFFFFF  }
0xc1: {  	_ =	task.clear_ibuf [dreg:s7], $0x2FFFF;
	_ =	strace $0x9FFFFFFF  }
0xc2: {  	(tm) =	ssettm $0x7FFFFFFF  }
0xc3: {  	_ =	shalt  }
tec
execute0_lowered:
.L_overlay_start_1:
0x0: {  	(tag) =	ssettag $0x1  }
0x1: {  	s0 =	srdreg.scid  }
0x2: {  	s4 =	rddreg [dreg:$0x0];
	s3 =	sand.u32 $0x1, s0  }
0x3: {  	s6 =	rddreg [dreg:$0x1];
	s0 =	stileid.u32;
	s1 =	sshll.u32 s3, $0x4  }
0x4: {  	s2 =	simm.s32 $0x0;
	s10 =	simm.s32 $0x1;
	s1 =	sor.u32 s0, s1  }
0x5: {  	s11 =	simm.s32 $0x2800;
	s12 =	simm.s32 $0x5000;
	s1 =	sshrl.u32 s1, $0x3  }
0x6: {  	s13 =	simm.s32 $0x7800;
	s7 =	sshll.u32 s0, $0x7;
	s5 =	smul.u32 $0x14000, s1  }
0x7: {  	s14 =	simm.s32 $0x0;
	s30 =	ssub.s32 $0x2, s3;
	s7 =	sand.u32 $0x380, s7  }
0x8: {  	[smem:$0x7FF] =	sst s2;
	s31 =	sshrl.u32 s30, $0x1;
	s5 =	sor.u32 s7, s5  }
0x9: {  	s3 =	sadd.s32 $0xD400, s4;
	s9 =	ssub.s32 s30, s31;
	s7 =	sshrl.u32 s5, $0x3  }
0xa: {  	s1 =	rddreg [dreg:$0x2];
	_ =	strace $0x8000004A;
	s8 =	sadd.s32 s7, s4  }
0xb: {  	s6 =	sadd.s32 s6, s7;
	s7 =	smax.u32 s9, $0x1;
	s9 =	simm.s32 $0x400  }
0xc: {  	s4 =	sadd.s32 $0x21E00, s8;
	s5 =	sadd.s32 $0xDE00, s8;
	s8 =	simm.s32 $0x80  }
.LBB2_1:
0xd: {  	[tilespmem:s2], [sflag:$0x1] =	stream.strided.gather [hbm4b:s4+s8], $0x2800, s9, s8, $0x38;
	[tilespmem:$0xA000] =	vst v63  }
0xe: {  	_ =	swait.ge [sflag:s10], $0x2800  }
0xf: {  	[sflag:s10] =	ssyncset.done $0x0  }
0x10: {  	[sflag:s10] =	ssyncadd.s32 $0xFFFFD800  }
0x11: {  	[tilespmem:s11], [sflag:$0x1] =	stream.strided.gather [hbm4b:s5+s8], $0x2800, s9, s8, $0x38;
	[tilespmem:$0xA000] =	vst v63  }
0x12: {  	_ =	swait.ge [sflag:s10], $0x2800  }
0x13: {  	[sflag:s10] =	ssyncset.done $0x0  }
0x14: {  	[sflag:s10] =	ssyncadd.s32 $0xFFFFD800  }
0x15: {  	[tilespmem:s12], [sflag:$0x1] =	stream.linear.gather [hbm4b:s3+s2], $0x2800, $0x38;
	[tilespmem:$0xA000] =	vst v63  }
0x16: {  	_ =	swait.ge [sflag:s10], $0x2800  }
0x17: {  	[sflag:s10] =	ssyncset.done $0x0  }
0x18: {  	s15 =	simm.s32 $0x0;
	[sflag:s10] =	ssyncadd.s32 $0xFFFFD800  }
0x19: {  	v1 =	vld [tilespmem:s15+$0x0];
	_ =	sdelay $0x6  }
0x1a: {  	v0 =	vld [tilespmem:s15+$0x2800]  }
0x1b: {  	s16 =	simm.s32 $0x10;
	s17 =	simm.s32 $0x80;
	v1 =	vld.idx.msk [tilespmem:v1+s12+$0x0], $0xffff  }
.LBB2_2:
0x1c: {  	p0 =	sne.s32 s17, $0x9FC0;
	v2 =	vld [tilespmem:s16+$0x0];
	_ =	sdelay $0x3  }
.Ltmp0:
0x1d: {  	(pc) =	sbr.rel @p0 .LBB2_2-.Ltmp0, $3  }
0x1e: {  	v1 =	vmul.f32 v0, v1;
	_ =	sdelay $0x1  }
0x1f: {  	v0 =	vld [tilespmem:s16+$0x2800];
	[tilespmem:s15+$0x7800] =	vst v1;
	s15 =	smov.u32 s16  }
0x20: {  	s16 =	sshra.s32 s17, $0x2;
	s17 =	sadd.s32 $0x40, s17;
	v1 =	vld.idx.msk [tilespmem:v2+s12+$0x0], $0xffff  }
0x21: {  	v2 =	vld [tilespmem:s16+$0x0];
	_ =	sdelay $0x4  }
0x22: {  	v0 =	vmul.f32 v0, v1;
	_ =	sdelay $0x1  }
0x23: {  	v63 =	vld [tilespmem:s16+$0x2800];
	[tilespmem:s15+$0x7800] =	vst v0  }
0x24: {  	v0 =	vld.idx.msk [tilespmem:v2+s12+$0x0], $0xffff;
	_ =	sdelay $0x4  }
0x25: {  	s14 =	sadd.s32 $0x1, s14;
	v0 =	vmul.f32 v63, v0  }
0x26: {  	p0 =	sne.s32 s14, s7  }
.Ltmp1:
0x27: {  	[tilespmem:s16+$0x7800] =	vst v0;
	(pc) =	sbr.rel @p0 .LBB2_1-.Ltmp1, $4  }
0x28: {  	[hbm4b:s6+s8] =	stream.strided.scatter [tilespmem:s13], [sflag:$0x1], $0x2800, s9, s8, $0x38;
	[tilespmem:$0xA000] =	vst v63  }
0x29: {  	_ =	swait.ge [sflag:s10], $0x2800  }
0x2a: {  	[sflag:s10] =	ssyncset.done $0x0  }
0x2b: {  	[sflag:s10] =	ssyncadd.s32 $0xFFFFD800  }
0x2c: {  	_ =	sfence.sel $0x180000  }
0x2d: {  	[bflag:$0x0] =	sbarrier.arrive $0xFFFF  }
0x2e: {  	p0 =	sne.s32 s0, $0x0;
	_ =	strace $0x9000004A  }
0x2f: {  	s0 =	sadd.s32 @!p0 $0x100000, s1;
	[bflag:$0x2] =	sbarrier.arrive $0xFFFF  }
0x30: {  	[sflag:s0] =	ssyncadd.tile.s32 @!p0 $0x1;
	_ =	shalt  }
.Lfunc_end2:
_tile_overlayer_lowered:
.L_overlay_start_2:
0x31: {  	(tag) =	ssettag $0x2  }
0x32: {  	s0 =	rddreg [dreg:$0x0];
	s2 =	stileid.u32  }
0x33: {  	s1 =	rddreg [dreg:$0x1];
	p0 =	sne.s32 s2, $0x0  }
0x34: {  	s3 =	rddreg [dreg:$0x2];
	[bflag:$0x3] =	sbarrier.arrive $0xFFFF;
	s2 =	simm.s32 @!p0 $0x1C01  }
0x35: {  	[timem:s3], [sflag:s2] =	dma.local @!p0 [hbm:s0], s1  }
0x36: {  	s0 =	simm.s32 @!p0 $0x1  }
0x37: {  	_ =	swait.ge @!p0 [sflag:s0], s1  }
0x38: {  	s1 =	ssub.s32 @!p0 $0x0, s1;
	[sflag:s0] =	ssyncset.done @!p0 $0x0  }
0x39: {  	[sflag:s0] =	ssyncadd.s32 @!p0 s1  }
0x3a: {  	[bflag:$0x3] =	sbarrier.arrive $0xFFFF  }
0x3b: {  	_ =	shalt  }

// kernel: kernel.13.cloned.1.call-start
scs
__scs_entry_jumppad:
0x0: {  	(pc) =	sbr.rel $0x88, $3  }
0x1: {  	(tag) =	ssettag $0x0;
	lr =	simm.s32 $0x1  }
0x2: {  	[smem:$0x3F93] =	sst lr;
	_ =	strace $0xD0000000  }
0x3: {  	_ = 	snop  }
0x4: {  	_ = 	snop  }
0x5: {  	_ = 	snop  }
0x6: {  	_ = 	snop  }
0x7: {  	_ = 	snop  }
__scs_overlays_trampoline_lowered:
0x8: {  	[smem:$0x3FA2] =	sst s0  }
0x9: {  	[smem:$0x3FA3] =	sst s1  }
0xa: {  	[smem:$0x3FA4] =	sst s2  }
0xb: {  	[smem:$0x3FA5] =	sst s3  }
0xc: {  	[smem:$0x3FA6] =	sst s4  }
0xd: {  	[smem:$0x3FA7] =	sst s5  }
0xe: {  	[smem:$0x3FA8] =	sst s6  }
0xf: {  	[smem:$0x3FA9] =	sst s7  }
0x10: {  	[smem:$0x3FAA] =	sst s8  }
0x11: {  	[smem:$0x3FAB] =	sst s9;
	s0 =	simm.s32 @!p0 $0x0  }
0x12: {  	s1 =	sld [smem:$0x3F91];
	s0 =	simm.s32 @p0 $0x1  }
0x13: {  	[smem:$0x3FAC] =	sst s0;
	s0 =	simm.s32 @!p1 $0x0  }
0x14: {  	s2 =	sld [smem:$0x3F90];
	s0 =	simm.s32 @p1 $0x1  }
0x15: {  	[smem:$0x3FAD] =	sst s0;
	s0 =	simm.s32 @!p2 $0x0  }
0x16: {  	s3 =	sld [smem:$0x3FDB];
	s0 =	simm.s32 @p2 $0x1  }
0x17: {  	s4 =	simm.s32 $0x1BF5;
	[smem:$0x3FAF] =	sst s0  }
0x18: {  	s0 =	sld [smem:$0x3F92];
	_ =	swait.ge [sflag:s4], $0x0  }
0x19: {  	s7 =	sld [smem:$0x3F93]  }
0x1a: {  	s8 =	sadd.s32 $0xFFFFE003, lr  }
0x1b: {  	s9 =	sadd.s32 $0xFFFFFEF7, lr;
	s5 =	simm.s32 $0xFFFFFFFF;
	p2 =	slt.u32 s8, $0xFFFFF086  }
0x1c: {  	p1 =	slt.u32 s9, $0xF7A;
	s5 =	simm.s32 @!p2 $0x0  }
0x1d: {  	s5 =	simm.s32 @p1 $0x1;
	p0 =	seq.s32 s7, s2  }
0x1e: {  	s7 =	smul.u32 @!p0 $0xF7A, s2;
	p2 =	seq.s32 @!p0 s5, $0x0  }
0x1f: {  	s9 =	smul.u32 $0xF7A, s1;
	s8 =	simm.s32 @!p0 $0x1BF5;
	p2 =	por !p2, p0  }
0x20: {  	[sflag:s8] =	ssyncset.s32 @!p0 $0xFFFFF086;
	s6 =	sadd.s32 @!p0 s3, s7;
	s7 =	simm.s32 @!p0 $0x108  }
0x21: {  	s3 =	sadd.s32 s3, s9;
	s6 =	sadd.s32 @!p0 $0x88, s6;
	s7 =	simm.s32 @p2 $0x1082  }
0x22: {  	[simem:s7], [sflag:s8] =	dma.local @!p0 [hbm:s6], $0xF7A  }
0x23: {  	s9 =	sor.u32 $0xD0000000, s2;
	s6 =	simm.s32 $0x108;
	_ =	swait.ge @!p0 [sflag:s8], $0x0  }
0x24: {  	s3 =	sadd.s32 $0x88, s3;
	s6 =	simm.s32 @!p1 $0x1082;
	[sflag:s4] =	ssyncset.s32 $0xFFFFF086  }
0x25: {  	[simem:s6], [sflag:s4] =	dma.local [hbm:s3], $0xF7A  }
0x26: {  	[smem:$0x3F93] =	sst s1;
	(tag) =	ssettag s2;
	_ =	strace s9  }
0x27: {  	s1 =	sld [smem:$0x3FA3]  }
0x28: {  	s2 =	sld [smem:$0x3FA4]  }
0x29: {  	s4 =	sld [smem:$0x3FA6]  }
0x2a: {  	p0 =	seq.s32 s5, $0x0;
	s5 =	sld [smem:$0x3FA7]  }
0x2b: {  	s6 =	sld [smem:$0x3FA8]  }
0x2c: {  	s7 =	sld [smem:$0x3FA9]  }
0x2d: {  	s3 =	simm.s32 $0x108;
	s8 =	sld [smem:$0x3FAA]  }
0x2e: {  	s3 =	simm.s32 @!p0 $0x1082;
	s9 =	sld [smem:$0x3FAB]  }
0x2f: {  	lr =	sadd.s32 s0, s3;
	s0 =	sld [smem:$0x3FA2]  }
0x30: {  	s3 =	sld [smem:$0x3FA5]  }
0x31: {  	[smem:$0x3FAE] =	sst s10  }
0x32: {  	s10 =	sld [smem:$0x3FAC];
	_ =	sdelay $0x3  }
0x33: {  	p0 =	seq.s32 s10, $0x1;
	s10 =	sld [smem:$0x3FAE];
	_ =	sdelay $0x3  }
0x34: {  	[smem:$0x3FAE] =	sst s10  }
0x35: {  	s10 =	sld [smem:$0x3FAD];
	_ =	sdelay $0x3  }
0x36: {  	p1 =	seq.s32 s10, $0x1;
	s10 =	sld [smem:$0x3FAE];
	_ =	sdelay $0x3  }
0x37: {  	[smem:$0x3FAE] =	sst s10  }
0x38: {  	s10 =	sld [smem:$0x3FAF]  }
0x39: {  	_ = 	snop;
	(pc) =	sbr.ind lr, $3  }
0x3a: {  	_ = 	snop  }
0x3b: {  	_ = 	snop  }
0x3c: {  	p2 =	seq.s32 s10, $0x1;
	s10 =	sld [smem:$0x3FAE]  }
0x3d: {  	_ =	shalt  }
0x3e: {  	_ =	shalt  }
0x3f: {  	_ =	shalt  }
0x40: {  	_ =	shalt  }
0x41: {  	_ =	shalt  }
0x42: {  	_ =	shalt  }
0x43: {  	_ =	shalt  }
0x44: {  	_ =	shalt  }
0x45: {  	_ =	shalt  }
0x46: {  	_ =	shalt  }
0x47: {  	_ =	shalt  }
0x48: {  	_ =	shalt  }
0x49: {  	_ =	shalt  }
0x4a: {  	_ =	shalt  }
0x4b: {  	_ =	shalt  }
0x4c: {  	_ =	shalt  }
0x4d: {  	_ =	shalt  }
0x4e: {  	_ =	shalt  }
0x4f: {  	_ =	shalt  }
0x50: {  	_ =	shalt  }
0x51: {  	_ =	shalt  }
0x52: {  	_ =	shalt  }
0x53: {  	_ =	shalt  }
0x54: {  	_ =	shalt  }
0x55: {  	_ =	shalt  }
0x56: {  	_ =	shalt  }
0x57: {  	_ =	shalt  }
0x58: {  	_ =	shalt  }
0x59: {  	_ =	shalt  }
0x5a: {  	_ =	shalt  }
0x5b: {  	_ =	shalt  }
0x5c: {  	_ =	shalt  }
0x5d: {  	_ =	shalt  }
0x5e: {  	_ =	shalt  }
0x5f: {  	_ =	shalt  }
0x60: {  	_ =	shalt  }
0x61: {  	_ =	shalt  }
0x62: {  	_ =	shalt  }
0x63: {  	_ =	shalt  }
0x64: {  	_ =	shalt  }
0x65: {  	_ =	shalt  }
0x66: {  	_ =	shalt  }
0x67: {  	_ =	shalt  }
0x68: {  	_ =	shalt  }
0x69: {  	_ =	shalt  }
0x6a: {  	_ =	shalt  }
0x6b: {  	_ =	shalt  }
0x6c: {  	_ =	shalt  }
0x6d: {  	_ =	shalt  }
0x6e: {  	_ =	shalt  }
0x6f: {  	_ =	shalt  }
0x70: {  	_ =	shalt  }
0x71: {  	_ =	shalt  }
0x72: {  	_ =	shalt  }
0x73: {  	_ =	shalt  }
0x74: {  	_ =	shalt  }
0x75: {  	_ =	shalt  }
0x76: {  	_ =	shalt  }
0x77: {  	_ =	shalt  }
0x78: {  	_ =	shalt  }
0x79: {  	_ =	shalt  }
0x7a: {  	_ =	shalt  }
0x7b: {  	_ =	shalt  }
0x7c: {  	_ =	shalt  }
0x7d: {  	_ =	shalt  }
0x7e: {  	_ =	shalt  }
0x7f: {  	_ =	shalt  }
0x80: {  	_ =	shalt  }
0x81: {  	_ =	shalt  }
0x82: {  	_ =	shalt  }
0x83: {  	_ =	shalt  }
0x84: {  	_ =	shalt  }
0x85: {  	_ =	shalt  }
0x86: {  	_ =	shalt  }
0x87: {  	_ =	shalt  }
.Lfunc_end0:
.L_simem_size_0:
called_computation.2_lowered:
.L_overlay_start_0:
0x88: {  	s2 =	sld [smem:$0x3FD9]  }
0x89: {  	s3 =	sld [smem:$0x3FFE];
	_ =	sdelay $0x1  }
0x8a: {  	s1 =	srdreg.scid  }
0x8b: {  	s0 =	sand.u32 $0x1, s1  }
0x8c: {  	s17 =	sshll.u32 s0, $0xA;
	s2 =	sadd.s32 s3, s2  }
0x8d: {  	s2 =	sadd.s32 s2, s17  }
0x8e: {  	[smem:$0x3FBA] =	sst s2  }
0x8f: {  	_ = 	snop  }
0x90: {  	s2 =	sld [smem:$0x3FD0];
	(tm) =	ssettm $0x1  }
0x91: {  	s18 =	sld [smem:$0x3FFB];
	_ =	sdelay $0x3  }
0x92: {  	_ =	strace s18  }
0x93: {  	s3 =	sld [smem:$0x3FFC];
	_ =	sdelay $0x3  }
0x94: {  	_ =	strace s3  }
0x95: {  	s3 =	sld [smem:$0x3FFD];
	_ =	sdelay $0x3  }
0x96: {  	_ =	strace s3  }
0x97: {  	_ =	strace $0x8FFFFFFF  }
0x98: {  	s19 =	sld [smem:$0x3FDB];
	_ =	sdelay $0x1  }
0x99: {  	s4 =	simm.s32 $_scs_section_size  }
0x9a: {  	s5 =	simm.s32 $_size__tile_overlayer_lowered;
	s6 =	simm.s32 $_tile_overlayer_lowered  }
0x9b: {  	s22 =	simm.s32 $0x1BFF;
	s21 =	sshll.u32 s6, $0x1;
	s3 =	sadd.s32 s4, s19  }
0x9c: {  	s7 =	simm.s32 $0x0;
	s20 =	sshll.u32 s5, $0x1;
	s5 =	sadd.s32 s21, s3  }
0x9d: {  	[timem:s7], [sflag:s22] =	dma.local [hbm:s5], s20  }
0x9e: {  	_ =	swait.ge [sflag:s22], s20  }
0x9f: {  	s4 =	ssub.s32 $0x0, s20;
	[sflag:s22] =	ssyncset.done $0x0  }
0xa0: {  	[sflag:s22] =	ssyncadd.s32 s4;
	_ =	sdelay $0x1  }
0xa1: {  	s23 =	simm.s32 $0x1B8B  }
0xa2: {  	_ =	swait.ge [sflag:s23], $0x1  }
0xa3: {  	[sflag:s23] =	ssyncset.done $0x0  }
0xa4: {  	s25 =	simm.s32 $0x1B8E;
	s24 =	sld [smem:$0x3FFE];
	[sflag:s23] =	ssyncadd.s32 $0xFFFFFFFF  }
0xa5: {  	s26 =	simm.s32 $execute0_lowered;
	[smem:$0x3FD2] =	sst s25  }
0xa6: {  	s5 =	sshll.u32 s26, $0x1;
	_ =	strace $0x8000004C;
	[dreg:$0x1] =	wrdreg $0xFFFFFFFF  }
0xa7: {  	s28 =	simm.s32 $_size_execute0_lowered;
	s3 =	sadd.s32 s3, s5;
	[dreg:$0x0] =	wrdreg $0x0  }
0xa8: {  	s5 =	sshll.u32 s28, $0x1;
	[dreg:$0x2] =	wrdreg s3  }
0xa9: {  	[dreg:$0x3] =	wrdreg s5  }
0xaa: {  	[dreg:$0x4] =	wrdreg $0xC0  }
0xab: {  	_ =	task [dreg:s7], $0x5FFFF  }
0xac: {  	[dreg:$0x1] =	wrdreg $0xFFFFFFFF  }
0xad: {  	[dreg:$0x0] =	wrdreg $0x60  }
0xae: {  	[dreg:$0x2] =	wrdreg s24  }
0xaf: {  	[dreg:$0x3] =	wrdreg s2  }
0xb0: {  	[dreg:$0x4] =	wrdreg $0xA8000  }
0xb1: {  	[dreg:$0x5] =	wrdreg $0x9  }
0xb2: {  	_ =	task.clear_ibuf [dreg:s7], $0x6FFFF;
	_ =	strace $0x9000004C  }
0xb3: {  	s29 =	simm.s32 $0x9;
	_ =	strace $0x8000004E  }
0xb4: {  	_ =	swait.ge [sflag:s29], $0x1  }
0xb5: {  	[sflag:s29] =	ssyncadd.s32 $0xFFFFFFFF  }
0xb6: {  	_ =	strace $0x9000004E  }
0xb7: {  	_ =	sfence  }
0xb8: {  	s30 =	sld [smem:$0x0];
	_ =	sdelay $0x2  }
0xb9: {  	s31 =	sshll.u32 s1, $0xD;
	s1 =	sshrl.u32 s1, $0x2  }
0xba: {  	s3 =	sand.u32 $0x4000, s31;
	s1 =	sadd.s32 s1, s30  }
0xbb: {  	s0 =	sor.u32 s3, s0;
	s1 =	sshll.u32 s1, $0x11  }
0xbc: {  	s0 =	sor.u32 s1, s0  }
0xbd: {  	s0 =	sadd.s32 $0x8F2B, s0  }
0xbe: {  	[sflag:s0] =	ssyncadd.remote.s32 $0x1  }
0xbf: {  	_ =	sfence.sel $0xFFFF  }
0xc0: {  	[dreg:$0x0] =	wrdreg $0xFFFFFFFF;
	(pc) =	sbr.abs _section_cstart, $3  }
0xc1: {  	[dreg:$0x1] =	wrdreg $0xFFFFFFFF  }
0xc2: {  	_ =	task.clear_ibuf [dreg:s7], $0x2FFFF;
	_ =	strace $0x9FFFFFFF  }
0xc3: {  	(tm) =	ssettm $0x7FFFFFFF  }
tec
execute0_lowered:
.L_overlay_start_1:
0x0: {  	(tag) =	ssettag $0x1  }
0x1: {  	s0 =	rddreg [dreg:$0x0]  }
0x2: {  	s2 =	rddreg [dreg:$0x2];
	s8 =	simm.s32 $0x0;
	s1 =	srdreg.scid  }
0x3: {  	s6 =	stileid.u32;
	s31 =	simm.s32 $0x40;
	s11 =	simm.s32 $0x2  }
0x4: {  	s12 =	simm.s32 $0x8800;
	[smem:$0x7FF] =	sst s8;
	s16 =	smul.u32 $0x50000, s6  }
0x5: {  	s1 =	sand.u32 $0x1, s1;
	s5 =	sadd.s32 $0x17E00, s0;
	s9 =	smul.u32 $0x5000, s6  }
0x6: {  	s15 =	sadd.s32 $0x3400, s0;
	s3 =	smul.u32 $0x140000, s1;
	_ =	strace $0x8000004D  }
0x7: {  	[dreg:$0x5] =	wrdreg s5;
	s17 =	ssub.s32 $0x2, s1;
	s1 =	smul.u32 $0x50000, s1  }
0x8: {  	s13 =	simm.s32 $0x5;
	s14 =	simm.s32 $0x3;
	[dreg:$0x6] =	wrdreg s15  }
0x9: {  	s5 =	sshrl.u32 s16, $0x2;
	[dreg:$0x7] =	wrdreg s9;
	s1 =	sadd.s32 s9, s1  }
0xa: {  	s4 =	smul.u32 $0x14000, s6;
	s5 =	sadd.s32 s5, s2;
	[dreg:$0x9] =	wrdreg s1  }
0xb: {  	s7 =	sadd.s32 $0x2BE00, s0;
	s21 =	sadd.s32 $0x2000, s5;
	[dreg:$0x8] =	wrdreg s5  }
0xc: {  	s15 =	simm.s32 $0x6;
	s22 =	sadd.s32 $0x4000, s5;
	[dreg:$0xc] =	wrdreg s21  }
0xd: {  	s18 =	sshrl.u32 s17, $0x1;
	s23 =	sadd.s32 $0x6000, s5;
	[dreg:$0xd] =	wrdreg s22  }
0xe: {  	s19 =	sadd.s32 s4, s2;
	s24 =	sadd.s32 $0x8000, s5;
	[dreg:$0xe] =	wrdreg s23  }
0xf: {  	s16 =	simm.s32 $0x4;
	s25 =	sadd.s32 $0xA000, s5;
	[dreg:$0xf] =	wrdreg s24  }
0x10: {  	s3 =	sadd.s32 s4, s3;
	s26 =	sadd.s32 $0xC000, s5;
	[dreg:$0x10] =	wrdreg s25  }
0x11: {  	s3 =	sshrl.u32 s3, $0x3;
	s28 =	sadd.s32 $0xE000, s5;
	[dreg:$0x11] =	wrdreg s26  }
0x12: {  	s29 =	sadd.s32 $0x10000, s5;
	s30 =	sadd.s32 $0x12000, s5;
	[dreg:$0x12] =	wrdreg s28  }
0x13: {  	s0 =	sadd.s32 s3, s0;
	s3 =	ssub.s32 s17, s18;
	[dreg:$0x13] =	wrdreg s29  }
0x14: {  	[dreg:$0x14] =	wrdreg s30;
	s22 =	simm.s32 $0x6800;
	s0 =	sadd.s32 $0x3F800, s0  }
0x15: {  	s23 =	simm.s32 $0x7;
	s20 =	smax.u32 s3, $0x1;
	[dreg:$0xa] =	wrdreg s0  }
0x16: {  	s26 =	simm.s32 $0x1E00;
	[dreg:$0xb] =	wrdreg s20;
	s0 =	sshrl.u32 s19, $0x3  }
0x17: {  	v0 =	vimm.f32 $0.0e+00;
	s3 =	simm.s32 $0x1;
	[dreg:$0x15] =	wrdreg s0;
	s0 =	simm.s32 $0x5800  }
.LBB2_1:
0x18: {  	[dreg:$0x4] =	wrdreg s8;
	s1 =	simm.s32 $0x0;
	s4 =	simm.s32 $0x200  }
.LBB2_2:
0x19: {  	p0 =	sne.s32 s4, $0x7E00;
	[tilespmem:s1+$0x6870] =	vst v0  }
0x1a: {  	[tilespmem:s1+$0x6800] =	vst v0  }
0x1b: {  	[tilespmem:s1+$0x6810] =	vst v0  }
.Ltmp0:
0x1c: {  	[tilespmem:s1+$0x6820] =	vst v0;
	(pc) =	sbr.rel @p0 .LBB2_2-.Ltmp0, $4  }
0x1d: {  	[tilespmem:s1+$0x6830] =	vst v0  }
0x1e: {  	[tilespmem:s1+$0x6840] =	vst v0  }
0x1f: {  	[tilespmem:s1+$0x6850] =	vst v0  }
0x20: {  	[tilespmem:s1+$0x6860] =	vst v0;
	s1 =	sshra.s32 s4, $0x2;
	s4 =	sadd.s32 $0x200, s4  }
0x21: {  	[tilespmem:s1+$0x6870] =	vst v0  }
0x22: {  	[tilespmem:s1+$0x6800] =	vst v0  }
0x23: {  	[tilespmem:s1+$0x6810] =	vst v0  }
0x24: {  	[tilespmem:s1+$0x6820] =	vst v0  }
0x25: {  	[tilespmem:s1+$0x6830] =	vst v0  }
0x26: {  	[tilespmem:s1+$0x6840] =	vst v0  }
0x27: {  	[tilespmem:s1+$0x6850] =	vst v0  }
0x28: {  	[tilespmem:s1+$0x6860] =	vst v0;
	s17 =	rddreg [dreg:$0x8]  }
0x29: {  	[spmem:s17] =	stream.linear.scatter [tilespmem:s22], [sflag:$0x7], $0x2000, $0x38;
	[tilespmem:$0x1E800] =	vst v63  }
0x2a: {  	_ =	swait.ge [sflag:s23], $0x2000  }
0x2b: {  	[sflag:s23] =	ssyncset.done $0x0  }
0x2c: {  	s18 =	rddreg [dreg:$0xc];
	[sflag:s23] =	ssyncadd.s32 $0xFFFFE000  }
0x2d: {  	[spmem:s18] =	stream.linear.scatter [tilespmem:s22], [sflag:$0x7], $0x2000, $0x38;
	[tilespmem:$0x1E800] =	vst v63  }
0x2e: {  	_ =	swait.ge [sflag:s23], $0x2000  }
0x2f: {  	[sflag:s23] =	ssyncset.done $0x0  }
0x30: {  	s19 =	rddreg [dreg:$0xd];
	[sflag:s23] =	ssyncadd.s32 $0xFFFFE000  }
0x31: {  	[spmem:s19] =	stream.linear.scatter [tilespmem:s22], [sflag:$0x7], $0x2000, $0x38;
	[tilespmem:$0x1E800] =	vst v63  }
0x32: {  	_ =	swait.ge [sflag:s23], $0x2000  }
0x33: {  	[sflag:s23] =	ssyncset.done $0x0  }
0x34: {  	s20 =	rddreg [dreg:$0xe];
	[sflag:s23] =	ssyncadd.s32 $0xFFFFE000  }
0x35: {  	[spmem:s20] =	stream.linear.scatter [tilespmem:s22], [sflag:$0x7], $0x2000, $0x38;
	[tilespmem:$0x1E800] =	vst v63  }
0x36: {  	_ =	swait.ge [sflag:s23], $0x2000  }
0x37: {  	[sflag:s23] =	ssyncset.done $0x0  }
0x38: {  	s21 =	rddreg [dreg:$0xf];
	[sflag:s23] =	ssyncadd.s32 $0xFFFFE000  }
0x39: {  	[spmem:s21] =	stream.linear.scatter [tilespmem:s22], [sflag:$0x7], $0x2000, $0x38;
	[tilespmem:$0x1E800] =	vst v63  }
0x3a: {  	_ =	swait.ge [sflag:s23], $0x2000  }
0x3b: {  	[sflag:s23] =	ssyncset.done $0x0  }
0x3c: {  	s24 =	rddreg [dreg:$0x10];
	[sflag:s23] =	ssyncadd.s32 $0xFFFFE000  }
0x3d: {  	[spmem:s24] =	stream.linear.scatter [tilespmem:s22], [sflag:$0x7], $0x2000, $0x38;
	[tilespmem:$0x1E800] =	vst v63  }
0x3e: {  	_ =	swait.ge [sflag:s23], $0x2000  }
0x3f: {  	[sflag:s23] =	ssyncset.done $0x0  }
0x40: {  	s25 =	rddreg [dreg:$0x11];
	[sflag:s23] =	ssyncadd.s32 $0xFFFFE000  }
0x41: {  	[spmem:s25] =	stream.linear.scatter [tilespmem:s22], [sflag:$0x7], $0x2000, $0x38;
	[tilespmem:$0x1E800] =	vst v63  }
0x42: {  	_ =	swait.ge [sflag:s23], $0x2000  }
0x43: {  	[sflag:s23] =	ssyncset.done $0x0  }
0x44: {  	s28 =	rddreg [dreg:$0x12];
	[sflag:s23] =	ssyncadd.s32 $0xFFFFE000  }
0x45: {  	[spmem:s28] =	stream.linear.scatter [tilespmem:s22], [sflag:$0x7], $0x2000, $0x38;
	[tilespmem:$0x1E800] =	vst v63  }
0x46: {  	_ =	swait.ge [sflag:s23], $0x2000  }
0x47: {  	[sflag:s23] =	ssyncset.done $0x0  }
0x48: {  	s29 =	rddreg [dreg:$0x13];
	[sflag:s23] =	ssyncadd.s32 $0xFFFFE000  }
0x49: {  	[spmem:s29] =	stream.linear.scatter [tilespmem:s22], [sflag:$0x7], $0x2000, $0x38;
	[tilespmem:$0x1E800] =	vst v63  }
0x4a: {  	_ =	swait.ge [sflag:s23], $0x2000  }
0x4b: {  	[sflag:s23] =	ssyncset.done $0x0  }
0x4c: {  	s30 =	rddreg [dreg:$0x14];
	[sflag:s23] =	ssyncadd.s32 $0xFFFFE000  }
0x4d: {  	[spmem:s30] =	stream.linear.scatter [tilespmem:s22], [sflag:$0x7], $0x2000, $0x38;
	[tilespmem:$0x1E800] =	vst v63  }
0x4e: {  	_ =	swait.ge [sflag:s23], $0x2000  }
0x4f: {  	[sflag:s23] =	ssyncset.done $0x0  }
0x50: {  	[sflag:s23] =	ssyncadd.s32 $0xFFFFE000  }
0x51: {  	s19 =	simm.s32 $0x0;
	[bflag:$0x0] =	sbarrier.arrive $0xFFFF  }
.LBB2_4:
0x52: {  	s6 =	smul.u32 $0x1400, s19  }
0x53: {  	s1 =	rddreg [dreg:$0x7]  }
0x54: {  	s1 =	sadd.s32 s1, s6  }
0x55: {  	s4 =	rddreg [dreg:$0x5];
	s1 =	sshrl.u32 s1, $0x3  }
0x56: {  	s5 =	simm.s32 $0x0;
	s4 =	sadd.s32 s4, s1  }
0x57: {  	[tilespmem:s5], [sflag:$0x7] =	stream.linear.gather [hbm4b:s4+s5], $0xA00, $0x38;
	[tilespmem:$0x1E800] =	vst v63  }
0x58: {  	_ =	swait.ge [sflag:s23], $0xA00  }
0x59: {  	[sflag:s23] =	ssyncset.done $0x0;
	s20 =	rddreg [dreg:$0x6]  }
0x5a: {  	s21 =	simm.s32 $0xA00;
	[sflag:s23] =	ssyncadd.s32 $0xFFFFF600;
	s1 =	sadd.s32 s20, s1  }
0x5b: {  	[tilespmem:s21], [sflag:$0x7] =	stream.linear.gather [hbm4b:s1+s5], $0xA00, $0x38;
	[tilespmem:$0x1E800] =	vst v63  }
0x5c: {  	_ =	swait.ge [sflag:s23], $0xA00  }
0x5d: {  	s24 =	rddreg [dreg:$0x9];
	[sflag:s23] =	ssyncset.done $0x0  }
0x5e: {  	s1 =	sadd.s32 s24, s6;
	[sflag:s23] =	ssyncadd.s32 $0xFFFFF600  }
0x5f: {  	s1 =	sshrl.u32 s1, $0x3;
	s25 =	rddreg [dreg:$0x1]  }
0x60: {  	[dreg:$0x16] =	wrdreg s6;
	s1 =	sadd.s32 s25, s1  }
0x61: {  	[tilespmem:s26], [sflag:$0x7] =	stream.linear.gather [hbm4b:s1+s5], $0xA00, $0x38;
	[tilespmem:$0x1E800] =	vst v63  }
0x62: {  	_ =	swait.ge [sflag:s23], $0xA00  }
0x63: {  	[sflag:s23] =	ssyncset.done $0x0  }
0x64: {  	s28 =	simm.s32 $0x2800;
	s21 =	simm.s32 $0x40;
	[sflag:s23] =	ssyncadd.s32 $0xFFFFF600  }
0x65: {  	[tilespmem:s28], [sflag:$0x1] =	stream.indirect.gather [hbm4b:s7+s21], $0x40, s5, s21, $0xb8;
	[tilespmem:$0x1E800] =	vst v63  }
0x66: {  	s29 =	simm.s32 $0x3800;
	s30 =	simm.s32 $0x4800;
	s9 =	simm.s32 $0xC0  }
0x67: {  	[tilespmem:s29], [sflag:$0x2] =	stream.indirect.gather [hbm4b:s7+s21], $0x40, s21, s21, $0xb8;
	[tilespmem:$0x1E800] =	vst v63  }
0x68: {  	s4 =	simm.s32 $0x0;
	s24 =	simm.s32 $0x0;
	s25 =	simm.s32 $0x80  }
0x69: {  	[tilespmem:s30], [sflag:$0x3] =	stream.indirect.gather [hbm4b:s7+s21], $0x40, s25, s21, $0xb8;
	[tilespmem:$0x1E800] =	vst v63  }
.LBB2_5:
0x6a: {  	s28 =	sshll.u32 s24, $0xA  }
0x6b: {  	s18 =	sor.u32 s19, s24;
	s17 =	sor.u32 $0x300, s28  }
0x6c: {  	p1 =	seq.s32 s18, $0x0;
	s1 =	sshrl.u32 s17, $0x2  }
0x6d: {  	[tilespmem:s0], [sflag:$0x4] =	stream.indirect.gather [hbm4b:s7+s31], $0x40, s1, s31, $0xb8;
	[tilespmem:$0x1E800] =	vst v63  }
0x6e: {  	s1 =	simm.s32 @!p1 $0x5  }
0x6f: {  	_ =	swait.ge @!p1 [sflag:s1], $0x2000  }
0x70: {  	s5 =	sadd.s32 $0x0, s4;
	[sflag:s1] =	ssyncset.done @!p1 $0x0  }
0x71: {  	v1 =	vmov s5;
	[sflag:s1] =	ssyncadd.s32 @!p1 $0xFFFFE000  }
0x72: {  	_ =	swait.ge [sflag:s3], $0x1000  }
0x73: {  	[sflag:s3] =	ssyncset.done $0x0  }
0x74: {  	s20 =	simm.s32 $0x2820;
	[sflag:s3] =	ssyncadd.s32 $0xFFFFF000  }
0x75: {  	v2 =	vld [tilespmem:s20+$0xFFFFFFE0]  }
0x76: {  	v1 =	vld.idx.msk [tilespmem:v1+s26+$0x0], $0xffff;
	_ =	sdelay $0x3  }
0x77: {  	v3 =	vshll.u32 v2, $0x10  }
0x78: {  	v2 =	vand.u32 $0xFFFF0000, v2;
	v3 =	vmul.f32 v3, v1  }
0x79: {  	s29 =	simm.s32 $0x6840;
	v2 =	vmul.f32 v2, v1  }
0x7a: {  	[tilespmem:s29+$0xFFFFFFC0] =	vst v3  }
0x7b: {  	[tilespmem:s29+$0xFFFFFFD0] =	vst v2  }
0x7c: {  	v2 =	vld [tilespmem:s20+$0xFFFFFFF0];
	_ =	sdelay $0x4  }
0x7d: {  	v3 =	vshll.u32 v2, $0x10  }
0x7e: {  	v2 =	vand.u32 $0xFFFF0000, v2;
	v3 =	vmul.f32 v3, v1  }
0x7f: {  	v2 =	vmul.f32 v2, v1  }
0x80: {  	[tilespmem:s29+$0xFFFFFFE0] =	vst v3  }
0x81: {  	[tilespmem:s29+$0xFFFFFFF0] =	vst v2  }
0x82: {  	v2 =	vld [tilespmem:s20+$0x0];
	_ =	sdelay $0x4  }
0x83: {  	v3 =	vshll.u32 v2, $0x10  }
0x84: {  	v2 =	vand.u32 $0xFFFF0000, v2;
	v3 =	vmul.f32 v3, v1  }
0x85: {  	v2 =	vmul.f32 v2, v1  }
0x86: {  	[tilespmem:s29+$0x0] =	vst v3  }
0x87: {  	[tilespmem:s29+$0x10] =	vst v2  }
0x88: {  	v2 =	vld [tilespmem:s20+$0x10];
	_ =	sdelay $0x1  }
0x89: {  	s6 =	simm.s32 $0x1;
	s10 =	simm.s32 $0x2  }
0x8a: {  	s30 =	simm.s32 $0x2860;
	s5 =	simm.s32 $0x6840;
	s1 =	sshll.u32 s24, $0x2  }
.LBB2_6:
0x8b: {  	s18 =	sadd.s32 s6, s4  }
0x8c: {  	v3 =	vshll.u32 v2, $0x10;
	v2 =	vand.u32 $0xFFFF0000, v2;
	s29 =	sadd.s32 $0x80, s29;
	s6 =	smov.u32 s10;
	s8 =	sadd.s32 $0x1, s10  }
0x8d: {  	p0 =	sne.s32 s10, $0x3F;
	v4 =	vmov s18;
	v3 =	vmul.f32 v3, v1;
	v1 =	vmul.f32 v2, v1;
	_ =	sdelay $0x1  }
0x8e: {  	[tilespmem:s5+$0x20] =	vst v3  }
0x8f: {  	[tilespmem:s5+$0x30] =	vst v1;
	s5 =	smov.u32 s29  }
0x90: {  	v2 =	vld [tilespmem:s30+$0xFFFFFFE0]  }
0x91: {  	v1 =	vld.idx.msk [tilespmem:v4+s26+$0x0], $0xffff;
	_ =	sdelay $0x4  }
0x92: {  	v3 =	vshll.u32 v2, $0x10;
	v2 =	vand.u32 $0xFFFF0000, v2  }
0x93: {  	v3 =	vmul.f32 v3, v1;
	v2 =	vmul.f32 v2, v1;
	_ =	sdelay $0x1  }
0x94: {  	[tilespmem:s29+$0xFFFFFFC0] =	vst v3  }
0x95: {  	[tilespmem:s29+$0xFFFFFFD0] =	vst v2  }
0x96: {  	v2 =	vld [tilespmem:s30+$0xFFFFFFF0];
	_ =	sdelay $0x4  }
0x97: {  	v3 =	vshll.u32 v2, $0x10;
	v2 =	vand.u32 $0xFFFF0000, v2  }
0x98: {  	v3 =	vmul.f32 v3, v1;
	v2 =	vmul.f32 v2, v1;
	_ =	sdelay $0x1  }
0x99: {  	[tilespmem:s29+$0xFFFFFFE0] =	vst v3  }
0x9a: {  	[tilespmem:s29+$0xFFFFFFF0] =	vst v2  }
0x9b: {  	v2 =	vld [tilespmem:s30+$0x0];
	_ =	sdelay $0x4  }
0x9c: {  	v3 =	vshll.u32 v2, $0x10;
	v2 =	vand.u32 $0xFFFF0000, v2  }
0x9d: {  	v3 =	vmul.f32 v3, v1;
	v2 =	vmul.f32 v2, v1;
	_ =	sdelay $0x1  }
0x9e: {  	[tilespmem:s29+$0x0] =	vst v3  }
0x9f: {  	[tilespmem:s29+$0x10] =	vst v2  }
.Ltmp1:
0xa0: {  	v2 =	vld [tilespmem:s30+$0x10];
	(pc) =	sbr.rel @p0 .LBB2_6-.Ltmp1, $2  }
0xa1: {  	_ =	sdelay $0x2  }
0xa2: {  	s10 =	smov.u32 s8;
	s30 =	sadd.s32 $0x40, s30  }
0xa3: {  	s6 =	sadd.s32 s6, s4;
	v3 =	vshll.u32 v2, $0x10  }
0xa4: {  	v2 =	vand.u32 $0xFFFF0000, v2;
	v4 =	vmov s6;
	v3 =	vmul.f32 v3, v1  }
0xa5: {  	v1 =	vmul.f32 v2, v1  }
0xa6: {  	[tilespmem:s5+$0x20] =	vst v3  }
0xa7: {  	[tilespmem:s5+$0x30] =	vst v1  }
0xa8: {  	v1 =	vld [tilespmem:s30+$0xFFFFFFE0]  }
0xa9: {  	v2 =	vld.idx.msk [tilespmem:v4+s26+$0x0], $0xffff;
	_ =	sdelay $0x3  }
0xaa: {  	v3 =	vshll.u32 v1, $0x10  }
0xab: {  	v1 =	vand.u32 $0xFFFF0000, v1;
	v3 =	vmul.f32 v3, v2  }
0xac: {  	s6 =	sadd.s32 $0x80, s29;
	v1 =	vmul.f32 v1, v2  }
0xad: {  	[tilespmem:s6+$0xFFFFFFC0] =	vst v3  }
0xae: {  	[tilespmem:s6+$0xFFFFFFD0] =	vst v1  }
0xaf: {  	v1 =	vld [tilespmem:s30+$0xFFFFFFF0];
	_ =	sdelay $0x4  }
0xb0: {  	v3 =	vshll.u32 v1, $0x10  }
0xb1: {  	v1 =	vand.u32 $0xFFFF0000, v1;
	v3 =	vmul.f32 v3, v2  }
0xb2: {  	v1 =	vmul.f32 v1, v2  }
0xb3: {  	[tilespmem:s6+$0xFFFFFFE0] =	vst v3  }
0xb4: {  	[tilespmem:s6+$0xFFFFFFF0] =	vst v1  }
0xb5: {  	v1 =	vld [tilespmem:s30+$0x0];
	_ =	sdelay $0x4  }
0xb6: {  	v3 =	vshll.u32 v1, $0x10  }
0xb7: {  	v1 =	vand.u32 $0xFFFF0000, v1;
	v3 =	vmul.f32 v3, v2  }
0xb8: {  	v1 =	vmul.f32 v1, v2  }
0xb9: {  	[tilespmem:s6+$0x0] =	vst v3  }
0xba: {  	[tilespmem:s6+$0x10] =	vst v1  }
0xbb: {  	v1 =	vld [tilespmem:s30+$0x10];
	_ =	sdelay $0x4  }
0xbc: {  	v3 =	vshll.u32 v1, $0x10  }
0xbd: {  	v1 =	vand.u32 $0xFFFF0000, v1;
	v3 =	vmul.f32 v3, v2  }
0xbe: {  	v1 =	vmul.f32 v1, v2  }
0xbf: {  	s8 =	sshrl.u32 s28, $0x2;
	p0 =	seq.s32 s24, $0x9;
	[tilespmem:s6+$0x20] =	vst v3  }
0xc0: {  	s10 =	sadd.s32 $0xA00, s8;
	s28 =	sshrl.u32 @!p0 s28, $0x2;
	[tilespmem:s6+$0x30] =	vst v1  }
0xc1: {  	[spmem:s2] =	stream.indirect.scatter.add.f32 [tilespmem:s22], [sflag:$0x5], $0x80, s10, s31, $0xb8;
	[tilespmem:$0x1E800] =	vst v63  }
0xc2: {  	s8 =	simm.s32 @!p0 $0x2800;
	s5 =	sadd.s32 @!p0 $0x100, s28;
	s6 =	simm.s32 @!p0 $0x40  }
0xc3: {  	[tilespmem:s8], [sflag:$0x1] =	stream.indirect.gather @!p0 [hbm4b:s7+s6], $0x40, s5, s6, $0xb8;
	[tilespmem:$0x1E800] =	vst v63  }
0xc4: {  	s5 =	simm.s32 @!p1 $0x6  }
0xc5: {  	_ =	swait.ge @!p1 [sflag:s5], $0x2000  }
0xc6: {  	s18 =	sadd.s32 $0x0, s21;
	[sflag:s5] =	ssyncset.done @!p1 $0x0  }
0xc7: {  	v1 =	vmov s18;
	[sflag:s5] =	ssyncadd.s32 @!p1 $0xFFFFE000  }
0xc8: {  	_ =	swait.ge [sflag:s11], $0x1000  }
0xc9: {  	[sflag:s11] =	ssyncset.done $0x0  }
0xca: {  	s20 =	simm.s32 $0x3820;
	[sflag:s11] =	ssyncadd.s32 $0xFFFFF000  }
0xcb: {  	v2 =	vld [tilespmem:s20+$0xFFFFFFE0]  }
0xcc: {  	v1 =	vld.idx.msk [tilespmem:v1+s26+$0x0], $0xffff;
	_ =	sdelay $0x3  }
0xcd: {  	v3 =	vshll.u32 v2, $0x10  }
0xce: {  	v2 =	vand.u32 $0xFFFF0000, v2;
	v3 =	vmul.f32 v3, v1  }
0xcf: {  	s30 =	simm.s32 $0x8840;
	v2 =	vmul.f32 v2, v1  }
0xd0: {  	[tilespmem:s30+$0xFFFFFFC0] =	vst v3  }
0xd1: {  	[tilespmem:s30+$0xFFFFFFD0] =	vst v2  }
0xd2: {  	v2 =	vld [tilespmem:s20+$0xFFFFFFF0];
	_ =	sdelay $0x4  }
0xd3: {  	v3 =	vshll.u32 v2, $0x10  }
0xd4: {  	v2 =	vand.u32 $0xFFFF0000, v2;
	v3 =	vmul.f32 v3, v1  }
0xd5: {  	v2 =	vmul.f32 v2, v1  }
0xd6: {  	[tilespmem:s30+$0xFFFFFFE0] =	vst v3  }
0xd7: {  	[tilespmem:s30+$0xFFFFFFF0] =	vst v2  }
0xd8: {  	v2 =	vld [tilespmem:s20+$0x0];
	_ =	sdelay $0x4  }
0xd9: {  	v3 =	vshll.u32 v2, $0x10  }
0xda: {  	v2 =	vand.u32 $0xFFFF0000, v2;
	v3 =	vmul.f32 v3, v1  }
0xdb: {  	v2 =	vmul.f32 v2, v1  }
0xdc: {  	[tilespmem:s30+$0x0] =	vst v3  }
0xdd: {  	[tilespmem:s30+$0x10] =	vst v2  }
0xde: {  	v2 =	vld [tilespmem:s20+$0x10];
	_ =	sdelay $0x1  }
0xdf: {  	s29 =	sor.u32 $0x1, s1;
	s10 =	simm.s32 $0x2  }
0xe0: {  	s8 =	simm.s32 $0x1;
	s6 =	simm.s32 $0x8840;
	s5 =	simm.s32 $0x3860  }
.LBB2_8:
0xe1: {  	s20 =	sadd.s32 s8, s21  }
0xe2: {  	v3 =	vshll.u32 v2, $0x10;
	v2 =	vand.u32 $0xFFFF0000, v2;
	s30 =	sadd.s32 $0x80, s30;
	s8 =	smov.u32 s10;
	s18 =	sadd.s32 $0x1, s10  }
0xe3: {  	p1 =	sne.s32 s10, $0x3F;
	v4 =	vmov s20;
	v3 =	vmul.f32 v3, v1;
	v1 =	vmul.f32 v2, v1;
	_ =	sdelay $0x1  }
0xe4: {  	[tilespmem:s6+$0x20] =	vst v3  }
0xe5: {  	[tilespmem:s6+$0x30] =	vst v1;
	s6 =	smov.u32 s30  }
0xe6: {  	v2 =	vld [tilespmem:s5+$0xFFFFFFE0]  }
0xe7: {  	v1 =	vld.idx.msk [tilespmem:v4+s26+$0x0], $0xffff;
	_ =	sdelay $0x4  }
0xe8: {  	v3 =	vshll.u32 v2, $0x10;
	v2 =	vand.u32 $0xFFFF0000, v2  }
0xe9: {  	v3 =	vmul.f32 v3, v1;
	v2 =	vmul.f32 v2, v1;
	_ =	sdelay $0x1  }
0xea: {  	[tilespmem:s30+$0xFFFFFFC0] =	vst v3  }
0xeb: {  	[tilespmem:s30+$0xFFFFFFD0] =	vst v2  }
0xec: {  	v2 =	vld [tilespmem:s5+$0xFFFFFFF0];
	_ =	sdelay $0x4  }
0xed: {  	v3 =	vshll.u32 v2, $0x10;
	v2 =	vand.u32 $0xFFFF0000, v2  }
0xee: {  	v3 =	vmul.f32 v3, v1;
	v2 =	vmul.f32 v2, v1;
	_ =	sdelay $0x1  }
0xef: {  	[tilespmem:s30+$0xFFFFFFE0] =	vst v3  }
0xf0: {  	[tilespmem:s30+$0xFFFFFFF0] =	vst v2  }
0xf1: {  	v2 =	vld [tilespmem:s5+$0x0];
	_ =	sdelay $0x4  }
0xf2: {  	v3 =	vshll.u32 v2, $0x10;
	v2 =	vand.u32 $0xFFFF0000, v2  }
0xf3: {  	v3 =	vmul.f32 v3, v1;
	v2 =	vmul.f32 v2, v1;
	_ =	sdelay $0x1  }
0xf4: {  	[tilespmem:s30+$0x0] =	vst v3  }
0xf5: {  	[tilespmem:s30+$0x10] =	vst v2  }
.Ltmp2:
0xf6: {  	v2 =	vld [tilespmem:s5+$0x10];
	(pc) =	sbr.rel @p1 .LBB2_8-.Ltmp2, $2  }
0xf7: {  	_ =	sdelay $0x2  }
0xf8: {  	s10 =	smov.u32 s18;
	s5 =	sadd.s32 $0x40, s5  }
0xf9: {  	s8 =	sadd.s32 s8, s21;
	v3 =	vshll.u32 v2, $0x10  }
0xfa: {  	v2 =	vand.u32 $0xFFFF0000, v2;
	v4 =	vmov s8;
	v3 =	vmul.f32 v3, v1  }
0xfb: {  	v1 =	vmul.f32 v2, v1  }
0xfc: {  	[tilespmem:s6+$0x20] =	vst v3  }
0xfd: {  	[tilespmem:s6+$0x30] =	vst v1  }
0xfe: {  	v1 =	vld [tilespmem:s5+$0xFFFFFFE0]  }
0xff: {  	v2 =	vld.idx.msk [tilespmem:v4+s26+$0x0], $0xffff;
	_ =	sdelay $0x3  }
0x100: {  	v3 =	vshll.u32 v1, $0x10  }
0x101: {  	v1 =	vand.u32 $0xFFFF0000, v1;
	v3 =	vmul.f32 v3, v2  }
0x102: {  	s10 =	sadd.s32 $0x80, s30;
	v1 =	vmul.f32 v1, v2  }
0x103: {  	[tilespmem:s10+$0xFFFFFFC0] =	vst v3  }
0x104: {  	[tilespmem:s10+$0xFFFFFFD0] =	vst v1  }
0x105: {  	v1 =	vld [tilespmem:s5+$0xFFFFFFF0];
	_ =	sdelay $0x4  }
0x106: {  	v3 =	vshll.u32 v1, $0x10  }
0x107: {  	v1 =	vand.u32 $0xFFFF0000, v1;
	v3 =	vmul.f32 v3, v2  }
0x108: {  	v1 =	vmul.f32 v1, v2  }
0x109: {  	[tilespmem:s10+$0xFFFFFFE0] =	vst v3  }
0x10a: {  	[tilespmem:s10+$0xFFFFFFF0] =	vst v1  }
0x10b: {  	v1 =	vld [tilespmem:s5+$0x0];
	_ =	sdelay $0x4  }
0x10c: {  	v3 =	vshll.u32 v1, $0x10  }
0x10d: {  	v1 =	vand.u32 $0xFFFF0000, v1;
	v3 =	vmul.f32 v3, v2  }
0x10e: {  	v1 =	vmul.f32 v1, v2  }
0x10f: {  	[tilespmem:s10+$0x0] =	vst v3  }
0x110: {  	[tilespmem:s10+$0x10] =	vst v1  }
0x111: {  	v1 =	vld [tilespmem:s5+$0x10];
	_ =	sdelay $0x4  }
0x112: {  	v3 =	vshll.u32 v1, $0x10  }
0x113: {  	v1 =	vand.u32 $0xFFFF0000, v1;
	v3 =	vmul.f32 v3, v2  }
0x114: {  	s18 =	sshll.u32 s29, $0x6;
	v1 =	vmul.f32 v1, v2  }
0x115: {  	s5 =	sand.u32 $0x3FFFFFC0, s18;
	[tilespmem:s10+$0x20] =	vst v3  }
0x116: {  	s5 =	sadd.s32 $0xA00, s5;
	[tilespmem:s10+$0x30] =	vst v1  }
0x117: {  	[spmem:s2] =	stream.indirect.scatter.add.f32 [tilespmem:s12], [sflag:$0x6], $0x80, s5, s31, $0xb8;
	[tilespmem:$0x1E800] =	vst v63  }
0x118: {  	s8 =	simm.s32 @!p0 $0x3800;
	s6 =	simm.s32 @!p0 $0x40;
	s5 =	sadd.s32 @!p0 $0x140, s28  }
0x119: {  	[tilespmem:s8], [sflag:$0x2] =	stream.indirect.gather @!p0 [hbm4b:s7+s6], $0x40, s5, s6, $0xb8;
	[tilespmem:$0x1E800] =	vst v63  }
0x11a: {  	_ =	swait.ge [sflag:s13], $0x2000  }
0x11b: {  	s20 =	sadd.s32 $0x0, s25;
	[sflag:s13] =	ssyncset.done $0x0  }
0x11c: {  	v1 =	vmov s20;
	[sflag:s13] =	ssyncadd.s32 $0xFFFFE000  }
0x11d: {  	_ =	swait.ge [sflag:s14], $0x1000  }
0x11e: {  	[sflag:s14] =	ssyncset.done $0x0  }
0x11f: {  	s30 =	simm.s32 $0x4820;
	[sflag:s14] =	ssyncadd.s32 $0xFFFFF000  }
0x120: {  	v2 =	vld [tilespmem:s30+$0xFFFFFFE0]  }
0x121: {  	v1 =	vld.idx.msk [tilespmem:v1+s26+$0x0], $0xffff;
	_ =	sdelay $0x3  }
0x122: {  	v3 =	vshll.u32 v2, $0x10  }
0x123: {  	v2 =	vand.u32 $0xFFFF0000, v2;
	v3 =	vmul.f32 v3, v1  }
0x124: {  	s29 =	simm.s32 $0x6840;
	v2 =	vmul.f32 v2, v1  }
0x125: {  	[tilespmem:s29+$0xFFFFFFC0] =	vst v3  }
0x126: {  	[tilespmem:s29+$0xFFFFFFD0] =	vst v2  }
0x127: {  	v2 =	vld [tilespmem:s30+$0xFFFFFFF0];
	_ =	sdelay $0x4  }
0x128: {  	v3 =	vshll.u32 v2, $0x10  }
0x129: {  	v2 =	vand.u32 $0xFFFF0000, v2;
	v3 =	vmul.f32 v3, v1  }
0x12a: {  	v2 =	vmul.f32 v2, v1  }
0x12b: {  	[tilespmem:s29+$0xFFFFFFE0] =	vst v3  }
0x12c: {  	[tilespmem:s29+$0xFFFFFFF0] =	vst v2  }
0x12d: {  	v2 =	vld [tilespmem:s30+$0x0];
	_ =	sdelay $0x4  }
0x12e: {  	v3 =	vshll.u32 v2, $0x10  }
0x12f: {  	v2 =	vand.u32 $0xFFFF0000, v2;
	v3 =	vmul.f32 v3, v1  }
0x130: {  	v2 =	vmul.f32 v2, v1  }
0x131: {  	[tilespmem:s29+$0x0] =	vst v3  }
0x132: {  	[tilespmem:s29+$0x10] =	vst v2  }
0x133: {  	v2 =	vld [tilespmem:s30+$0x10];
	_ =	sdelay $0x1  }
0x134: {  	s1 =	sor.u32 $0x2, s1;
	s18 =	simm.s32 $0x2  }
0x135: {  	s8 =	simm.s32 $0x1;
	s5 =	simm.s32 $0x4860;
	s6 =	simm.s32 $0x6840  }
.LBB2_10:
0x136: {  	s20 =	sadd.s32 s8, s25  }
0x137: {  	v3 =	vshll.u32 v2, $0x10;
	v2 =	vand.u32 $0xFFFF0000, v2;
	s29 =	sadd.s32 $0x80, s29;
	s8 =	smov.u32 s18;
	s10 =	sadd.s32 $0x1, s18  }
0x138: {  	p1 =	sne.s32 s18, $0x3F;
	v4 =	vmov s20;
	v3 =	vmul.f32 v3, v1;
	v1 =	vmul.f32 v2, v1;
	_ =	sdelay $0x1  }
0x139: {  	[tilespmem:s6+$0x20] =	vst v3  }
0x13a: {  	[tilespmem:s6+$0x30] =	vst v1;
	s6 =	smov.u32 s29  }
0x13b: {  	v2 =	vld [tilespmem:s5+$0xFFFFFFE0]  }
0x13c: {  	v1 =	vld.idx.msk [tilespmem:v4+s26+$0x0], $0xffff;
	_ =	sdelay $0x4  }
0x13d: {  	v3 =	vshll.u32 v2, $0x10;
	v2 =	vand.u32 $0xFFFF0000, v2  }
0x13e: {  	v3 =	vmul.f32 v3, v1;
	v2 =	vmul.f32 v2, v1;
	_ =	sdelay $0x1  }
0x13f: {  	[tilespmem:s29+$0xFFFFFFC0] =	vst v3  }
0x140: {  	[tilespmem:s29+$0xFFFFFFD0] =	vst v2  }
0x141: {  	v2 =	vld [tilespmem:s5+$0xFFFFFFF0];
	_ =	sdelay $0x4  }
0x142: {  	v3 =	vshll.u32 v2, $0x10;
	v2 =	vand.u32 $0xFFFF0000, v2  }
0x143: {  	v3 =	vmul.f32 v3, v1;
	v2 =	vmul.f32 v2, v1;
	_ =	sdelay $0x1  }
0x144: {  	[tilespmem:s29+$0xFFFFFFE0] =	vst v3  }
0x145: {  	[tilespmem:s29+$0xFFFFFFF0] =	vst v2  }
0x146: {  	v2 =	vld [tilespmem:s5+$0x0];
	_ =	sdelay $0x4  }
0x147: {  	v3 =	vshll.u32 v2, $0x10;
	v2 =	vand.u32 $0xFFFF0000, v2  }
0x148: {  	v3 =	vmul.f32 v3, v1;
	v2 =	vmul.f32 v2, v1;
	_ =	sdelay $0x1  }
0x149: {  	[tilespmem:s29+$0x0] =	vst v3  }
0x14a: {  	[tilespmem:s29+$0x10] =	vst v2  }
.Ltmp3:
0x14b: {  	v2 =	vld [tilespmem:s5+$0x10];
	(pc) =	sbr.rel @p1 .LBB2_10-.Ltmp3, $2  }
0x14c: {  	_ =	sdelay $0x2  }
0x14d: {  	s18 =	smov.u32 s10;
	s5 =	sadd.s32 $0x40, s5  }
0x14e: {  	s8 =	sadd.s32 s8, s25;
	v3 =	vshll.u32 v2, $0x10  }
0x14f: {  	v2 =	vand.u32 $0xFFFF0000, v2;
	v4 =	vmov s8;
	v3 =	vmul.f32 v3, v1  }
0x150: {  	v1 =	vmul.f32 v2, v1  }
0x151: {  	[tilespmem:s6+$0x20] =	vst v3  }
0x152: {  	[tilespmem:s6+$0x30] =	vst v1  }
0x153: {  	v1 =	vld [tilespmem:s5+$0xFFFFFFE0]  }
0x154: {  	v2 =	vld.idx.msk [tilespmem:v4+s26+$0x0], $0xffff;
	_ =	sdelay $0x3  }
0x155: {  	v3 =	vshll.u32 v1, $0x10  }
0x156: {  	v1 =	vand.u32 $0xFFFF0000, v1;
	v3 =	vmul.f32 v3, v2  }
0x157: {  	s20 =	sadd.s32 $0x80, s29;
	v1 =	vmul.f32 v1, v2  }
0x158: {  	[tilespmem:s20+$0xFFFFFFC0] =	vst v3  }
0x159: {  	[tilespmem:s20+$0xFFFFFFD0] =	vst v1  }
0x15a: {  	v1 =	vld [tilespmem:s5+$0xFFFFFFF0];
	_ =	sdelay $0x4  }
0x15b: {  	v3 =	vshll.u32 v1, $0x10  }
0x15c: {  	v1 =	vand.u32 $0xFFFF0000, v1;
	v3 =	vmul.f32 v3, v2  }
0x15d: {  	v1 =	vmul.f32 v1, v2  }
0x15e: {  	[tilespmem:s20+$0xFFFFFFE0] =	vst v3  }
0x15f: {  	[tilespmem:s20+$0xFFFFFFF0] =	vst v1  }
0x160: {  	v1 =	vld [tilespmem:s5+$0x0];
	_ =	sdelay $0x4  }
0x161: {  	v3 =	vshll.u32 v1, $0x10  }
0x162: {  	v1 =	vand.u32 $0xFFFF0000, v1;
	v3 =	vmul.f32 v3, v2  }
0x163: {  	v1 =	vmul.f32 v1, v2  }
0x164: {  	[tilespmem:s20+$0x0] =	vst v3  }
0x165: {  	[tilespmem:s20+$0x10] =	vst v1  }
0x166: {  	v1 =	vld [tilespmem:s5+$0x10];
	_ =	sdelay $0x4  }
0x167: {  	v3 =	vshll.u32 v1, $0x10  }
0x168: {  	v1 =	vand.u32 $0xFFFF0000, v1;
	v3 =	vmul.f32 v3, v2  }
0x169: {  	s1 =	sshll.u32 s1, $0x6;
	v1 =	vmul.f32 v1, v2  }
0x16a: {  	s1 =	sand.u32 $0x3FFFFFC0, s1;
	[tilespmem:s20+$0x20] =	vst v3  }
0x16b: {  	s1 =	sadd.s32 $0xA00, s1;
	[tilespmem:s20+$0x30] =	vst v1  }
0x16c: {  	[spmem:s2] =	stream.indirect.scatter.add.f32 [tilespmem:s22], [sflag:$0x5], $0x80, s1, s31, $0xb8;
	[tilespmem:$0x1E800] =	vst v63  }
0x16d: {  	s6 =	simm.s32 @!p0 $0x4800;
	s5 =	simm.s32 @!p0 $0x40;
	s1 =	sadd.s32 @!p0 $0x180, s28  }
0x16e: {  	[tilespmem:s6], [sflag:$0x3] =	stream.indirect.gather @!p0 [hbm4b:s7+s5], $0x40, s1, s5, $0xb8;
	[tilespmem:$0x1E800] =	vst v63  }
0x16f: {  	_ =	swait.ge [sflag:s15], $0x2000  }
0x170: {  	s29 =	sadd.s32 $0x0, s9;
	[sflag:s15] =	ssyncset.done $0x0  }
0x171: {  	v1 =	vmov s29;
	[sflag:s15] =	ssyncadd.s32 $0xFFFFE000  }
0x172: {  	_ =	swait.ge [sflag:s16], $0x1000  }
0x173: {  	[sflag:s16] =	ssyncset.done $0x0  }
0x174: {  	s30 =	simm.s32 $0x5820;
	[sflag:s16] =	ssyncadd.s32 $0xFFFFF000  }
0x175: {  	v2 =	vld [tilespmem:s30+$0xFFFFFFE0]  }
0x176: {  	v1 =	vld.idx.msk [tilespmem:v1+s26+$0x0], $0xffff;
	_ =	sdelay $0x3  }
0x177: {  	v3 =	vshll.u32 v2, $0x10  }
0x178: {  	v2 =	vand.u32 $0xFFFF0000, v2;
	v3 =	vmul.f32 v3, v1  }
0x179: {  	s1 =	simm.s32 $0x8840;
	v2 =	vmul.f32 v2, v1  }
0x17a: {  	[tilespmem:s1+$0xFFFFFFC0] =	vst v3  }
0x17b: {  	[tilespmem:s1+$0xFFFFFFD0] =	vst v2  }
0x17c: {  	v2 =	vld [tilespmem:s30+$0xFFFFFFF0];
	_ =	sdelay $0x4  }
0x17d: {  	v3 =	vshll.u32 v2, $0x10  }
0x17e: {  	v2 =	vand.u32 $0xFFFF0000, v2;
	v3 =	vmul.f32 v3, v1  }
0x17f: {  	v2 =	vmul.f32 v2, v1  }
0x180: {  	[tilespmem:s1+$0xFFFFFFE0] =	vst v3  }
0x181: {  	[tilespmem:s1+$0xFFFFFFF0] =	vst v2  }
0x182: {  	v2 =	vld [tilespmem:s30+$0x0];
	_ =	sdelay $0x4  }
0x183: {  	v3 =	vshll.u32 v2, $0x10  }
0x184: {  	v2 =	vand.u32 $0xFFFF0000, v2;
	v3 =	vmul.f32 v3, v1  }
0x185: {  	v2 =	vmul.f32 v2, v1  }
0x186: {  	[tilespmem:s1+$0x0] =	vst v3  }
0x187: {  	[tilespmem:s1+$0x10] =	vst v2  }
0x188: {  	v2 =	vld [tilespmem:s30+$0x10];
	_ =	sdelay $0x1  }
0x189: {  	s18 =	simm.s32 $0x2  }
0x18a: {  	s8 =	simm.s32 $0x1;
	s5 =	simm.s32 $0x5860;
	s6 =	simm.s32 $0x8840  }
.LBB2_12:
0x18b: {  	s20 =	sadd.s32 s8, s9  }
0x18c: {  	v3 =	vshll.u32 v2, $0x10;
	v2 =	vand.u32 $0xFFFF0000, v2;
	s1 =	sadd.s32 $0x80, s1;
	s8 =	smov.u32 s18;
	s10 =	sadd.s32 $0x1, s18  }
0x18d: {  	p0 =	sne.s32 s18, $0x3F;
	v4 =	vmov s20;
	v3 =	vmul.f32 v3, v1;
	v1 =	vmul.f32 v2, v1;
	_ =	sdelay $0x1  }
0x18e: {  	[tilespmem:s6+$0x20] =	vst v3  }
0x18f: {  	[tilespmem:s6+$0x30] =	vst v1;
	s6 =	smov.u32 s1  }
0x190: {  	v2 =	vld [tilespmem:s5+$0xFFFFFFE0]  }
0x191: {  	v1 =	vld.idx.msk [tilespmem:v4+s26+$0x0], $0xffff;
	_ =	sdelay $0x4  }
0x192: {  	v3 =	vshll.u32 v2, $0x10;
	v2 =	vand.u32 $0xFFFF0000, v2  }
0x193: {  	v3 =	vmul.f32 v3, v1;
	v2 =	vmul.f32 v2, v1;
	_ =	sdelay $0x1  }
0x194: {  	[tilespmem:s1+$0xFFFFFFC0] =	vst v3  }
0x195: {  	[tilespmem:s1+$0xFFFFFFD0] =	vst v2  }
0x196: {  	v2 =	vld [tilespmem:s5+$0xFFFFFFF0];
	_ =	sdelay $0x4  }
0x197: {  	v3 =	vshll.u32 v2, $0x10;
	v2 =	vand.u32 $0xFFFF0000, v2  }
0x198: {  	v3 =	vmul.f32 v3, v1;
	v2 =	vmul.f32 v2, v1;
	_ =	sdelay $0x1  }
0x199: {  	[tilespmem:s1+$0xFFFFFFE0] =	vst v3  }
0x19a: {  	[tilespmem:s1+$0xFFFFFFF0] =	vst v2  }
0x19b: {  	v2 =	vld [tilespmem:s5+$0x0];
	_ =	sdelay $0x4  }
0x19c: {  	v3 =	vshll.u32 v2, $0x10;
	v2 =	vand.u32 $0xFFFF0000, v2  }
0x19d: {  	v3 =	vmul.f32 v3, v1;
	v2 =	vmul.f32 v2, v1;
	_ =	sdelay $0x1  }
0x19e: {  	[tilespmem:s1+$0x0] =	vst v3  }
0x19f: {  	[tilespmem:s1+$0x10] =	vst v2  }
.Ltmp4:
0x1a0: {  	v2 =	vld [tilespmem:s5+$0x10];
	(pc) =	sbr.rel @p0 .LBB2_12-.Ltmp4, $2  }
0x1a1: {  	_ =	sdelay $0x2  }
0x1a2: {  	s18 =	smov.u32 s10;
	s5 =	sadd.s32 $0x40, s5  }
0x1a3: {  	s8 =	sadd.s32 s8, s9;
	v3 =	vshll.u32 v2, $0x10  }
0x1a4: {  	v2 =	vand.u32 $0xFFFF0000, v2;
	v4 =	vmov s8;
	v3 =	vmul.f32 v3, v1  }
0x1a5: {  	v1 =	vmul.f32 v2, v1  }
0x1a6: {  	[tilespmem:s6+$0x20] =	vst v3  }
0x1a7: {  	[tilespmem:s6+$0x30] =	vst v1  }
0x1a8: {  	v1 =	vld [tilespmem:s5+$0xFFFFFFE0]  }
0x1a9: {  	v2 =	vld.idx.msk [tilespmem:v4+s26+$0x0], $0xffff;
	_ =	sdelay $0x3  }
0x1aa: {  	v3 =	vshll.u32 v1, $0x10  }
0x1ab: {  	v1 =	vand.u32 $0xFFFF0000, v1;
	v3 =	vmul.f32 v3, v2  }
0x1ac: {  	s1 =	sadd.s32 $0x80, s1;
	v1 =	vmul.f32 v1, v2  }
0x1ad: {  	[tilespmem:s1+$0xFFFFFFC0] =	vst v3  }
0x1ae: {  	[tilespmem:s1+$0xFFFFFFD0] =	vst v1  }
0x1af: {  	v1 =	vld [tilespmem:s5+$0xFFFFFFF0];
	_ =	sdelay $0x4  }
0x1b0: {  	v3 =	vshll.u32 v1, $0x10  }
0x1b1: {  	v1 =	vand.u32 $0xFFFF0000, v1;
	v3 =	vmul.f32 v3, v2  }
0x1b2: {  	v1 =	vmul.f32 v1, v2  }
0x1b3: {  	[tilespmem:s1+$0xFFFFFFE0] =	vst v3  }
0x1b4: {  	[tilespmem:s1+$0xFFFFFFF0] =	vst v1  }
0x1b5: {  	v1 =	vld [tilespmem:s5+$0x0];
	_ =	sdelay $0x4  }
0x1b6: {  	v3 =	vshll.u32 v1, $0x10  }
0x1b7: {  	v1 =	vand.u32 $0xFFFF0000, v1;
	v3 =	vmul.f32 v3, v2  }
0x1b8: {  	v1 =	vmul.f32 v1, v2  }
0x1b9: {  	[tilespmem:s1+$0x0] =	vst v3  }
0x1ba: {  	[tilespmem:s1+$0x10] =	vst v1  }
0x1bb: {  	v1 =	vld [tilespmem:s5+$0x10];
	_ =	sdelay $0x3  }
0x1bc: {  	s24 =	sadd.s32 $0x1, s24  }
0x1bd: {  	p0 =	sne.s32 s24, $0xA;
	v3 =	vshll.u32 v1, $0x10  }
.Ltmp5:
0x1be: {  	v1 =	vand.u32 $0xFFFF0000, v1;
	v3 =	vmul.f32 v3, v2;
	(pc) =	sbr.rel @p0 .LBB2_5-.Ltmp5, $4  }
0x1bf: {  	v1 =	vmul.f32 v1, v2  }
0x1c0: {  	s29 =	sshra.s32 s17, $0x2;
	s4 =	sadd.s32 $0x100, s4;
	s21 =	sadd.s32 $0x100, s21;
	[tilespmem:s1+$0x20] =	vst v3  }
0x1c1: {  	s25 =	sadd.s32 $0x100, s25;
	s9 =	sadd.s32 $0x100, s9;
	s30 =	sadd.s32 $0xA00, s29;
	[tilespmem:s1+$0x30] =	vst v1  }
0x1c2: {  	[spmem:s2] =	stream.indirect.scatter.add.f32 [tilespmem:s12], [sflag:$0x6], $0x80, s30, s31, $0xb8;
	[tilespmem:$0x1E800] =	vst v63  }
0x1c3: {  	s1 =	rddreg [dreg:$0x16]  }
0x1c4: {  	s4 =	rddreg [dreg:$0x7];
	s1 =	sadd.s32 $0xA00, s1  }
0x1c5: {  	s4 =	sadd.s32 s4, s1  }
0x1c6: {  	s5 =	rddreg [dreg:$0x5];
	s4 =	sshrl.u32 s4, $0x3  }
0x1c7: {  	s20 =	simm.s32 $0x0;
	s5 =	sadd.s32 s5, s4  }
0x1c8: {  	[tilespmem:s20], [sflag:$0x7] =	stream.linear.gather [hbm4b:s5+s20], $0xA00, $0x38;
	[tilespmem:$0x1E800] =	vst v63  }
0x1c9: {  	_ =	swait.ge [sflag:s23], $0xA00  }
0x1ca: {  	[sflag:s23] =	ssyncset.done $0x0;
	s18 =	rddreg [dreg:$0x6]  }
0x1cb: {  	s21 =	simm.s32 $0x1400;
	[sflag:s23] =	ssyncadd.s32 $0xFFFFF600;
	s4 =	sadd.s32 s18, s4  }
0x1cc: {  	[tilespmem:s21], [sflag:$0x7] =	stream.linear.gather [hbm4b:s4+s20], $0xA00, $0x38;
	[tilespmem:$0x1E800] =	vst v63  }
0x1cd: {  	_ =	swait.ge [sflag:s23], $0xA00  }
0x1ce: {  	s24 =	rddreg [dreg:$0x9];
	[sflag:s23] =	ssyncset.done $0x0  }
0x1cf: {  	s1 =	sadd.s32 s24, s1;
	[sflag:s23] =	ssyncadd.s32 $0xFFFFF600  }
0x1d0: {  	s1 =	sshrl.u32 s1, $0x3;
	s25 =	rddreg [dreg:$0x1]  }
0x1d1: {  	s1 =	sadd.s32 s25, s1  }
0x1d2: {  	[tilespmem:s26], [sflag:$0x7] =	stream.linear.gather [hbm4b:s1+s20], $0xA00, $0x38;
	[tilespmem:$0x1E800] =	vst v63  }
0x1d3: {  	_ =	swait.ge [sflag:s23], $0xA00  }
0x1d4: {  	[sflag:s23] =	ssyncset.done $0x0  }
0x1d5: {  	s9 =	simm.s32 $0x40;
	s28 =	simm.s32 $0x2800;
	[sflag:s23] =	ssyncadd.s32 $0xFFFFF600  }
0x1d6: {  	[tilespmem:s28], [sflag:$0x1] =	stream.indirect.gather [hbm4b:s7+s9], $0x40, s20, s9, $0xb8;
	[tilespmem:$0x1E800] =	vst v63  }
0x1d7: {  	s29 =	simm.s32 $0x3800;
	s30 =	simm.s32 $0x4800  }
0x1d8: {  	[tilespmem:s29], [sflag:$0x2] =	stream.indirect.gather [hbm4b:s7+s9], $0x40, s9, s9, $0xb8;
	[tilespmem:$0x1E800] =	vst v63  }
0x1d9: {  	s4 =	simm.s32 $0x80;
	s21 =	simm.s32 $0xC0;
	s24 =	simm.s32 $0x0  }
0x1da: {  	[tilespmem:s30], [sflag:$0x3] =	stream.indirect.gather [hbm4b:s7+s9], $0x40, s4, s9, $0xb8;
	[tilespmem:$0x1E800] =	vst v63  }
.LBB2_15:
0x1db: {  	s25 =	sshll.u32 s24, $0xA  }
0x1dc: {  	s17 =	sor.u32 $0x300, s25  }
0x1dd: {  	s1 =	sshrl.u32 s17, $0x2  }
0x1de: {  	[tilespmem:s0], [sflag:$0x4] =	stream.indirect.gather [hbm4b:s7+s31], $0x40, s1, s31, $0xb8;
	[tilespmem:$0x1E800] =	vst v63  }
0x1df: {  	_ =	swait.ge [sflag:s13], $0x2000  }
0x1e0: {  	s30 =	sadd.s32 $0x0, s20;
	[sflag:s13] =	ssyncset.done $0x0  }
0x1e1: {  	v1 =	vmov s30;
	[sflag:s13] =	ssyncadd.s32 $0xFFFFE000  }
0x1e2: {  	_ =	swait.ge [sflag:s3], $0x1000  }
0x1e3: {  	[sflag:s3] =	ssyncset.done $0x0  }
0x1e4: {  	s5 =	simm.s32 $0x2820;
	[sflag:s3] =	ssyncadd.s32 $0xFFFFF000  }
0x1e5: {  	v2 =	vld [tilespmem:s5+$0xFFFFFFE0]  }
0x1e6: {  	v1 =	vld.idx.msk [tilespmem:v1+s26+$0x0], $0xffff;
	_ =	sdelay $0x3  }
0x1e7: {  	v3 =	vshll.u32 v2, $0x10  }
0x1e8: {  	v2 =	vand.u32 $0xFFFF0000, v2;
	v3 =	vmul.f32 v3, v1  }
0x1e9: {  	s28 =	simm.s32 $0x6840;
	v2 =	vmul.f32 v2, v1  }
0x1ea: {  	[tilespmem:s28+$0xFFFFFFC0] =	vst v3  }
0x1eb: {  	[tilespmem:s28+$0xFFFFFFD0] =	vst v2  }
0x1ec: {  	v2 =	vld [tilespmem:s5+$0xFFFFFFF0];
	_ =	sdelay $0x4  }
0x1ed: {  	v3 =	vshll.u32 v2, $0x10  }
0x1ee: {  	v2 =	vand.u32 $0xFFFF0000, v2;
	v3 =	vmul.f32 v3, v1  }
0x1ef: {  	v2 =	vmul.f32 v2, v1  }
0x1f0: {  	[tilespmem:s28+$0xFFFFFFE0] =	vst v3  }
0x1f1: {  	[tilespmem:s28+$0xFFFFFFF0] =	vst v2  }
0x1f2: {  	v2 =	vld [tilespmem:s5+$0x0];
	_ =	sdelay $0x4  }
0x1f3: {  	v3 =	vshll.u32 v2, $0x10  }
0x1f4: {  	v2 =	vand.u32 $0xFFFF0000, v2;
	v3 =	vmul.f32 v3, v1  }
0x1f5: {  	v2 =	vmul.f32 v2, v1  }
0x1f6: {  	[tilespmem:s28+$0x0] =	vst v3  }
0x1f7: {  	[tilespmem:s28+$0x10] =	vst v2  }
0x1f8: {  	v2 =	vld [tilespmem:s5+$0x10];
	_ =	sdelay $0x1  }
0x1f9: {  	s8 =	simm.s32 $0x1;
	s18 =	simm.s32 $0x2  }
0x1fa: {  	s6 =	simm.s32 $0x6840;
	s1 =	sshll.u32 s24, $0x2;
	s5 =	simm.s32 $0x2860  }
.LBB2_16:
0x1fb: {  	s29 =	sadd.s32 s8, s20  }
0x1fc: {  	v3 =	vshll.u32 v2, $0x10;
	v2 =	vand.u32 $0xFFFF0000, v2;
	s28 =	sadd.s32 $0x80, s28;
	s8 =	smov.u32 s18;
	s10 =	sadd.s32 $0x1, s18  }
0x1fd: {  	p0 =	sne.s32 s18, $0x3F;
	v4 =	vmov s29;
	v3 =	vmul.f32 v3, v1;
	v1 =	vmul.f32 v2, v1;
	_ =	sdelay $0x1  }
0x1fe: {  	[tilespmem:s6+$0x20] =	vst v3  }
0x1ff: {  	[tilespmem:s6+$0x30] =	vst v1;
	s6 =	smov.u32 s28  }
0x200: {  	v2 =	vld [tilespmem:s5+$0xFFFFFFE0]  }
0x201: {  	v1 =	vld.idx.msk [tilespmem:v4+s26+$0x0], $0xffff;
	_ =	sdelay $0x4  }
0x202: {  	v3 =	vshll.u32 v2, $0x10;
	v2 =	vand.u32 $0xFFFF0000, v2  }
0x203: {  	v3 =	vmul.f32 v3, v1;
	v2 =	vmul.f32 v2, v1;
	_ =	sdelay $0x1  }
0x204: {  	[tilespmem:s28+$0xFFFFFFC0] =	vst v3  }
0x205: {  	[tilespmem:s28+$0xFFFFFFD0] =	vst v2  }
0x206: {  	v2 =	vld [tilespmem:s5+$0xFFFFFFF0];
	_ =	sdelay $0x4  }
0x207: {  	v3 =	vshll.u32 v2, $0x10;
	v2 =	vand.u32 $0xFFFF0000, v2  }
0x208: {  	v3 =	vmul.f32 v3, v1;
	v2 =	vmul.f32 v2, v1;
	_ =	sdelay $0x1  }
0x209: {  	[tilespmem:s28+$0xFFFFFFE0] =	vst v3  }
0x20a: {  	[tilespmem:s28+$0xFFFFFFF0] =	vst v2  }
0x20b: {  	v2 =	vld [tilespmem:s5+$0x0];
	_ =	sdelay $0x4  }
0x20c: {  	v3 =	vshll.u32 v2, $0x10;
	v2 =	vand.u32 $0xFFFF0000, v2  }
0x20d: {  	v3 =	vmul.f32 v3, v1;
	v2 =	vmul.f32 v2, v1;
	_ =	sdelay $0x1  }
0x20e: {  	[tilespmem:s28+$0x0] =	vst v3  }
0x20f: {  	[tilespmem:s28+$0x10] =	vst v2  }
.Ltmp6:
0x210: {  	v2 =	vld [tilespmem:s5+$0x10];
	(pc) =	sbr.rel @p0 .LBB2_16-.Ltmp6, $2  }
0x211: {  	_ =	sdelay $0x2  }
0x212: {  	s18 =	smov.u32 s10;
	s5 =	sadd.s32 $0x40, s5  }
0x213: {  	s8 =	sadd.s32 s8, s20;
	v3 =	vshll.u32 v2, $0x10  }
0x214: {  	v2 =	vand.u32 $0xFFFF0000, v2;
	v4 =	vmov s8;
	v3 =	vmul.f32 v3, v1  }
0x215: {  	v1 =	vmul.f32 v2, v1  }
0x216: {  	[tilespmem:s6+$0x20] =	vst v3  }
0x217: {  	[tilespmem:s6+$0x30] =	vst v1  }
0x218: {  	v1 =	vld [tilespmem:s5+$0xFFFFFFE0]  }
0x219: {  	v2 =	vld.idx.msk [tilespmem:v4+s26+$0x0], $0xffff;
	_ =	sdelay $0x3  }
0x21a: {  	v3 =	vshll.u32 v1, $0x10  }
0x21b: {  	v1 =	vand.u32 $0xFFFF0000, v1;
	v3 =	vmul.f32 v3, v2  }
0x21c: {  	s8 =	sadd.s32 $0x80, s28;
	v1 =	vmul.f32 v1, v2  }
0x21d: {  	[tilespmem:s8+$0xFFFFFFC0] =	vst v3  }
0x21e: {  	[tilespmem:s8+$0xFFFFFFD0] =	vst v1  }
0x21f: {  	v1 =	vld [tilespmem:s5+$0xFFFFFFF0];
	_ =	sdelay $0x4  }
0x220: {  	v3 =	vshll.u32 v1, $0x10  }
0x221: {  	v1 =	vand.u32 $0xFFFF0000, v1;
	v3 =	vmul.f32 v3, v2  }
0x222: {  	v1 =	vmul.f32 v1, v2  }
0x223: {  	[tilespmem:s8+$0xFFFFFFE0] =	vst v3  }
0x224: {  	[tilespmem:s8+$0xFFFFFFF0] =	vst v1  }
0x225: {  	v1 =	vld [tilespmem:s5+$0x0];
	_ =	sdelay $0x4  }
0x226: {  	v3 =	vshll.u32 v1, $0x10  }
0x227: {  	v1 =	vand.u32 $0xFFFF0000, v1;
	v3 =	vmul.f32 v3, v2  }
0x228: {  	v1 =	vmul.f32 v1, v2  }
0x229: {  	[tilespmem:s8+$0x0] =	vst v3  }
0x22a: {  	[tilespmem:s8+$0x10] =	vst v1  }
0x22b: {  	v1 =	vld [tilespmem:s5+$0x10];
	_ =	sdelay $0x4  }
0x22c: {  	v3 =	vshll.u32 v1, $0x10  }
0x22d: {  	v1 =	vand.u32 $0xFFFF0000, v1;
	v3 =	vmul.f32 v3, v2  }
0x22e: {  	v1 =	vmul.f32 v1, v2  }
0x22f: {  	s10 =	sshrl.u32 s25, $0x2;
	p0 =	seq.s32 s24, $0x9;
	[tilespmem:s8+$0x20] =	vst v3  }
0x230: {  	s25 =	sshrl.u32 @!p0 s25, $0x2;
	s5 =	sadd.s32 $0x1400, s10;
	[tilespmem:s8+$0x30] =	vst v1  }
0x231: {  	[spmem:s2] =	stream.indirect.scatter.add.f32 [tilespmem:s22], [sflag:$0x5], $0x80, s5, s31, $0xb8;
	[tilespmem:$0x1E800] =	vst v63  }
0x232: {  	s6 =	simm.s32 @!p0 $0x40;
	s8 =	simm.s32 @!p0 $0x2800;
	s5 =	sadd.s32 @!p0 $0x100, s25  }
0x233: {  	[tilespmem:s8], [sflag:$0x1] =	stream.indirect.gather @!p0 [hbm4b:s7+s6], $0x40, s5, s6, $0xb8;
	[tilespmem:$0x1E800] =	vst v63  }
0x234: {  	_ =	swait.ge [sflag:s15], $0x2000  }
0x235: {  	s18 =	sadd.s32 $0x0, s9;
	[sflag:s15] =	ssyncset.done $0x0  }
0x236: {  	v1 =	vmov s18;
	[sflag:s15] =	ssyncadd.s32 $0xFFFFE000  }
0x237: {  	_ =	swait.ge [sflag:s11], $0x1000  }
0x238: {  	[sflag:s11] =	ssyncset.done $0x0  }
0x239: {  	s30 =	simm.s32 $0x3820;
	[sflag:s11] =	ssyncadd.s32 $0xFFFFF000  }
0x23a: {  	v2 =	vld [tilespmem:s30+$0xFFFFFFE0]  }
0x23b: {  	v1 =	vld.idx.msk [tilespmem:v1+s26+$0x0], $0xffff;
	_ =	sdelay $0x3  }
0x23c: {  	v3 =	vshll.u32 v2, $0x10  }
0x23d: {  	v2 =	vand.u32 $0xFFFF0000, v2;
	v3 =	vmul.f32 v3, v1  }
0x23e: {  	s29 =	simm.s32 $0x8840;
	v2 =	vmul.f32 v2, v1  }
0x23f: {  	[tilespmem:s29+$0xFFFFFFC0] =	vst v3  }
0x240: {  	[tilespmem:s29+$0xFFFFFFD0] =	vst v2  }
0x241: {  	v2 =	vld [tilespmem:s30+$0xFFFFFFF0];
	_ =	sdelay $0x4  }
0x242: {  	v3 =	vshll.u32 v2, $0x10  }
0x243: {  	v2 =	vand.u32 $0xFFFF0000, v2;
	v3 =	vmul.f32 v3, v1  }
0x244: {  	v2 =	vmul.f32 v2, v1  }
0x245: {  	[tilespmem:s29+$0xFFFFFFE0] =	vst v3  }
0x246: {  	[tilespmem:s29+$0xFFFFFFF0] =	vst v2  }
0x247: {  	v2 =	vld [tilespmem:s30+$0x0];
	_ =	sdelay $0x4  }
0x248: {  	v3 =	vshll.u32 v2, $0x10  }
0x249: {  	v2 =	vand.u32 $0xFFFF0000, v2;
	v3 =	vmul.f32 v3, v1  }
0x24a: {  	v2 =	vmul.f32 v2, v1  }
0x24b: {  	[tilespmem:s29+$0x0] =	vst v3  }
0x24c: {  	[tilespmem:s29+$0x10] =	vst v2  }
0x24d: {  	v2 =	vld [tilespmem:s30+$0x10];
	_ =	sdelay $0x1  }
0x24e: {  	s28 =	sor.u32 $0x1, s1;
	s18 =	simm.s32 $0x2  }
0x24f: {  	s8 =	simm.s32 $0x1;
	s5 =	simm.s32 $0x3860;
	s6 =	simm.s32 $0x8840  }
.LBB2_18:
0x250: {  	s30 =	sadd.s32 s8, s9  }
0x251: {  	v3 =	vshll.u32 v2, $0x10;
	v2 =	vand.u32 $0xFFFF0000, v2;
	s29 =	sadd.s32 $0x80, s29;
	s8 =	smov.u32 s18;
	s10 =	sadd.s32 $0x1, s18  }
0x252: {  	p1 =	sne.s32 s18, $0x3F;
	v4 =	vmov s30;
	v3 =	vmul.f32 v3, v1;
	v1 =	vmul.f32 v2, v1;
	_ =	sdelay $0x1  }
0x253: {  	[tilespmem:s6+$0x20] =	vst v3  }
0x254: {  	[tilespmem:s6+$0x30] =	vst v1;
	s6 =	smov.u32 s29  }
0x255: {  	v2 =	vld [tilespmem:s5+$0xFFFFFFE0]  }
0x256: {  	v1 =	vld.idx.msk [tilespmem:v4+s26+$0x0], $0xffff;
	_ =	sdelay $0x4  }
0x257: {  	v3 =	vshll.u32 v2, $0x10;
	v2 =	vand.u32 $0xFFFF0000, v2  }
0x258: {  	v3 =	vmul.f32 v3, v1;
	v2 =	vmul.f32 v2, v1;
	_ =	sdelay $0x1  }
0x259: {  	[tilespmem:s29+$0xFFFFFFC0] =	vst v3  }
0x25a: {  	[tilespmem:s29+$0xFFFFFFD0] =	vst v2  }
0x25b: {  	v2 =	vld [tilespmem:s5+$0xFFFFFFF0];
	_ =	sdelay $0x4  }
0x25c: {  	v3 =	vshll.u32 v2, $0x10;
	v2 =	vand.u32 $0xFFFF0000, v2  }
0x25d: {  	v3 =	vmul.f32 v3, v1;
	v2 =	vmul.f32 v2, v1;
	_ =	sdelay $0x1  }
0x25e: {  	[tilespmem:s29+$0xFFFFFFE0] =	vst v3  }
0x25f: {  	[tilespmem:s29+$0xFFFFFFF0] =	vst v2  }
0x260: {  	v2 =	vld [tilespmem:s5+$0x0];
	_ =	sdelay $0x4  }
0x261: {  	v3 =	vshll.u32 v2, $0x10;
	v2 =	vand.u32 $0xFFFF0000, v2  }
0x262: {  	v3 =	vmul.f32 v3, v1;
	v2 =	vmul.f32 v2, v1;
	_ =	sdelay $0x1  }
0x263: {  	[tilespmem:s29+$0x0] =	vst v3  }
0x264: {  	[tilespmem:s29+$0x10] =	vst v2  }
.Ltmp7:
0x265: {  	v2 =	vld [tilespmem:s5+$0x10];
	(pc) =	sbr.rel @p1 .LBB2_18-.Ltmp7, $2  }
0x266: {  	_ =	sdelay $0x2  }
0x267: {  	s18 =	smov.u32 s10;
	s5 =	sadd.s32 $0x40, s5  }
0x268: {  	s8 =	sadd.s32 s8, s9;
	v3 =	vshll.u32 v2, $0x10  }
0x269: {  	v2 =	vand.u32 $0xFFFF0000, v2;
	v4 =	vmov s8;
	v3 =	vmul.f32 v3, v1  }
0x26a: {  	v1 =	vmul.f32 v2, v1  }
0x26b: {  	[tilespmem:s6+$0x20] =	vst v3  }
0x26c: {  	[tilespmem:s6+$0x30] =	vst v1  }
0x26d: {  	v1 =	vld [tilespmem:s5+$0xFFFFFFE0]  }
0x26e: {  	v2 =	vld.idx.msk [tilespmem:v4+s26+$0x0], $0xffff;
	_ =	sdelay $0x3  }
0x26f: {  	v3 =	vshll.u32 v1, $0x10  }
0x270: {  	v1 =	vand.u32 $0xFFFF0000, v1;
	v3 =	vmul.f32 v3, v2  }
0x271: {  	s10 =	sadd.s32 $0x80, s29;
	v1 =	vmul.f32 v1, v2  }
0x272: {  	[tilespmem:s10+$0xFFFFFFC0] =	vst v3  }
0x273: {  	[tilespmem:s10+$0xFFFFFFD0] =	vst v1  }
0x274: {  	v1 =	vld [tilespmem:s5+$0xFFFFFFF0];
	_ =	sdelay $0x4  }
0x275: {  	v3 =	vshll.u32 v1, $0x10  }
0x276: {  	v1 =	vand.u32 $0xFFFF0000, v1;
	v3 =	vmul.f32 v3, v2  }
0x277: {  	v1 =	vmul.f32 v1, v2  }
0x278: {  	[tilespmem:s10+$0xFFFFFFE0] =	vst v3  }
0x279: {  	[tilespmem:s10+$0xFFFFFFF0] =	vst v1  }
0x27a: {  	v1 =	vld [tilespmem:s5+$0x0];
	_ =	sdelay $0x4  }
0x27b: {  	v3 =	vshll.u32 v1, $0x10  }
0x27c: {  	v1 =	vand.u32 $0xFFFF0000, v1;
	v3 =	vmul.f32 v3, v2  }
0x27d: {  	v1 =	vmul.f32 v1, v2  }
0x27e: {  	[tilespmem:s10+$0x0] =	vst v3  }
0x27f: {  	[tilespmem:s10+$0x10] =	vst v1  }
0x280: {  	v1 =	vld [tilespmem:s5+$0x10];
	_ =	sdelay $0x4  }
0x281: {  	v3 =	vshll.u32 v1, $0x10  }
0x282: {  	v1 =	vand.u32 $0xFFFF0000, v1;
	v3 =	vmul.f32 v3, v2  }
0x283: {  	s18 =	sshll.u32 s28, $0x6;
	v1 =	vmul.f32 v1, v2  }
0x284: {  	s5 =	sand.u32 $0x3FFFFFC0, s18;
	[tilespmem:s10+$0x20] =	vst v3  }
0x285: {  	s5 =	sadd.s32 $0x1400, s5;
	[tilespmem:s10+$0x30] =	vst v1  }
0x286: {  	[spmem:s2] =	stream.indirect.scatter.add.f32 [tilespmem:s12], [sflag:$0x6], $0x80, s5, s31, $0xb8;
	[tilespmem:$0x1E800] =	vst v63  }
0x287: {  	s8 =	simm.s32 @!p0 $0x3800;
	s6 =	simm.s32 @!p0 $0x40;
	s5 =	sadd.s32 @!p0 $0x140, s25  }
0x288: {  	[tilespmem:s8], [sflag:$0x2] =	stream.indirect.gather @!p0 [hbm4b:s7+s6], $0x40, s5, s6, $0xb8;
	[tilespmem:$0x1E800] =	vst v63  }
0x289: {  	_ =	swait.ge [sflag:s13], $0x2000  }
0x28a: {  	s29 =	sadd.s32 $0x0, s4;
	[sflag:s13] =	ssyncset.done $0x0  }
0x28b: {  	v1 =	vmov s29;
	[sflag:s13] =	ssyncadd.s32 $0xFFFFE000  }
0x28c: {  	_ =	swait.ge [sflag:s14], $0x1000  }
0x28d: {  	[sflag:s14] =	ssyncset.done $0x0  }
0x28e: {  	s30 =	simm.s32 $0x4820;
	[sflag:s14] =	ssyncadd.s32 $0xFFFFF000  }
0x28f: {  	v2 =	vld [tilespmem:s30+$0xFFFFFFE0]  }
0x290: {  	v1 =	vld.idx.msk [tilespmem:v1+s26+$0x0], $0xffff;
	_ =	sdelay $0x3  }
0x291: {  	v3 =	vshll.u32 v2, $0x10  }
0x292: {  	v2 =	vand.u32 $0xFFFF0000, v2;
	v3 =	vmul.f32 v3, v1  }
0x293: {  	s28 =	simm.s32 $0x6840;
	v2 =	vmul.f32 v2, v1  }
0x294: {  	[tilespmem:s28+$0xFFFFFFC0] =	vst v3  }
0x295: {  	[tilespmem:s28+$0xFFFFFFD0] =	vst v2  }
0x296: {  	v2 =	vld [tilespmem:s30+$0xFFFFFFF0];
	_ =	sdelay $0x4  }
0x297: {  	v3 =	vshll.u32 v2, $0x10  }
0x298: {  	v2 =	vand.u32 $0xFFFF0000, v2;
	v3 =	vmul.f32 v3, v1  }
0x299: {  	v2 =	vmul.f32 v2, v1  }
0x29a: {  	[tilespmem:s28+$0xFFFFFFE0] =	vst v3  }
0x29b: {  	[tilespmem:s28+$0xFFFFFFF0] =	vst v2  }
0x29c: {  	v2 =	vld [tilespmem:s30+$0x0];
	_ =	sdelay $0x4  }
0x29d: {  	v3 =	vshll.u32 v2, $0x10  }
0x29e: {  	v2 =	vand.u32 $0xFFFF0000, v2;
	v3 =	vmul.f32 v3, v1  }
0x29f: {  	v2 =	vmul.f32 v2, v1  }
0x2a0: {  	[tilespmem:s28+$0x0] =	vst v3  }
0x2a1: {  	[tilespmem:s28+$0x10] =	vst v2  }
0x2a2: {  	v2 =	vld [tilespmem:s30+$0x10];
	_ =	sdelay $0x1  }
0x2a3: {  	s1 =	sor.u32 $0x2, s1;
	s18 =	simm.s32 $0x2  }
0x2a4: {  	s8 =	simm.s32 $0x1;
	s5 =	simm.s32 $0x4860;
	s6 =	simm.s32 $0x6840  }
.LBB2_20:
0x2a5: {  	s29 =	sadd.s32 s8, s4  }
0x2a6: {  	v3 =	vshll.u32 v2, $0x10;
	v2 =	vand.u32 $0xFFFF0000, v2;
	s28 =	sadd.s32 $0x80, s28;
	s8 =	smov.u32 s18;
	s10 =	sadd.s32 $0x1, s18  }
0x2a7: {  	p1 =	sne.s32 s18, $0x3F;
	v4 =	vmov s29;
	v3 =	vmul.f32 v3, v1;
	v1 =	vmul.f32 v2, v1;
	_ =	sdelay $0x1  }
0x2a8: {  	[tilespmem:s6+$0x20] =	vst v3  }
0x2a9: {  	[tilespmem:s6+$0x30] =	vst v1;
	s6 =	smov.u32 s28  }
0x2aa: {  	v2 =	vld [tilespmem:s5+$0xFFFFFFE0]  }
0x2ab: {  	v1 =	vld.idx.msk [tilespmem:v4+s26+$0x0], $0xffff;
	_ =	sdelay $0x4  }
0x2ac: {  	v3 =	vshll.u32 v2, $0x10;
	v2 =	vand.u32 $0xFFFF0000, v2  }
0x2ad: {  	v3 =	vmul.f32 v3, v1;
	v2 =	vmul.f32 v2, v1;
	_ =	sdelay $0x1  }
0x2ae: {  	[tilespmem:s28+$0xFFFFFFC0] =	vst v3  }
0x2af: {  	[tilespmem:s28+$0xFFFFFFD0] =	vst v2  }
0x2b0: {  	v2 =	vld [tilespmem:s5+$0xFFFFFFF0];
	_ =	sdelay $0x4  }
0x2b1: {  	v3 =	vshll.u32 v2, $0x10;
	v2 =	vand.u32 $0xFFFF0000, v2  }
0x2b2: {  	v3 =	vmul.f32 v3, v1;
	v2 =	vmul.f32 v2, v1;
	_ =	sdelay $0x1  }
0x2b3: {  	[tilespmem:s28+$0xFFFFFFE0] =	vst v3  }
0x2b4: {  	[tilespmem:s28+$0xFFFFFFF0] =	vst v2  }
0x2b5: {  	v2 =	vld [tilespmem:s5+$0x0];
	_ =	sdelay $0x4  }
0x2b6: {  	v3 =	vshll.u32 v2, $0x10;
	v2 =	vand.u32 $0xFFFF0000, v2  }
0x2b7: {  	v3 =	vmul.f32 v3, v1;
	v2 =	vmul.f32 v2, v1;
	_ =	sdelay $0x1  }
0x2b8: {  	[tilespmem:s28+$0x0] =	vst v3  }
0x2b9: {  	[tilespmem:s28+$0x10] =	vst v2  }
.Ltmp8:
0x2ba: {  	v2 =	vld [tilespmem:s5+$0x10];
	(pc) =	sbr.rel @p1 .LBB2_20-.Ltmp8, $2  }
0x2bb: {  	_ =	sdelay $0x2  }
0x2bc: {  	s18 =	smov.u32 s10;
	s5 =	sadd.s32 $0x40, s5  }
0x2bd: {  	s8 =	sadd.s32 s8, s4;
	v3 =	vshll.u32 v2, $0x10  }
0x2be: {  	v2 =	vand.u32 $0xFFFF0000, v2;
	v4 =	vmov s8;
	v3 =	vmul.f32 v3, v1  }
0x2bf: {  	v1 =	vmul.f32 v2, v1  }
0x2c0: {  	[tilespmem:s6+$0x20] =	vst v3  }
0x2c1: {  	[tilespmem:s6+$0x30] =	vst v1  }
0x2c2: {  	v1 =	vld [tilespmem:s5+$0xFFFFFFE0]  }
0x2c3: {  	v2 =	vld.idx.msk [tilespmem:v4+s26+$0x0], $0xffff;
	_ =	sdelay $0x3  }
0x2c4: {  	v3 =	vshll.u32 v1, $0x10  }
0x2c5: {  	v1 =	vand.u32 $0xFFFF0000, v1;
	v3 =	vmul.f32 v3, v2  }
0x2c6: {  	s28 =	sadd.s32 $0x80, s28;
	v1 =	vmul.f32 v1, v2  }
0x2c7: {  	[tilespmem:s28+$0xFFFFFFC0] =	vst v3  }
0x2c8: {  	[tilespmem:s28+$0xFFFFFFD0] =	vst v1  }
0x2c9: {  	v1 =	vld [tilespmem:s5+$0xFFFFFFF0];
	_ =	sdelay $0x4  }
0x2ca: {  	v3 =	vshll.u32 v1, $0x10  }
0x2cb: {  	v1 =	vand.u32 $0xFFFF0000, v1;
	v3 =	vmul.f32 v3, v2  }
0x2cc: {  	v1 =	vmul.f32 v1, v2  }
0x2cd: {  	[tilespmem:s28+$0xFFFFFFE0] =	vst v3  }
0x2ce: {  	[tilespmem:s28+$0xFFFFFFF0] =	vst v1  }
0x2cf: {  	v1 =	vld [tilespmem:s5+$0x0];
	_ =	sdelay $0x4  }
0x2d0: {  	v3 =	vshll.u32 v1, $0x10  }
0x2d1: {  	v1 =	vand.u32 $0xFFFF0000, v1;
	v3 =	vmul.f32 v3, v2  }
0x2d2: {  	v1 =	vmul.f32 v1, v2  }
0x2d3: {  	[tilespmem:s28+$0x0] =	vst v3  }
0x2d4: {  	[tilespmem:s28+$0x10] =	vst v1  }
0x2d5: {  	v1 =	vld [tilespmem:s5+$0x10];
	_ =	sdelay $0x4  }
0x2d6: {  	v3 =	vshll.u32 v1, $0x10  }
0x2d7: {  	v1 =	vand.u32 $0xFFFF0000, v1;
	v3 =	vmul.f32 v3, v2  }
0x2d8: {  	s1 =	sshll.u32 s1, $0x6;
	v1 =	vmul.f32 v1, v2  }
0x2d9: {  	s1 =	sand.u32 $0x3FFFFFC0, s1;
	[tilespmem:s28+$0x20] =	vst v3  }
0x2da: {  	s1 =	sadd.s32 $0x1400, s1;
	[tilespmem:s28+$0x30] =	vst v1  }
0x2db: {  	[spmem:s2] =	stream.indirect.scatter.add.f32 [tilespmem:s22], [sflag:$0x5], $0x80, s1, s31, $0xb8;
	[tilespmem:$0x1E800] =	vst v63  }
0x2dc: {  	s6 =	simm.s32 @!p0 $0x4800;
	s5 =	simm.s32 @!p0 $0x40;
	s1 =	sadd.s32 @!p0 $0x180, s25  }
0x2dd: {  	[tilespmem:s6], [sflag:$0x3] =	stream.indirect.gather @!p0 [hbm4b:s7+s5], $0x40, s1, s5, $0xb8;
	[tilespmem:$0x1E800] =	vst v63  }
0x2de: {  	_ =	swait.ge [sflag:s15], $0x2000  }
0x2df: {  	s29 =	sadd.s32 $0x0, s21;
	[sflag:s15] =	ssyncset.done $0x0  }
0x2e0: {  	v1 =	vmov s29;
	[sflag:s15] =	ssyncadd.s32 $0xFFFFE000  }
0x2e1: {  	_ =	swait.ge [sflag:s16], $0x1000  }
0x2e2: {  	[sflag:s16] =	ssyncset.done $0x0  }
0x2e3: {  	s30 =	simm.s32 $0x5820;
	[sflag:s16] =	ssyncadd.s32 $0xFFFFF000  }
0x2e4: {  	v2 =	vld [tilespmem:s30+$0xFFFFFFE0]  }
0x2e5: {  	v1 =	vld.idx.msk [tilespmem:v1+s26+$0x0], $0xffff;
	_ =	sdelay $0x3  }
0x2e6: {  	v3 =	vshll.u32 v2, $0x10  }
0x2e7: {  	v2 =	vand.u32 $0xFFFF0000, v2;
	v3 =	vmul.f32 v3, v1  }
0x2e8: {  	s1 =	simm.s32 $0x8840;
	v2 =	vmul.f32 v2, v1  }
0x2e9: {  	[tilespmem:s1+$0xFFFFFFC0] =	vst v3  }
0x2ea: {  	[tilespmem:s1+$0xFFFFFFD0] =	vst v2  }
0x2eb: {  	v2 =	vld [tilespmem:s30+$0xFFFFFFF0];
	_ =	sdelay $0x4  }
0x2ec: {  	v3 =	vshll.u32 v2, $0x10  }
0x2ed: {  	v2 =	vand.u32 $0xFFFF0000, v2;
	v3 =	vmul.f32 v3, v1  }
0x2ee: {  	v2 =	vmul.f32 v2, v1  }
0x2ef: {  	[tilespmem:s1+$0xFFFFFFE0] =	vst v3  }
0x2f0: {  	[tilespmem:s1+$0xFFFFFFF0] =	vst v2  }
0x2f1: {  	v2 =	vld [tilespmem:s30+$0x0];
	_ =	sdelay $0x4  }
0x2f2: {  	v3 =	vshll.u32 v2, $0x10  }
0x2f3: {  	v2 =	vand.u32 $0xFFFF0000, v2;
	v3 =	vmul.f32 v3, v1  }
0x2f4: {  	v2 =	vmul.f32 v2, v1  }
0x2f5: {  	[tilespmem:s1+$0x0] =	vst v3  }
0x2f6: {  	[tilespmem:s1+$0x10] =	vst v2  }
0x2f7: {  	v2 =	vld [tilespmem:s30+$0x10];
	_ =	sdelay $0x1  }
0x2f8: {  	s18 =	simm.s32 $0x2  }
0x2f9: {  	s8 =	simm.s32 $0x1;
	s5 =	simm.s32 $0x5860;
	s6 =	simm.s32 $0x8840  }
.LBB2_22:
0x2fa: {  	s25 =	sadd.s32 s8, s21  }
0x2fb: {  	v3 =	vshll.u32 v2, $0x10;
	v2 =	vand.u32 $0xFFFF0000, v2;
	s1 =	sadd.s32 $0x80, s1;
	s8 =	smov.u32 s18;
	s10 =	sadd.s32 $0x1, s18  }
0x2fc: {  	p0 =	sne.s32 s18, $0x3F;
	v4 =	vmov s25;
	v3 =	vmul.f32 v3, v1;
	v1 =	vmul.f32 v2, v1;
	_ =	sdelay $0x1  }
0x2fd: {  	[tilespmem:s6+$0x20] =	vst v3  }
0x2fe: {  	[tilespmem:s6+$0x30] =	vst v1;
	s6 =	smov.u32 s1  }
0x2ff: {  	v2 =	vld [tilespmem:s5+$0xFFFFFFE0]  }
0x300: {  	v1 =	vld.idx.msk [tilespmem:v4+s26+$0x0], $0xffff;
	_ =	sdelay $0x4  }
0x301: {  	v3 =	vshll.u32 v2, $0x10;
	v2 =	vand.u32 $0xFFFF0000, v2  }
0x302: {  	v3 =	vmul.f32 v3, v1;
	v2 =	vmul.f32 v2, v1;
	_ =	sdelay $0x1  }
0x303: {  	[tilespmem:s1+$0xFFFFFFC0] =	vst v3  }
0x304: {  	[tilespmem:s1+$0xFFFFFFD0] =	vst v2  }
0x305: {  	v2 =	vld [tilespmem:s5+$0xFFFFFFF0];
	_ =	sdelay $0x4  }
0x306: {  	v3 =	vshll.u32 v2, $0x10;
	v2 =	vand.u32 $0xFFFF0000, v2  }
0x307: {  	v3 =	vmul.f32 v3, v1;
	v2 =	vmul.f32 v2, v1;
	_ =	sdelay $0x1  }
0x308: {  	[tilespmem:s1+$0xFFFFFFE0] =	vst v3  }
0x309: {  	[tilespmem:s1+$0xFFFFFFF0] =	vst v2  }
0x30a: {  	v2 =	vld [tilespmem:s5+$0x0];
	_ =	sdelay $0x4  }
0x30b: {  	v3 =	vshll.u32 v2, $0x10;
	v2 =	vand.u32 $0xFFFF0000, v2  }
0x30c: {  	v3 =	vmul.f32 v3, v1;
	v2 =	vmul.f32 v2, v1;
	_ =	sdelay $0x1  }
0x30d: {  	[tilespmem:s1+$0x0] =	vst v3  }
0x30e: {  	[tilespmem:s1+$0x10] =	vst v2  }
.Ltmp9:
0x30f: {  	v2 =	vld [tilespmem:s5+$0x10];
	(pc) =	sbr.rel @p0 .LBB2_22-.Ltmp9, $2  }
0x310: {  	_ =	sdelay $0x2  }
0x311: {  	s18 =	smov.u32 s10;
	s5 =	sadd.s32 $0x40, s5  }
0x312: {  	s8 =	sadd.s32 s8, s21;
	v3 =	vshll.u32 v2, $0x10  }
0x313: {  	v2 =	vand.u32 $0xFFFF0000, v2;
	v4 =	vmov s8;
	v3 =	vmul.f32 v3, v1  }
0x314: {  	v1 =	vmul.f32 v2, v1  }
0x315: {  	[tilespmem:s6+$0x20] =	vst v3  }
0x316: {  	[tilespmem:s6+$0x30] =	vst v1  }
0x317: {  	v1 =	vld [tilespmem:s5+$0xFFFFFFE0]  }
0x318: {  	v2 =	vld.idx.msk [tilespmem:v4+s26+$0x0], $0xffff;
	_ =	sdelay $0x3  }
0x319: {  	v3 =	vshll.u32 v1, $0x10  }
0x31a: {  	v1 =	vand.u32 $0xFFFF0000, v1;
	v3 =	vmul.f32 v3, v2  }
0x31b: {  	s1 =	sadd.s32 $0x80, s1;
	v1 =	vmul.f32 v1, v2  }
0x31c: {  	[tilespmem:s1+$0xFFFFFFC0] =	vst v3  }
0x31d: {  	[tilespmem:s1+$0xFFFFFFD0] =	vst v1  }
0x31e: {  	v1 =	vld [tilespmem:s5+$0xFFFFFFF0];
	_ =	sdelay $0x4  }
0x31f: {  	v3 =	vshll.u32 v1, $0x10  }
0x320: {  	v1 =	vand.u32 $0xFFFF0000, v1;
	v3 =	vmul.f32 v3, v2  }
0x321: {  	v1 =	vmul.f32 v1, v2  }
0x322: {  	[tilespmem:s1+$0xFFFFFFE0] =	vst v3  }
0x323: {  	[tilespmem:s1+$0xFFFFFFF0] =	vst v1  }
0x324: {  	v1 =	vld [tilespmem:s5+$0x0];
	_ =	sdelay $0x4  }
0x325: {  	v3 =	vshll.u32 v1, $0x10  }
0x326: {  	v1 =	vand.u32 $0xFFFF0000, v1;
	v3 =	vmul.f32 v3, v2  }
0x327: {  	v1 =	vmul.f32 v1, v2  }
0x328: {  	[tilespmem:s1+$0x0] =	vst v3  }
0x329: {  	[tilespmem:s1+$0x10] =	vst v1  }
0x32a: {  	v1 =	vld [tilespmem:s5+$0x10];
	_ =	sdelay $0x3  }
0x32b: {  	s24 =	sadd.s32 $0x1, s24  }
0x32c: {  	p0 =	sne.s32 s24, $0xA;
	v3 =	vshll.u32 v1, $0x10  }
.Ltmp10:
0x32d: {  	v1 =	vand.u32 $0xFFFF0000, v1;
	v3 =	vmul.f32 v3, v2;
	(pc) =	sbr.rel @p0 .LBB2_15-.Ltmp10, $4  }
0x32e: {  	v1 =	vmul.f32 v1, v2  }
0x32f: {  	s29 =	sshra.s32 s17, $0x2;
	s20 =	sadd.s32 $0x100, s20;
	s9 =	sadd.s32 $0x100, s9;
	[tilespmem:s1+$0x20] =	vst v3  }
0x330: {  	s4 =	sadd.s32 $0x100, s4;
	s21 =	sadd.s32 $0x100, s21;
	s30 =	sadd.s32 $0x1400, s29;
	[tilespmem:s1+$0x30] =	vst v1  }
0x331: {  	[spmem:s2] =	stream.indirect.scatter.add.f32 [tilespmem:s12], [sflag:$0x6], $0x80, s30, s31, $0xb8;
	[tilespmem:$0x1E800] =	vst v63  }
0x332: {  	s19 =	sadd.s32 $0x1, s19  }
0x333: {  	p0 =	sne.s32 s19, $0x4  }
.Ltmp11:
0x334: {  	_ = 	snop;
	(pc) =	sbr.rel @p0 .LBB2_4-.Ltmp11, $1  }
0x335: {  	_ =	sdelay $0x3  }
0x336: {  	_ =	swait.ge [sflag:s13], $0x2000  }
0x337: {  	[sflag:s13] =	ssyncset.done $0x0  }
0x338: {  	[sflag:s13] =	ssyncadd.s32 $0xFFFFE000  }
0x339: {  	_ =	swait.ge [sflag:s15], $0x2000  }
0x33a: {  	[sflag:s15] =	ssyncset.done $0x0  }
0x33b: {  	[sflag:s15] =	ssyncadd.s32 $0xFFFFE000  }
0x33c: {  	s1 =	stileid.u32;
	[bflag:$0x0] =	sbarrier.arrive $0xFFFF  }
0x33d: {  	s1 =	sshll.u32 s1, $0x6;
	s4 =	rddreg [dreg:$0xa]  }
0x33e: {  	s1 =	sor.u32 $0x1C07, s1;
	s5 =	rddreg [dreg:$0x15]  }
0x33f: {  	[hbm:s4], [sflag:s1] =	dma.local [spmem:s5], $0x2800  }
0x340: {  	_ =	swait.ge [sflag:s23], $0x2800  }
0x341: {  	s8 =	rddreg [dreg:$0x4]  }
0x342: {  	s30 =	rddreg [dreg:$0xb];
	s8 =	sadd.s32 $0x1, s8  }
0x343: {  	p0 =	sne.s32 s8, s30  }
.Ltmp12:
0x344: {  	_ = 	snop;
	(pc) =	sbr.rel @p0 .LBB2_1-.Ltmp12, $3  }
0x345: {  	_ =	sdelay $0x1  }
0x346: {  	[sflag:s23] =	ssyncset.done $0x0  }
0x347: {  	[sflag:s23] =	ssyncadd.s32 $0xFFFFD800  }
0x348: {  	_ =	sfence.sel $0x180000  }
0x349: {  	[bflag:$0x0] =	sbarrier.arrive $0xFFFF  }
0x34a: {  	_ =	strace $0x9000004D  }
0x34b: {  	s0 =	stileid.u32;
	[bflag:$0x2] =	sbarrier.arrive $0xFFFF  }
0x34c: {  	p0 =	sne.s32 s0, $0x0;
	s0 =	rddreg [dreg:$0x3]  }
0x34d: {  	s0 =	sadd.s32 @!p0 $0x100000, s0  }
0x34e: {  	[sflag:s0] =	ssyncadd.tile.s32 @!p0 $0x1;
	_ =	shalt  }
.Lfunc_end2:
_tile_overlayer_lowered:
.L_overlay_start_2:
0x34f: {  	(tag) =	ssettag $0x2  }
0x350: {  	s0 =	rddreg [dreg:$0x0];
	s2 =	stileid.u32  }
0x351: {  	s1 =	rddreg [dreg:$0x1];
	p0 =	sne.s32 s2, $0x0  }
0x352: {  	s3 =	rddreg [dreg:$0x2];
	[bflag:$0x3] =	sbarrier.arrive $0xFFFF;
	s2 =	simm.s32 @!p0 $0x1C07  }
0x353: {  	[timem:s3], [sflag:s2] =	dma.local @!p0 [hbm:s0], s1  }
0x354: {  	s0 =	simm.s32 @!p0 $0x7  }
0x355: {  	_ =	swait.ge @!p0 [sflag:s0], s1  }
0x356: {  	s1 =	ssub.s32 @!p0 $0x0, s1;
	[sflag:s0] =	ssyncset.done @!p0 $0x0  }
0x357: {  	[sflag:s0] =	ssyncadd.s32 @!p0 s1  }
0x358: {  	[bflag:$0x3] =	sbarrier.arrive $0xFFFF  }
0x359: {  	_ =	shalt  }

// kernel: kernel.7.cloned.1.call-start
scs
__scs_entry_jumppad:
0x0: {  	(pc) =	sbr.rel $0x88, $3  }
0x1: {  	(tag) =	ssettag $0x0;
	lr =	simm.s32 $0x1  }
0x2: {  	[smem:$0x3F93] =	sst lr;
	_ =	strace $0xD0000000  }
0x3: {  	_ = 	snop  }
0x4: {  	_ = 	snop  }
0x5: {  	_ = 	snop  }
0x6: {  	_ = 	snop  }
0x7: {  	_ = 	snop  }
__scs_overlays_trampoline_lowered:
0x8: {  	[smem:$0x3FA2] =	sst s0  }
0x9: {  	[smem:$0x3FA3] =	sst s1  }
0xa: {  	[smem:$0x3FA4] =	sst s2  }
0xb: {  	[smem:$0x3FA5] =	sst s3  }
0xc: {  	[smem:$0x3FA6] =	sst s4  }
0xd: {  	[smem:$0x3FA7] =	sst s5  }
0xe: {  	[smem:$0x3FA8] =	sst s6  }
0xf: {  	[smem:$0x3FA9] =	sst s7  }
0x10: {  	[smem:$0x3FAA] =	sst s8  }
0x11: {  	[smem:$0x3FAB] =	sst s9;
	s0 =	simm.s32 @!p0 $0x0  }
0x12: {  	s1 =	sld [smem:$0x3F91];
	s0 =	simm.s32 @p0 $0x1  }
0x13: {  	[smem:$0x3FAC] =	sst s0;
	s0 =	simm.s32 @!p1 $0x0  }
0x14: {  	s2 =	sld [smem:$0x3F90];
	s0 =	simm.s32 @p1 $0x1  }
0x15: {  	[smem:$0x3FAD] =	sst s0;
	s0 =	simm.s32 @!p2 $0x0  }
0x16: {  	s3 =	sld [smem:$0x3FDB];
	s0 =	simm.s32 @p2 $0x1  }
0x17: {  	s4 =	simm.s32 $0x1BF5;
	[smem:$0x3FAF] =	sst s0  }
0x18: {  	s0 =	sld [smem:$0x3F92];
	_ =	swait.ge [sflag:s4], $0x0  }
0x19: {  	s7 =	sld [smem:$0x3F93]  }
0x1a: {  	s8 =	sadd.s32 $0xFFFFE003, lr  }
0x1b: {  	s9 =	sadd.s32 $0xFFFFFEF7, lr;
	s5 =	simm.s32 $0xFFFFFFFF;
	p2 =	slt.u32 s8, $0xFFFFF086  }
0x1c: {  	p1 =	slt.u32 s9, $0xF7A;
	s5 =	simm.s32 @!p2 $0x0  }
0x1d: {  	s5 =	simm.s32 @p1 $0x1;
	p0 =	seq.s32 s7, s2  }
0x1e: {  	s7 =	smul.u32 @!p0 $0xF7A, s2;
	p2 =	seq.s32 @!p0 s5, $0x0  }
0x1f: {  	s9 =	smul.u32 $0xF7A, s1;
	s8 =	simm.s32 @!p0 $0x1BF5;
	p2 =	por !p2, p0  }
0x20: {  	[sflag:s8] =	ssyncset.s32 @!p0 $0xFFFFF086;
	s6 =	sadd.s32 @!p0 s3, s7;
	s7 =	simm.s32 @!p0 $0x108  }
0x21: {  	s3 =	sadd.s32 s3, s9;
	s6 =	sadd.s32 @!p0 $0x88, s6;
	s7 =	simm.s32 @p2 $0x1082  }
0x22: {  	[simem:s7], [sflag:s8] =	dma.local @!p0 [hbm:s6], $0xF7A  }
0x23: {  	s9 =	sor.u32 $0xD0000000, s2;
	s6 =	simm.s32 $0x108;
	_ =	swait.ge @!p0 [sflag:s8], $0x0  }
0x24: {  	s3 =	sadd.s32 $0x88, s3;
	s6 =	simm.s32 @!p1 $0x1082;
	[sflag:s4] =	ssyncset.s32 $0xFFFFF086  }
0x25: {  	[simem:s6], [sflag:s4] =	dma.local [hbm:s3], $0xF7A  }
0x26: {  	[smem:$0x3F93] =	sst s1;
	(tag) =	ssettag s2;
	_ =	strace s9  }
0x27: {  	s1 =	sld [smem:$0x3FA3]  }
0x28: {  	s2 =	sld [smem:$0x3FA4]  }
0x29: {  	s4 =	sld [smem:$0x3FA6]  }
0x2a: {  	p0 =	seq.s32 s5, $0x0;
	s5 =	sld [smem:$0x3FA7]  }
0x2b: {  	s6 =	sld [smem:$0x3FA8]  }
0x2c: {  	s7 =	sld [smem:$0x3FA9]  }
0x2d: {  	s3 =	simm.s32 $0x108;
	s8 =	sld [smem:$0x3FAA]  }
0x2e: {  	s3 =	simm.s32 @!p0 $0x1082;
	s9 =	sld [smem:$0x3FAB]  }
0x2f: {  	lr =	sadd.s32 s0, s3;
	s0 =	sld [smem:$0x3FA2]  }
0x30: {  	s3 =	sld [smem:$0x3FA5]  }
0x31: {  	[smem:$0x3FAE] =	sst s10  }
0x32: {  	s10 =	sld [smem:$0x3FAC];
	_ =	sdelay $0x3  }
0x33: {  	p0 =	seq.s32 s10, $0x1;
	s10 =	sld [smem:$0x3FAE];
	_ =	sdelay $0x3  }
0x34: {  	[smem:$0x3FAE] =	sst s10  }
0x35: {  	s10 =	sld [smem:$0x3FAD];
	_ =	sdelay $0x3  }
0x36: {  	p1 =	seq.s32 s10, $0x1;
	s10 =	sld [smem:$0x3FAE];
	_ =	sdelay $0x3  }
0x37: {  	[smem:$0x3FAE] =	sst s10  }
0x38: {  	s10 =	sld [smem:$0x3FAF]  }
0x39: {  	_ = 	snop;
	(pc) =	sbr.ind lr, $3  }
0x3a: {  	_ = 	snop  }
0x3b: {  	_ = 	snop  }
0x3c: {  	p2 =	seq.s32 s10, $0x1;
	s10 =	sld [smem:$0x3FAE]  }
0x3d: {  	_ =	shalt  }
0x3e: {  	_ =	shalt  }
0x3f: {  	_ =	shalt  }
0x40: {  	_ =	shalt  }
0x41: {  	_ =	shalt  }
0x42: {  	_ =	shalt  }
0x43: {  	_ =	shalt  }
0x44: {  	_ =	shalt  }
0x45: {  	_ =	shalt  }
0x46: {  	_ =	shalt  }
0x47: {  	_ =	shalt  }
0x48: {  	_ =	shalt  }
0x49: {  	_ =	shalt  }
0x4a: {  	_ =	shalt  }
0x4b: {  	_ =	shalt  }
0x4c: {  	_ =	shalt  }
0x4d: {  	_ =	shalt  }
0x4e: {  	_ =	shalt  }
0x4f: {  	_ =	shalt  }
0x50: {  	_ =	shalt  }
0x51: {  	_ =	shalt  }
0x52: {  	_ =	shalt  }
0x53: {  	_ =	shalt  }
0x54: {  	_ =	shalt  }
0x55: {  	_ =	shalt  }
0x56: {  	_ =	shalt  }
0x57: {  	_ =	shalt  }
0x58: {  	_ =	shalt  }
0x59: {  	_ =	shalt  }
0x5a: {  	_ =	shalt  }
0x5b: {  	_ =	shalt  }
0x5c: {  	_ =	shalt  }
0x5d: {  	_ =	shalt  }
0x5e: {  	_ =	shalt  }
0x5f: {  	_ =	shalt  }
0x60: {  	_ =	shalt  }
0x61: {  	_ =	shalt  }
0x62: {  	_ =	shalt  }
0x63: {  	_ =	shalt  }
0x64: {  	_ =	shalt  }
0x65: {  	_ =	shalt  }
0x66: {  	_ =	shalt  }
0x67: {  	_ =	shalt  }
0x68: {  	_ =	shalt  }
0x69: {  	_ =	shalt  }
0x6a: {  	_ =	shalt  }
0x6b: {  	_ =	shalt  }
0x6c: {  	_ =	shalt  }
0x6d: {  	_ =	shalt  }
0x6e: {  	_ =	shalt  }
0x6f: {  	_ =	shalt  }
0x70: {  	_ =	shalt  }
0x71: {  	_ =	shalt  }
0x72: {  	_ =	shalt  }
0x73: {  	_ =	shalt  }
0x74: {  	_ =	shalt  }
0x75: {  	_ =	shalt  }
0x76: {  	_ =	shalt  }
0x77: {  	_ =	shalt  }
0x78: {  	_ =	shalt  }
0x79: {  	_ =	shalt  }
0x7a: {  	_ =	shalt  }
0x7b: {  	_ =	shalt  }
0x7c: {  	_ =	shalt  }
0x7d: {  	_ =	shalt  }
0x7e: {  	_ =	shalt  }
0x7f: {  	_ =	shalt  }
0x80: {  	_ =	shalt  }
0x81: {  	_ =	shalt  }
0x82: {  	_ =	shalt  }
0x83: {  	_ =	shalt  }
0x84: {  	_ =	shalt  }
0x85: {  	_ =	shalt  }
0x86: {  	_ =	shalt  }
0x87: {  	_ =	shalt  }
.Lfunc_end0:
.L_simem_size_0:
called_computation_lowered:
.L_overlay_start_0:
0x88: {  	s2 =	sld [smem:$0x3FD9]  }
0x89: {  	s3 =	sld [smem:$0x3FFE];
	_ =	sdelay $0x1  }
0x8a: {  	s1 =	srdreg.scid  }
0x8b: {  	s0 =	sand.u32 $0x1, s1  }
0x8c: {  	s17 =	sshll.u32 s0, $0xA;
	s2 =	sadd.s32 s3, s2  }
0x8d: {  	s2 =	sadd.s32 s2, s17  }
0x8e: {  	[smem:$0x3FBA] =	sst s2  }
0x8f: {  	_ = 	snop  }
0x90: {  	s2 =	sld [smem:$0x3FD0];
	(tm) =	ssettm $0x1  }
0x91: {  	s18 =	sld [smem:$0x3FFB];
	_ =	sdelay $0x3  }
0x92: {  	_ =	strace s18  }
0x93: {  	s3 =	sld [smem:$0x3FFC];
	_ =	sdelay $0x3  }
0x94: {  	_ =	strace s3  }
0x95: {  	s3 =	sld [smem:$0x3FFD];
	_ =	sdelay $0x3  }
0x96: {  	_ =	strace s3  }
0x97: {  	_ =	strace $0x8FFFFFFF  }
0x98: {  	s19 =	sld [smem:$0x3FDB];
	_ =	sdelay $0x1  }
0x99: {  	s4 =	simm.s32 $_scs_section_size  }
0x9a: {  	s5 =	simm.s32 $_size__tile_overlayer_lowered;
	s6 =	simm.s32 $_tile_overlayer_lowered  }
0x9b: {  	s22 =	simm.s32 $0x1BFF;
	s21 =	sshll.u32 s6, $0x1;
	s3 =	sadd.s32 s4, s19  }
0x9c: {  	s7 =	simm.s32 $0x0;
	s20 =	sshll.u32 s5, $0x1;
	s5 =	sadd.s32 s21, s3  }
0x9d: {  	[timem:s7], [sflag:s22] =	dma.local [hbm:s5], s20  }
0x9e: {  	_ =	swait.ge [sflag:s22], s20  }
0x9f: {  	s4 =	ssub.s32 $0x0, s20;
	[sflag:s22] =	ssyncset.done $0x0  }
0xa0: {  	[sflag:s22] =	ssyncadd.s32 s4;
	_ =	sdelay $0x1  }
0xa1: {  	s23 =	simm.s32 $0x1B8B  }
0xa2: {  	_ =	swait.ge [sflag:s23], $0x1  }
0xa3: {  	[sflag:s23] =	ssyncset.done $0x0  }
0xa4: {  	s25 =	simm.s32 $0x1B8E;
	s24 =	sld [smem:$0x3FFE];
	[sflag:s23] =	ssyncadd.s32 $0xFFFFFFFF  }
0xa5: {  	s26 =	simm.s32 $execute0_lowered;
	[smem:$0x3FD2] =	sst s25  }
0xa6: {  	s5 =	sshll.u32 s26, $0x1;
	_ =	strace $0x80000046;
	[dreg:$0x1] =	wrdreg $0xFFFFFFFF  }
0xa7: {  	s28 =	simm.s32 $_size_execute0_lowered;
	s3 =	sadd.s32 s3, s5;
	[dreg:$0x0] =	wrdreg $0x0  }
0xa8: {  	s5 =	sshll.u32 s28, $0x1;
	[dreg:$0x2] =	wrdreg s3  }
0xa9: {  	[dreg:$0x3] =	wrdreg s5  }
0xaa: {  	[dreg:$0x4] =	wrdreg $0xC0  }
0xab: {  	_ =	task [dreg:s7], $0x5FFFF  }
0xac: {  	[dreg:$0x1] =	wrdreg $0xFFFFFFFF  }
0xad: {  	[dreg:$0x0] =	wrdreg $0x60  }
0xae: {  	[dreg:$0x2] =	wrdreg s24  }
0xaf: {  	[dreg:$0x3] =	wrdreg s2  }
0xb0: {  	[dreg:$0x4] =	wrdreg $0x50800  }
0xb1: {  	[dreg:$0x5] =	wrdreg $0x9  }
0xb2: {  	_ =	task.clear_ibuf [dreg:s7], $0x6FFFF;
	_ =	strace $0x90000046  }
0xb3: {  	s29 =	simm.s32 $0x9;
	_ =	strace $0x80000048  }
0xb4: {  	_ =	swait.ge [sflag:s29], $0x1  }
0xb5: {  	[sflag:s29] =	ssyncadd.s32 $0xFFFFFFFF  }
0xb6: {  	_ =	strace $0x90000048  }
0xb7: {  	_ =	sfence  }
0xb8: {  	s30 =	sld [smem:$0x0];
	_ =	sdelay $0x2  }
0xb9: {  	s31 =	sshll.u32 s1, $0xD;
	s1 =	sshrl.u32 s1, $0x2  }
0xba: {  	s3 =	sand.u32 $0x4000, s31;
	s1 =	sadd.s32 s1, s30  }
0xbb: {  	s0 =	sor.u32 s3, s0;
	s1 =	sshll.u32 s1, $0x11  }
0xbc: {  	s0 =	sor.u32 s1, s0  }
0xbd: {  	s0 =	sadd.s32 $0x8F2B, s0  }
0xbe: {  	[sflag:s0] =	ssyncadd.remote.s32 $0x1  }
0xbf: {  	_ =	sfence.sel $0xFFFF  }
0xc0: {  	[dreg:$0x0] =	wrdreg $0xFFFFFFFF;
	(pc) =	sbr.abs _section_cstart, $3  }
0xc1: {  	[dreg:$0x1] =	wrdreg $0xFFFFFFFF  }
0xc2: {  	_ =	task.clear_ibuf [dreg:s7], $0x2FFFF;
	_ =	strace $0x9FFFFFFF  }
0xc3: {  	(tm) =	ssettm $0x7FFFFFFF  }
tec
execute0_lowered:
.L_overlay_start_1:
0x0: {  	(tag) =	ssettag $0x1  }
0x1: {  	s4 =	rddreg [dreg:$0x0]  }
0x2: {  	s5 =	rddreg [dreg:$0x1]  }
0x3: {  	s2 =	rddreg [dreg:$0x2];
	s3 =	srdreg.scid  }
0x4: {  	s0 =	rddreg [dreg:$0x3];
	s1 =	stileid.u32;
	s13 =	simm.s32 $0x1  }
0x5: {  	s14 =	simm.s32 $0x2800;
	s15 =	simm.s32 $0x5000;
	s16 =	simm.s32 $0x80  }
0x6: {  	s19 =	simm.s32 $0x20;
	s20 =	simm.s32 $0x10;
	s21 =	simm.s32 $0x0  }
0x7: {  	s6 =	sand.u32 $0x1, s3;
	s3 =	simm.s32 $0x0;
	s8 =	smul.u32 $0x500, s1  }
0x8: {  	s30 =	smul.u32 $0xA00, s1;
	s17 =	sshll.u32 s1, $0x6;
	s7 =	sshll.u32 s6, $0x4  }
0x9: {  	[smem:$0x7FF] =	sst s3;
	s9 =	sshll.u32 s6, $0x7;
	s6 =	ssub.s32 $0x2, s6  }
0xa: {  	s17 =	sor.u32 $0x1C01, s17;
	s7 =	sor.u32 s1, s7;
	_ =	strace $0x80000047  }
0xb: {  	s8 =	sor.u32 s9, s8;
	s31 =	sshrl.u32 s6, $0x1;
	s7 =	smul.u32 $0x500, s7  }
0xc: {  	s9 =	sshrl.u32 s30, $0x2;
	s8 =	sshrl.u32 s8, $0x3;
	s11 =	ssub.s32 s6, s31  }
0xd: {  	s8 =	sadd.s32 s8, s4;
	s10 =	sadd.s32 s7, s4;
	s5 =	sadd.s32 s5, s7  }
0xe: {  	s6 =	sadd.s32 $0xD400, s8;
	s7 =	sadd.s32 s9, s2;
	s8 =	smax.u32 s11, $0x1  }
0xf: {  	s4 =	sadd.s32 $0x3400, s10;
	s9 =	sadd.s32 $0x80, s7;
	s10 =	sadd.s32 $0x100, s7  }
0x10: {  	v0 =	vimm.f32 $0.0e+00;
	s11 =	sadd.s32 $0x180, s7;
	s12 =	sadd.s32 $0x200, s7;
	s18 =	sshrl.u32 s7, $0x3  }
.LBB2_1:
0x11: {  	[tilespmem:s3], [sflag:$0x1] =	stream.linear.gather [hbm4b:s4+s3], $0x2800, $0x38;
	[tilespmem:$0x5300] =	vst v63  }
0x12: {  	_ =	swait.ge [sflag:s13], $0x2800  }
0x13: {  	[sflag:s13] =	ssyncset.done $0x0  }
0x14: {  	[sflag:s13] =	ssyncadd.s32 $0xFFFFD800  }
0x15: {  	[tilespmem:s14], [sflag:$0x1] =	stream.linear.gather [hbm4b:s5+s3], $0x2800, $0x38;
	[tilespmem:$0x5300] =	vst v63  }
0x16: {  	_ =	swait.ge [sflag:s13], $0x2800  }
0x17: {  	[sflag:s13] =	ssyncset.done $0x0  }
0x18: {  	[sflag:s13] =	ssyncadd.s32 $0xFFFFD800  }
0x19: {  	[tilespmem:$0x5000] =	vst v0  }
0x1a: {  	[tilespmem:$0x5010] =	vst v0  }
0x1b: {  	[tilespmem:$0x5020] =	vst v0  }
0x1c: {  	[tilespmem:$0x5030] =	vst v0  }
0x1d: {  	[tilespmem:$0x5040] =	vst v0  }
0x1e: {  	[tilespmem:$0x5050] =	vst v0  }
0x1f: {  	[tilespmem:$0x5060] =	vst v0  }
0x20: {  	[tilespmem:$0x5070] =	vst v0  }
0x21: {  	[spmem:s7] =	stream.linear.scatter [tilespmem:s15], [sflag:$0x1], $0x80, $0x38;
	[tilespmem:$0x5300] =	vst v63  }
0x22: {  	_ =	swait.ge [sflag:s13], $0x80  }
0x23: {  	[sflag:s13] =	ssyncset.done $0x0  }
0x24: {  	[sflag:s13] =	ssyncadd.s32 $0xFFFFFF80  }
0x25: {  	[spmem:s9] =	stream.linear.scatter [tilespmem:s15], [sflag:$0x1], $0x80, $0x38;
	[tilespmem:$0x5300] =	vst v63  }
0x26: {  	_ =	swait.ge [sflag:s13], $0x80  }
0x27: {  	[sflag:s13] =	ssyncset.done $0x0  }
0x28: {  	[sflag:s13] =	ssyncadd.s32 $0xFFFFFF80  }
0x29: {  	[spmem:s10] =	stream.linear.scatter [tilespmem:s15], [sflag:$0x1], $0x80, $0x38;
	[tilespmem:$0x5300] =	vst v63  }
0x2a: {  	_ =	swait.ge [sflag:s13], $0x80  }
0x2b: {  	[sflag:s13] =	ssyncset.done $0x0  }
0x2c: {  	[sflag:s13] =	ssyncadd.s32 $0xFFFFFF80  }
0x2d: {  	[spmem:s11] =	stream.linear.scatter [tilespmem:s15], [sflag:$0x1], $0x80, $0x38;
	[tilespmem:$0x5300] =	vst v63  }
0x2e: {  	_ =	swait.ge [sflag:s13], $0x80  }
0x2f: {  	[sflag:s13] =	ssyncset.done $0x0  }
0x30: {  	[sflag:s13] =	ssyncadd.s32 $0xFFFFFF80  }
0x31: {  	[spmem:s12] =	stream.linear.scatter [tilespmem:s15], [sflag:$0x1], $0x80, $0x38;
	[tilespmem:$0x5300] =	vst v63  }
0x32: {  	_ =	swait.ge [sflag:s13], $0x80  }
0x33: {  	[sflag:s13] =	ssyncset.done $0x0  }
0x34: {  	[sflag:s13] =	ssyncadd.s32 $0xFFFFFF80  }
0x35: {  	s22 =	simm.s32 $0x0;
	s23 =	simm.s32 $0x2800;
	[bflag:$0x0] =	sbarrier.arrive $0xFFFF  }
0x36: {  	[spmem:s2] =	stream.indirect.scatter.add.f32 [tilespmem:s23], [sflag:$0x1], $0x1, s22, s16, $0xb8;
	[tilespmem:$0x5300] =	vst v63  }
0x37: {  	s22 =	simm.s32 $0x200;
	_ =	swait.ge [sflag:s13], $0x80  }
.LBB2_2:
0x38: {  	s23 =	sshra.s32 s22, $0x2;
	[sflag:s13] =	ssyncset.done $0x0;
	p0 =	sne.s32 s22, $0x9E00  }
.Ltmp0:
0x39: {  	s24 =	sadd.s32 $0x2800, s23;
	[sflag:s13] =	ssyncadd.s32 $0xFFFFFF80;
	(pc) =	sbr.rel @p0 .LBB2_2-.Ltmp0, $3  }
0x3a: {  	[spmem:s2] =	stream.indirect.scatter.add.f32 [tilespmem:s24], [sflag:$0x1], $0x1, s23, s16, $0xb8;
	[tilespmem:$0x5300] =	vst v63  }
0x3b: {  	s22 =	sadd.s32 $0x200, s22;
	_ =	sdelay $0x1  }
0x3c: {  	_ =	swait.ge [sflag:s13], $0x80  }
0x3d: {  	[sflag:s13] =	ssyncset.done $0x0;
	s21 =	sadd.s32 $0x1, s21  }
0x3e: {  	[sflag:s13] =	ssyncadd.s32 $0xFFFFFF80;
	p0 =	sne.s32 s21, s8  }
.Ltmp1:
0x3f: {  	[bflag:$0x0] =	sbarrier.arrive $0xFFFF;
	(pc) =	sbr.rel @p0 .LBB2_1-.Ltmp1, $4  }
0x40: {  	[hbm:s6@s19], [sflag:s17] =	dma.strided [spmem:s18@s20], $0x50, s13, $0x10   }
0x41: {  	_ =	swait.ge [sflag:s13], $0x50  }
0x42: {  	[sflag:s13] =	ssyncset.done $0x0  }
0x43: {  	[sflag:s13] =	ssyncadd.s32 $0xFFFFFFB0  }
0x44: {  	_ =	sfence.sel $0x180000  }
0x45: {  	[bflag:$0x0] =	sbarrier.arrive $0xFFFF  }
0x46: {  	p0 =	sne.s32 s1, $0x0;
	_ =	strace $0x90000047  }
0x47: {  	s0 =	sadd.s32 @!p0 $0x100000, s0;
	[bflag:$0x2] =	sbarrier.arrive $0xFFFF  }
0x48: {  	[sflag:s0] =	ssyncadd.tile.s32 @!p0 $0x1;
	_ =	shalt  }
.Lfunc_end2:
_tile_overlayer_lowered:
.L_overlay_start_2:
0x49: {  	(tag) =	ssettag $0x2  }
0x4a: {  	s0 =	rddreg [dreg:$0x0];
	s2 =	stileid.u32  }
0x4b: {  	s1 =	rddreg [dreg:$0x1];
	p0 =	sne.s32 s2, $0x0  }
0x4c: {  	s3 =	rddreg [dreg:$0x2];
	[bflag:$0x3] =	sbarrier.arrive $0xFFFF;
	s2 =	simm.s32 @!p0 $0x1C01  }
0x4d: {  	[timem:s3], [sflag:s2] =	dma.local @!p0 [hbm:s0], s1  }
0x4e: {  	s0 =	simm.s32 @!p0 $0x1  }
0x4f: {  	_ =	swait.ge @!p0 [sflag:s0], s1  }
0x50: {  	s1 =	ssub.s32 @!p0 $0x0, s1;
	[sflag:s0] =	ssyncset.done @!p0 $0x0  }
0x51: {  	[sflag:s0] =	ssyncadd.s32 @!p0 s1  }
0x52: {  	[bflag:$0x3] =	sbarrier.arrive $0xFFFF  }
0x53: {  	_ =	shalt  }

</sc_bundles>
